<compile_context>
chip_gen: v7x
topology: tpu7x:2x2x1
jax: 0.10.2.dev20260603
libtpu: 0.0.44.dev20260713+nightly
codegen_flags: <defaults>
</compile_context>

<pallas_src>
import functools

import numpy as np
import jax
import jax.numpy as jnp
from jax import lax
from jax.experimental import pallas as pl
from jax.experimental.pallas import tpu as pltpu
from jax.experimental.pallas import tpu_sc as plsc

_S = 512
_RADII = (0.1, 0.2, 0.4)
_KS = (16, 32, 128)
_B, _N, _D = 4, 8192, 32
_CF = 128
_ROWS = _B * _S
_RBLK = 2048



def _fps_body(xyz_ref, out_ref):
    X = xyz_ref[:, 0]
    Y = xyz_ref[:, 1]
    Z = xyz_ref[:, 2]
    flat = (lax.broadcasted_iota(jnp.int32, (_B, 64, 128), 1) * 128
            + lax.broadcasted_iota(jnp.int32, (_B, 64, 128), 2))

    def red(a):
        return jnp.min(jnp.min(a, axis=2, keepdims=True), axis=1, keepdims=True)

    def body(i, carry):
        dist, far = carry
        onehot = flat == far
        cx = jnp.sum(jnp.sum(jnp.where(onehot, X, 0.0), axis=2, keepdims=True),
                     axis=1, keepdims=True)
        cy = jnp.sum(jnp.sum(jnp.where(onehot, Y, 0.0), axis=2, keepdims=True),
                     axis=1, keepdims=True)
        cz = jnp.sum(jnp.sum(jnp.where(onehot, Z, 0.0), axis=2, keepdims=True),
                     axis=1, keepdims=True)
        out_ref[:, pl.ds(i, 1), :] = jnp.concatenate([cx, cy, cz], axis=2)
        dx = X - cx
        dy = Y - cy
        dz = Z - cz
        d = dx * dx + dy * dy + dz * dz
        dist = jnp.minimum(dist, d)
        m = jnp.max(jnp.max(dist, axis=2, keepdims=True), axis=1, keepdims=True)
        far = red(jnp.where(dist == m, flat, _N))
        return dist, far

    dist0 = jnp.full((_B, 64, 128), 1e10, jnp.float32)
    far0 = jnp.zeros((_B, 1, 1), jnp.int32)
    lax.fori_loop(0, _S, body, (dist0, far0))


def _fps(xyz):
    return pl.pallas_call(
        _fps_body,
        out_shape=jax.ShapeDtypeStruct((_B, _S, 3), jnp.float32),
    )(xyz.reshape(_B, 3, 64, 128))



_NTILES = 32
_ROWS_PER_TILE = _ROWS // _NTILES


def _splat_last(v):
    return lax.gather(
        v, jnp.full((16, 1), 15, jnp.int32),
        lax.GatherDimensionNumbers(
            offset_dims=(), collapsed_slice_dims=(0,), start_index_map=(0,)),
        (1,), mode=lax.GatherScatterMode.PROMISE_IN_BOUNDS)


def _scan_kernel(mask_hbm, feat_hbm, x1, x2, x3, drow, b1, b2, b3,
                 g1, g2, g3, sem):
    w = lax.axis_index("s") * 2 + lax.axis_index("c")
    row0 = w * _ROWS_PER_TILE
    boff = (w // 8) * _N
    lane = lax.iota(jnp.int32, 16)
    bufs = (b1, b2, b3)
    gbufs = (g1, g2, g3)
    xouts = (x1, x2, x3)
    zero16 = jnp.zeros((16,), jnp.int32)

    def row_body(r, _):
        row = row0 + r
        pltpu.sync_copy(mask_hbm.at[pl.ds(row * 64, 64)], drow)
        for j in range(3):
            bufs[j][pl.ds(0, 16)] = jnp.full((16,), _N - 1, jnp.int32) + boff

        def step(i, cnts):
            d = drow[i >> 3, pl.ds((i & 7) * 16, 16)]
            idxv = lane + (i * 16 + boff)
            new = []
            for j in range(3):
                k = _KS[j]
                m = ((d >> j) & 1) == 1
                cs = plsc.cumsum(jnp.where(m, 1, 0))
                wm = jnp.logical_and(m, cnts[j] < k)
                pos = jnp.minimum(cnts[j] + cs - 1, k + 15)
                plsc.store_scatter(bufs[j], [pos], idxv, mask=wm)
                new.append(cnts[j] + _splat_last(cs))
            return tuple(new)

        cnts = lax.fori_loop(0, _N // 16, step, (zero16, zero16, zero16))
        for j in range(3):
            k = _KS[j]
            total = jnp.minimum(cnts[j], k)
            first = plsc.load_gather(bufs[j], [zero16])
            for c in range(k // 16):
                v = bufs[j][pl.ds(c * 16, 16)]
                v = jnp.where(lane + c * 16 < total, v, first)
                bufs[j][pl.ds(c * 16, 16)] = v
            pltpu.async_copy(feat_hbm.at[bufs[j].at[pl.ds(0, k)]],
                             gbufs[j], sem).wait()
            pltpu.sync_copy(gbufs[j], xouts[j].at[pl.ds(row * k, k)])
        return 0

    lax.fori_loop(0, _ROWS_PER_TILE, row_body, 0)


def _ball_query_gather(dist, feat):
    mesh = plsc.VectorSubcoreMesh(core_axis_name="c", subcore_axis_name="s")
    f = pl.kernel(
        _scan_kernel,
        out_type=[jax.ShapeDtypeStruct((_ROWS * k, _CF), jnp.float32)
                  for k in _KS],
        mesh=mesh,
        compiler_params=pltpu.CompilerParams(
            use_tc_tiling_on_sc=False, needs_layout_passes=False),
        scratch_types=[
            pltpu.VMEM((64, 128), jnp.int32),
            pltpu.VMEM((_KS[0] + 16,), jnp.int32),
            pltpu.VMEM((_KS[1] + 16,), jnp.int32),
            pltpu.VMEM((_KS[2] + 16,), jnp.int32),
            pltpu.VMEM((_KS[0], _CF), jnp.float32),
            pltpu.VMEM((_KS[1], _CF), jnp.float32),
            pltpu.VMEM((_KS[2], _CF), jnp.float32),
            pltpu.SemaphoreType.DMA,
        ],
    )
    return f(dist, feat)




def _mlp_body(k, depth, final, x_ref, nx_ref, *rest):
    nw = depth
    w_refs = rest[:nw]
    bgb_refs = rest[nw:2 * nw]
    st_refs = rest[2 * nw:3 * nw - 1]
    out_ref = rest[-1]
    m = _RBLK // k
    ntot = np.float32(_B * _S * k)

    x = x_ref[...]
    nx = nx_ref[...]
    off = jnp.concatenate(
        [jnp.zeros((m, 32), jnp.float32), nx,
         jnp.zeros((m, _CF - 35), jnp.float32)], axis=1)
    h = (x.reshape(m, k, _CF) - off[:, None, :]).reshape(_RBLK, _CF)
    pre = None
    for l in range(depth):
        if l > 0:
            s = st_refs[l - 1][...]
            mu = s[0:1, :] / ntot
            var = s[1:2, :] / ntot - mu * mu
            gamma = bgb_refs[l - 1][1:2, :]
            beta = bgb_refs[l - 1][2:3, :]
            a = gamma / jnp.sqrt(var + 1e-5)
            dvec = beta - mu * a
            h = jnp.maximum(pre * a + dvec, 0.0)
        pre = (jnp.dot(h, w_refs[l][...], preferred_element_type=jnp.float32)
               + bgb_refs[l][0:1, :])
    ps = jnp.sum(pre, axis=0, keepdims=True)
    ps2 = jnp.sum(pre * pre, axis=0, keepdims=True)

    @pl.when(pl.program_id(0) == 0)
    def _():
        out_ref[...] = jnp.zeros(out_ref.shape, out_ref.dtype)

    out_ref[0:1, :] += ps
    out_ref[1:2, :] += ps2


def _mlp_final_body(k, x_ref, nx_ref, w1, w2, w3, b1, b2, b3, s1, s2, s3,
                    out_ref):
    m = _RBLK // k
    ntot = np.float32(_B * _S * k)
    x = x_ref[...]
    nx = nx_ref[...]
    off = jnp.concatenate(
        [jnp.zeros((m, 32), jnp.float32), nx,
         jnp.zeros((m, _CF - 35), jnp.float32)], axis=1)
    h = (x.reshape(m, k, _CF) - off[:, None, :]).reshape(_RBLK, _CF)
    for w_ref, bgb_ref, st_ref in ((w1, b1, s1), (w2, b2, s2), (w3, b3, s3)):
        pre = (jnp.dot(h, w_ref[...], preferred_element_type=jnp.float32)
               + bgb_ref[0:1, :])
        s = st_ref[...]
        mu = s[0:1, :] / ntot
        var = s[1:2, :] / ntot - mu * mu
        a = bgb_ref[1:2, :] / jnp.sqrt(var + 1e-5)
        dvec = bgb_ref[2:3, :] - mu * a
        h = jnp.maximum(pre * a + dvec, 0.0)
    c3 = h.shape[1]
    out_ref[...] = jnp.max(h.reshape(m, k, c3), axis=1)


def _stats_pass(k, depth, x, nx_flat, ws, bgbs, stats):
    rows = x.shape[0]
    m = _RBLK // k
    grid = (rows // _RBLK,)
    cs = [w.shape[1] for w in ws]
    in_specs = [
        pl.BlockSpec((_RBLK, _CF), lambda i: (i, 0)),
        pl.BlockSpec((m, 3), lambda i: (i, 0)),
    ]
    args = [x, nx_flat]
    for w in ws[:depth]:
        in_specs.append(pl.BlockSpec(w.shape, lambda i: (0, 0)))
        args.append(w)
    for b in bgbs[:depth]:
        in_specs.append(pl.BlockSpec(b.shape, lambda i: (0, 0)))
        args.append(b)
    for s in stats:
        in_specs.append(pl.BlockSpec(s.shape, lambda i: (0, 0)))
        args.append(s)
    return pl.pallas_call(
        functools.partial(_mlp_body, k, depth, False),
        grid=grid,
        in_specs=in_specs,
        out_specs=pl.BlockSpec((8, cs[depth - 1]), lambda i: (0, 0)),
        out_shape=jax.ShapeDtypeStruct((8, cs[depth - 1]), jnp.float32),
    )(*args)


def _final_pass(k, x, nx_flat, ws, bgbs, stats):
    rows = x.shape[0]
    m = _RBLK // k
    grid = (rows // _RBLK,)
    c3 = ws[2].shape[1]
    in_specs = [
        pl.BlockSpec((_RBLK, _CF), lambda i: (i, 0)),
        pl.BlockSpec((m, 3), lambda i: (i, 0)),
    ]
    args = [x, nx_flat]
    for w in ws:
        in_specs.append(pl.BlockSpec(w.shape, lambda i: (0, 0)))
        args.append(w)
    for b in bgbs:
        in_specs.append(pl.BlockSpec(b.shape, lambda i: (0, 0)))
        args.append(b)
    for s in stats:
        in_specs.append(pl.BlockSpec(s.shape, lambda i: (0, 0)))
        args.append(s)
    return pl.pallas_call(
        functools.partial(_mlp_final_body, k),
        grid=grid,
        in_specs=in_specs,
        out_specs=pl.BlockSpec((m, c3), lambda i: (i, 0)),
        out_shape=jax.ShapeDtypeStruct((_ROWS, c3), jnp.float32),
    )(*args)


def _branch(k, x, nx_flat, layers):
    ws, bgbs = [], []
    for (W, bb, gamma, beta) in layers:
        wt = W.T
        if wt.shape[0] == 35:
            wt = jnp.concatenate(
                [wt, jnp.zeros((_CF - 35, wt.shape[1]), jnp.float32)], axis=0)
        ws.append(wt)
        c = W.shape[0]
        bgb = jnp.concatenate([
            bb[None, :], gamma[None, :], beta[None, :],
            jnp.zeros((5, c), jnp.float32)], axis=0)
        bgbs.append(bgb)
    s1 = _stats_pass(k, 1, x, nx_flat, ws, bgbs, [])
    s2 = _stats_pass(k, 2, x, nx_flat, ws, bgbs, [s1])
    s3 = _stats_pass(k, 3, x, nx_flat, ws, bgbs, [s1, s2])
    return _final_pass(k, x, nx_flat, ws, bgbs, [s1, s2, s3])



def kernel(xyz, points, params):
    xyz = xyz.astype(jnp.float32)
    points = points.astype(jnp.float32)
    new_xyz = _fps(xyz)
    xyz_t = jnp.transpose(xyz, (0, 2, 1))
    sqrdists = (jnp.sum(new_xyz ** 2, -1)[:, :, None]
                + jnp.sum(xyz_t ** 2, -1)[:, None, :]
                - 2.0 * jnp.einsum('bsc,bnc->bsn', new_xyz, xyz_t))
    group_idx = jnp.broadcast_to(jnp.arange(_N, dtype=jnp.int32),
                                 (_B, _S, _N))
    gs = tuple(jnp.where(sqrdists > radius ** 2, _N, group_idx)
               for radius in _RADII)
    gs = jax.lax.optimization_barrier(gs)
    mask8 = jnp.zeros((_B, _S, _N), jnp.int32)
    for j in range(3):
        mask8 = mask8 + (gs[j] != _N).astype(jnp.int32) * (1 << j)
    feat = jnp.concatenate(
        [jnp.transpose(points, (0, 2, 1)),
         jnp.transpose(xyz, (0, 2, 1)),
         jnp.zeros((_B, _N, _CF - 35), jnp.float32)],
        axis=-1).reshape(_B * _N, _CF)
    xs = _ball_query_gather(mask8.reshape(_ROWS * 64, 128), feat)
    nx_flat = new_xyz.reshape(_ROWS, 3)
    outs = []
    for j, k in enumerate(_KS):
        outs.append(_branch(k, xs[j], nx_flat, params[j]))
    npc = jnp.concatenate(outs, axis=1).reshape(_B, _S, 320)
    return (jnp.transpose(new_xyz, (0, 2, 1)),
            jnp.transpose(npc, (0, 2, 1)))

# --- scband reference (transcript-rebuilt; emitter-appended) ---
"""Pipeline reference for scband-point-net-set-abstraction-msg-70772471103961 (READ-ONLY COPY).

The authoritative reference and input builder live on the scoring server;
editing this copy changes nothing except your own understanding.
"""

import jax, jax.numpy as jnp
import numpy as np

NPOINT = 512
RADIUS_LIST = [0.1, 0.2, 0.4]
NSAMPLE_LIST = [16, 32, 128]
MLP = [[32, 32, 64], [64, 64, 128], [64, 96, 128]]
IN_CHANNEL = 35
B, N, D = 4, 8192, 32


def index_points(points, idx):
    # points: [B, N, C]; idx: [B, ...] -> [B, ..., C]
    return jax.vmap(lambda p, i: p[i])(points, idx)


def farthest_point_sample(xyz, npoint):
    # xyz: [B, N, 3] -> centroids int32 [B, npoint]; start from index 0 like the CUDA kernel
    b, n, _ = xyz.shape

    def body(i, state):
        distance, farthest, centroids = state
        centroids = centroids.at[:, i].set(farthest)
        centroid = jnp.take_along_axis(xyz, farthest[:, None, None], axis=1)  # [B,1,3]
        dist = jnp.sum((xyz - centroid) ** 2, axis=-1)
        distance = jnp.minimum(distance, dist)
        farthest = jnp.argmax(distance, axis=-1).astype(jnp.int32)
        return (distance, farthest, centroids)

    state = (jnp.full((b, n), 1e10, dtype=xyz.dtype),
             jnp.zeros((b,), jnp.int32),
             jnp.zeros((b, npoint), jnp.int32))
    _, _, centroids = jax.lax.fori_loop(0, npoint, body, state)
    return centroids


def ball_query(radius, nsample, xyz, new_xyz):
    # standard PointNet++ query_ball_point semantics: first nsample in-range indices,
    # padded with the first valid index
    b, n, _ = xyz.shape
    s = new_xyz.shape[1]
    sqrdists = (jnp.sum(new_xyz ** 2, -1)[:, :, None]
                + jnp.sum(xyz ** 2, -1)[:, None, :]
                - 2.0 * jnp.einsum('bsc,bnc->bsn', new_xyz, xyz))
    group_idx = jnp.broadcast_to(jnp.arange(n, dtype=jnp.int32), (b, s, n))
    group_idx = jnp.where(sqrdists > radius ** 2, n, group_idx)
    group_idx = jnp.sort(group_idx, axis=-1)[:, :, :nsample]
    group_first = group_idx[:, :, :1]
    group_idx = jnp.where(group_idx == n, group_first, group_idx)
    return group_idx


def setup_inputs(seed: int = 0):
    key = jax.random.key(seed)
    k1, k2, kp = jax.random.split(key, 3)
    xyz = jax.random.uniform(k1, (B, 3, N), dtype=jnp.float32)
    points = jax.random.normal(k2, (B, D, N), dtype=jnp.float32)
    params = []
    cnt = 0
    for branch in MLP:
        last = IN_CHANNEL
        layers = []
        for out_c in branch:
            kw = jax.random.fold_in(kp, cnt); cnt += 1
            kb = jax.random.fold_in(kp, cnt); cnt += 1
            W = jax.random.normal(kw, (out_c, last), dtype=jnp.float32) * (1.0 / np.sqrt(last))
            bb = jax.random.normal(kb, (out_c,), dtype=jnp.float32) * 0.01
            gamma = jnp.ones((out_c,), jnp.float32)
            beta = jnp.zeros((out_c,), jnp.float32)
            layers.append([W, bb, gamma, beta])
            last = out_c
        params.append(layers)
    return {"xyz": xyz, "points": points, "params": params}


def reference(xyz, points, params):
    xyz_t = jnp.transpose(xyz, (0, 2, 1))       # [B, N, 3]
    pts_t = jnp.transpose(points, (0, 2, 1))    # [B, N, D]
    b, n, c = xyz_t.shape
    s = NPOINT
    fps_idx = farthest_point_sample(xyz_t, s)
    new_xyz = index_points(xyz_t, fps_idx)      # [B, S, 3]
    new_points_list = []
    for i, radius in enumerate(RADIUS_LIST):
        k = NSAMPLE_LIST[i]
        group_idx = ball_query(radius, k, xyz_t, new_xyz)          # [B, S, K]
        grouped_xyz = index_points(xyz_t, group_idx) - new_xyz[:, :, None, :]
        grouped_points = jnp.concatenate([index_points(pts_t, group_idx), grouped_xyz], axis=-1)
        gp = jnp.transpose(grouped_points, (0, 3, 2, 1))           # [B, C, K, S]
        for (W, bb, gamma, beta) in params[i]:
            gp = jnp.einsum('oc,bcks->boks', W, gp) + bb[None, :, None, None]
            mean = jnp.mean(gp, axis=(0, 2, 3), keepdims=True)
            var = jnp.var(gp, axis=(0, 2, 3), keepdims=True)
            gp = (gp - mean) / jnp.sqrt(var + 1e-5) * gamma[None, :, None, None] + beta[None, :, None, None]
            gp = jax.nn.relu(gp)
        new_points_list.append(jnp.max(gp, axis=2))                # [B, C_out, S]
    new_xyz_out = jnp.transpose(new_xyz, (0, 2, 1))
    new_points_concat = jnp.concatenate(new_points_list, axis=1)   # [B, 320, S]
    return (new_xyz_out, new_points_concat)

if __name__ == "__main__":
    import jax
    _d = setup_inputs()
    print(jax.jit(kernel)(*tuple(_d.values())))

</pallas_src>

<mosaic_0001>
#map = affine_map<(d0, d1) -> (0, 0)>
module attributes {stable_mosaic.version = 14 : i64} {
  func.func @_scan_kernel(%arg0: i32, %arg1: i32, %arg2: memref<131072x128xi32, #tpu.memory_space<hbm>>, %arg3: memref<32768x128xf32, #tpu.memory_space<hbm>>, %arg4: memref<32768x128xf32, #tpu.memory_space<hbm>>, %arg5: memref<65536x128xf32, #tpu.memory_space<hbm>>, %arg6: memref<262144x128xf32, #tpu.memory_space<hbm>>, %arg7: memref<64x128xi32, #tpu.memory_space<vmem>>, %arg8: memref<32xi32, #tpu.memory_space<vmem>>, %arg9: memref<48xi32, #tpu.memory_space<vmem>>, %arg10: memref<144xi32, #tpu.memory_space<vmem>>, %arg11: memref<16x128xf32, #tpu.memory_space<vmem>>, %arg12: memref<32x128xf32, #tpu.memory_space<vmem>>, %arg13: memref<128x128xf32, #tpu.memory_space<vmem>>, %arg14: memref<!tpu.dma_semaphore, #tpu.memory_space<semaphore_mem>>) attributes {dimension_semantics = [#tpu.dimension_semantics<core_parallel>, #tpu.dimension_semantics<subcore_parallel>], iteration_bounds = array<i64: 2, 16>, scalar_prefetch = 0 : i64, scratch_operands = 8 : i64, tpu.core_type = #tpu.core_type<sc_vector_subcore>, window_params = [{transform_indices = #map}, {transform_indices = #map}, {transform_indices = #map}, {transform_indices = #map}, {transform_indices = #map}]} {
    %mul3A = arith.constant 2 : i32
    %mul3A_0 = arith.muli %arg1, %mul3A : i32
    %add3A = arith.addi %mul3A_0, %arg0 : i32
    %mul3A_1 = arith.constant 64 : i32
    %mul3A_2 = arith.muli %add3A, %mul3A_1 : i32
    %jit3A = arith.constant 8 : i32
    %div3A = arith.divsi %add3A, %jit3A : i32
    %sign3A = arith.constant 0 : i32
    %sign3A_3 = arith.cmpi sgt, %add3A, %sign3A : i32
    %sign3A_4 = arith.extui %sign3A_3 : i1 to i32
    %sign3A_5 = arith.constant 0 : i32
    %sign3A_6 = arith.cmpi slt, %add3A, %sign3A_5 : i32
    %sign3A_7 = arith.extui %sign3A_6 : i1 to i32
    %sign3A_8 = arith.subi %sign3A_4, %sign3A_7 : i32
    %sign3A_9 = arith.constant 0 : i32
    %sign3A_10 = arith.cmpi sgt, %jit3A, %sign3A_9 : i32
    %sign3A_11 = arith.extui %sign3A_10 : i1 to i32
    %sign3A_12 = arith.constant 0 : i32
    %sign3A_13 = arith.cmpi slt, %jit3A, %sign3A_12 : i32
    %sign3A_14 = arith.extui %sign3A_13 : i1 to i32
    %sign3A_15 = arith.subi %sign3A_11, %sign3A_14 : i32
    %ne3A = arith.cmpi ne, %sign3A_8, %sign3A_15 : i32
    %rem3A = arith.remsi %add3A, %jit3A : i32
    %ne3A_16 = arith.constant 0 : i32
    %ne3A_17 = arith.cmpi ne, %rem3A, %ne3A_16 : i32
    %and3A = arith.andi %ne3A, %ne3A_17 : i1
    %sub3A = arith.constant 1 : i32
    %sub3A_18 = arith.subi %div3A, %sub3A : i32
    %select_n3A = arith.select %and3A, %sub3A_18, %div3A : i32
    %mul3A_19 = arith.constant 8192 : i32
    %mul3A_20 = arith.muli %select_n3A, %mul3A_19 : i32
    %iota3A = tpu.iota {dimensions = array<i32: 0>} : vector<16xi32>
    %broadcast_in_dim3A = arith.constant 0 : i32
    %broadcast_in_dim3A_21 = vector.broadcast %broadcast_in_dim3A : i32 to vector<16xi32>
    %scan3A = arith.constant 0 : i32
    %scan3A_22 = arith.constant 0 : i32
    %scan3A_23 = arith.constant 64 : i32
    %scan3A_24 = arith.addi %scan3A_22, %scan3A_23 : i32
    %scan3A_25 = arith.constant 1 : i32
    %scan3A_26 = scf.for %scan3A_28 = %scan3A_22 to %scan3A_24 step %scan3A_25 iter_args(%scan3A_29 = %scan3A) -> (i32)  : i32 {
      %add3A_30 = arith.addi %mul3A_2, %scan3A_28 : i32
      %mul3A_31 = arith.constant 64 : i32
      %mul3A_32 = arith.muli %add3A_30, %mul3A_31 : i32
      "tpu.region"() ({
        %run_scoped3A = tpu.sem_alloc : memref<!tpu.dma_semaphore, #tpu.memory_space<semaphore_mem>>
        %dma_start3A_198 = arith.constant 0 : i32
        %dma_start3A_199 = tpu.memref_slice %arg2[%mul3A_32, %dma_start3A_198] : memref<131072x128xi32, #tpu.memory_space<hbm>> -> memref<64x128xi32, #tpu.memory_space<hbm>>
        %dma_start3A_200 = arith.constant 0 : i32
        %dma_start3A_201 = tpu.memref_slice %arg2[%mul3A_32, %dma_start3A_200] : memref<131072x128xi32, #tpu.memory_space<hbm>> -> memref<64x128xi32, #tpu.memory_space<hbm>>
        tpu.enqueue_dma source(%dma_start3A_201 : memref<64x128xi32, #tpu.memory_space<hbm>>) target(%arg7 : memref<64x128xi32, #tpu.memory_space<vmem>>) target_semaphore(%run_scoped3A : memref<!tpu.dma_semaphore, #tpu.memory_space<semaphore_mem>>)
        %dma_wait3A_202 = arith.constant 0 : i32
        %dma_wait3A_203 = tpu.memref_slice %arg2[%mul3A_32, %dma_wait3A_202] : memref<131072x128xi32, #tpu.memory_space<hbm>> -> memref<64x128xi32, #tpu.memory_space<hbm>>
        %dma_wait3A_204 = arith.constant 0 : i32
        %dma_wait3A_205 = tpu.memref_slice %arg2[%mul3A_32, %dma_wait3A_204] : memref<131072x128xi32, #tpu.memory_space<hbm>> -> memref<64x128xi32, #tpu.memory_space<hbm>>
        tpu.wait_dma2 semaphore(%run_scoped3A : memref<!tpu.dma_semaphore, #tpu.memory_space<semaphore_mem>>) src(%dma_wait3A_205 : memref<64x128xi32, #tpu.memory_space<hbm>>) dst(%arg7 : memref<64x128xi32, #tpu.memory_space<vmem>>)
        tpu.yield
      }) : () -> ()
      %broadcast_in_dim3A_33 = arith.constant 8191 : i32
      %broadcast_in_dim3A_34 = vector.broadcast %broadcast_in_dim3A_33 : i32 to vector<16xi32>
      %add3A_35 = vector.broadcast %mul3A_20 : i32 to vector<16xi32>
      %add3A_36 = arith.addi %broadcast_in_dim3A_34, %add3A_35 : vector<16xi32>
      %swap3A = arith.constant 0 : index
      %swap3A_37 = tpu.vector_load %arg8[%swap3A] {strides = array<i32>} : memref<32xi32, #tpu.memory_space<vmem>>, vector<16xi32>,
      tpu.vector_store %arg8[%swap3A], %add3A_36 {strides = array<i32>} : memref<32xi32, #tpu.memory_space<vmem>>, vector<16xi32>,
      %broadcast_in_dim3A_38 = arith.constant 8191 : i32
      %broadcast_in_dim3A_39 = vector.broadcast %broadcast_in_dim3A_38 : i32 to vector<16xi32>
      %add3A_40 = vector.broadcast %mul3A_20 : i32 to vector<16xi32>
      %add3A_41 = arith.addi %broadcast_in_dim3A_39, %add3A_40 : vector<16xi32>
      %swap3A_42 = arith.constant 0 : index
      %swap3A_43 = tpu.vector_load %arg9[%swap3A_42] {strides = array<i32>} : memref<48xi32, #tpu.memory_space<vmem>>, vector<16xi32>,
      tpu.vector_store %arg9[%swap3A_42], %add3A_41 {strides = array<i32>} : memref<48xi32, #tpu.memory_space<vmem>>, vector<16xi32>,
      %broadcast_in_dim3A_44 = arith.constant 8191 : i32
      %broadcast_in_dim3A_45 = vector.broadcast %broadcast_in_dim3A_44 : i32 to vector<16xi32>
      %add3A_46 = vector.broadcast %mul3A_20 : i32 to vector<16xi32>
      %add3A_47 = arith.addi %broadcast_in_dim3A_45, %add3A_46 : vector<16xi32>
      %swap3A_48 = arith.constant 0 : index
      %swap3A_49 = tpu.vector_load %arg10[%swap3A_48] {strides = array<i32>} : memref<144xi32, #tpu.memory_space<vmem>>, vector<16xi32>,
      tpu.vector_store %arg10[%swap3A_48], %add3A_47 {strides = array<i32>} : memref<144xi32, #tpu.memory_space<vmem>>, vector<16xi32>,
      %scan3A_50 = arith.constant 0 : i32
      %scan3A_51 = arith.constant 512 : i32
      %scan3A_52 = arith.addi %scan3A_50, %scan3A_51 : i32
      %scan3A_53 = arith.constant 1 : i32
      %scan3A_54:3 = scf.for %scan3A_198 = %scan3A_50 to %scan3A_52 step %scan3A_53 iter_args(%scan3A_199 = %broadcast_in_dim3A_21, %scan3A_200 = %broadcast_in_dim3A_21, %scan3A_201 = %broadcast_in_dim3A_21) -> (vector<16xi32>, vector<16xi32>, vector<16xi32>)  : i32 {
        %shift_right_arithmetic3A = arith.constant 3 : i32
        %shift_right_arithmetic3A_202 = arith.shrsi %scan3A_198, %shift_right_arithmetic3A : i32
        %and3A_203 = arith.constant 7 : i32
        %and3A_204 = arith.andi %scan3A_198, %and3A_203 : i32
        %mul3A_205 = arith.constant 16 : i32
        %mul3A_206 = arith.muli %and3A_204, %mul3A_205 : i32
        %get3A_207 = arith.index_cast %shift_right_arithmetic3A_202 : i32 to index
        %get3A_208 = arith.index_cast %mul3A_206 : i32 to index
        %get3A_209 = tpu.vector_load %arg7[%get3A_207, %get3A_208] {strides = array<i32>} : memref<64x128xi32, #tpu.memory_space<vmem>>, vector<16xi32>,
        %mul3A_210 = arith.constant 16 : i32
        %mul3A_211 = arith.muli %scan3A_198, %mul3A_210 : i32
        %add3A_212 = arith.addi %mul3A_211, %mul3A_20 : i32
        %add3A_213 = vector.broadcast %add3A_212 : i32 to vector<16xi32>
        %add3A_214 = arith.addi %iota3A, %add3A_213 : vector<16xi32>
        %shift_right_arithmetic3A_215 = arith.constant 0 : i32
        %shift_right_arithmetic3A_216 = vector.broadcast %shift_right_arithmetic3A_215 : i32 to vector<16xi32>
        %shift_right_arithmetic3A_217 = arith.shrsi %get3A_209, %shift_right_arithmetic3A_216 : vector<16xi32>
        %and3A_218 = arith.constant 1 : i32
        %and3A_219 = vector.broadcast %and3A_218 : i32 to vector<16xi32>
        %and3A_220 = arith.andi %shift_right_arithmetic3A_217, %and3A_219 : vector<16xi32>
        %eq3A = arith.constant 1 : i32
        %eq3A_221 = vector.broadcast %eq3A : i32 to vector<16xi32>
        %eq3A_222 = arith.cmpi eq, %and3A_220, %eq3A_221 : vector<16xi32>
        %jit3A_223 = arith.constant 1 : i32
        %jit3A_224 = arith.constant 0 : i32
        %broadcast_in_dim3A_225 = vector.broadcast %jit3A_223 : i32 to vector<16xi32>
        %broadcast_in_dim3A_226 = vector.broadcast %jit3A_224 : i32 to vector<16xi32>
        %select_n3A_227 = arith.select %eq3A_222, %broadcast_in_dim3A_225, %broadcast_in_dim3A_226 : vector<16xi1>, vector<16xi32>
        %broadcast_in_dim3A_228 = arith.constant true
        %broadcast_in_dim3A_229 = vector.broadcast %broadcast_in_dim3A_228 : i1 to vector<16xi1>
        %masked_cumsum3A = tpu.scan <sum>, %select_n3A_227 masked %broadcast_in_dim3A_229 : vector<16xi32>, vector<16xi1> -> vector<16xi32>
        %lt3A_230 = arith.constant 16 : i32
        %lt3A_231 = vector.broadcast %lt3A_230 : i32 to vector<16xi32>
        %lt3A_232 = arith.cmpi slt, %scan3A_199, %lt3A_231 : vector<16xi32>
        %and3A_233 = arith.andi %eq3A_222, %lt3A_232 : vector<16xi1>
        %add3A_234 = arith.addi %scan3A_199, %masked_cumsum3A : vector<16xi32>
        %sub3A_235 = arith.constant 1 : i32
        %sub3A_236 = vector.broadcast %sub3A_235 : i32 to vector<16xi32>
        %sub3A_237 = arith.subi %add3A_234, %sub3A_236 : vector<16xi32>
        %min3A_238 = arith.constant 31 : i32
        %min3A_239 = vector.broadcast %min3A_238 : i32 to vector<16xi32>
        %min3A_240 = arith.minsi %sub3A_237, %min3A_239 : vector<16xi32>
        tpu.vector_store_idx %arg8[%min3A_240], %add3A_214 masked %and3A_233 : memref<32xi32, #tpu.memory_space<vmem>>[vector<16xi32>], vector<16xi32>, vector<16xi1>
        %broadcast_in_dim3A_241 = arith.constant 15 : i32
        %broadcast_in_dim3A_242 = vector.broadcast %broadcast_in_dim3A_241 : i32 to vector<16x1xi32>
        %gather3A_243 = vector.shape_cast %broadcast_in_dim3A_242 : vector<16x1xi32> to vector<16xi32>
        %gather3A_244 = tpu.dynamic_gather %masked_cumsum3A[%gather3A_243] in [0] : vector<16xi32>, vector<16xi32> -> vector<16xi32>
        %add3A_245 = arith.addi %scan3A_199, %gather3A_244 : vector<16xi32>
        %shift_right_arithmetic3A_246 = arith.constant 1 : i32
        %shift_right_arithmetic3A_247 = vector.broadcast %shift_right_arithmetic3A_246 : i32 to vector<16xi32>
        %shift_right_arithmetic3A_248 = arith.shrsi %get3A_209, %shift_right_arithmetic3A_247 : vector<16xi32>
        %and3A_249 = arith.constant 1 : i32
        %and3A_250 = vector.broadcast %and3A_249 : i32 to vector<16xi32>
        %and3A_251 = arith.andi %shift_right_arithmetic3A_248, %and3A_250 : vector<16xi32>
        %eq3A_252 = arith.constant 1 : i32
        %eq3A_253 = vector.broadcast %eq3A_252 : i32 to vector<16xi32>
        %eq3A_254 = arith.cmpi eq, %and3A_251, %eq3A_253 : vector<16xi32>
        %jit3A_255 = arith.constant 1 : i32
        %jit3A_256 = arith.constant 0 : i32
        %broadcast_in_dim3A_257 = vector.broadcast %jit3A_255 : i32 to vector<16xi32>
        %broadcast_in_dim3A_258 = vector.broadcast %jit3A_256 : i32 to vector<16xi32>
        %select_n3A_259 = arith.select %eq3A_254, %broadcast_in_dim3A_257, %broadcast_in_dim3A_258 : vector<16xi1>, vector<16xi32>
        %broadcast_in_dim3A_260 = arith.constant true
        %broadcast_in_dim3A_261 = vector.broadcast %broadcast_in_dim3A_260 : i1 to vector<16xi1>
        %masked_cumsum3A_262 = tpu.scan <sum>, %select_n3A_259 masked %broadcast_in_dim3A_261 : vector<16xi32>, vector<16xi1> -> vector<16xi32>
        %lt3A_263 = arith.constant 32 : i32
        %lt3A_264 = vector.broadcast %lt3A_263 : i32 to vector<16xi32>
        %lt3A_265 = arith.cmpi slt, %scan3A_200, %lt3A_264 : vector<16xi32>
        %and3A_266 = arith.andi %eq3A_254, %lt3A_265 : vector<16xi1>
        %add3A_267 = arith.addi %scan3A_200, %masked_cumsum3A_262 : vector<16xi32>
        %sub3A_268 = arith.constant 1 : i32
        %sub3A_269 = vector.broadcast %sub3A_268 : i32 to vector<16xi32>
        %sub3A_270 = arith.subi %add3A_267, %sub3A_269 : vector<16xi32>
        %min3A_271 = arith.constant 47 : i32
        %min3A_272 = vector.broadcast %min3A_271 : i32 to vector<16xi32>
        %min3A_273 = arith.minsi %sub3A_270, %min3A_272 : vector<16xi32>
        tpu.vector_store_idx %arg9[%min3A_273], %add3A_214 masked %and3A_266 : memref<48xi32, #tpu.memory_space<vmem>>[vector<16xi32>], vector<16xi32>, vector<16xi1>
        %broadcast_in_dim3A_274 = arith.constant 15 : i32
        %broadcast_in_dim3A_275 = vector.broadcast %broadcast_in_dim3A_274 : i32 to vector<16x1xi32>
        %gather3A_276 = vector.shape_cast %broadcast_in_dim3A_275 : vector<16x1xi32> to vector<16xi32>
        %gather3A_277 = tpu.dynamic_gather %masked_cumsum3A_262[%gather3A_276] in [0] : vector<16xi32>, vector<16xi32> -> vector<16xi32>
        %add3A_278 = arith.addi %scan3A_200, %gather3A_277 : vector<16xi32>
        %shift_right_arithmetic3A_279 = arith.constant 2 : i32
        %shift_right_arithmetic3A_280 = vector.broadcast %shift_right_arithmetic3A_279 : i32 to vector<16xi32>
        %shift_right_arithmetic3A_281 = arith.shrsi %get3A_209, %shift_right_arithmetic3A_280 : vector<16xi32>
        %and3A_282 = arith.constant 1 : i32
        %and3A_283 = vector.broadcast %and3A_282 : i32 to vector<16xi32>
        %and3A_284 = arith.andi %shift_right_arithmetic3A_281, %and3A_283 : vector<16xi32>
        %eq3A_285 = arith.constant 1 : i32
        %eq3A_286 = vector.broadcast %eq3A_285 : i32 to vector<16xi32>
        %eq3A_287 = arith.cmpi eq, %and3A_284, %eq3A_286 : vector<16xi32>
        %jit3A_288 = arith.constant 1 : i32
        %jit3A_289 = arith.constant 0 : i32
        %broadcast_in_dim3A_290 = vector.broadcast %jit3A_288 : i32 to vector<16xi32>
        %broadcast_in_dim3A_291 = vector.broadcast %jit3A_289 : i32 to vector<16xi32>
        %select_n3A_292 = arith.select %eq3A_287, %broadcast_in_dim3A_290, %broadcast_in_dim3A_291 : vector<16xi1>, vector<16xi32>
        %broadcast_in_dim3A_293 = arith.constant true
        %broadcast_in_dim3A_294 = vector.broadcast %broadcast_in_dim3A_293 : i1 to vector<16xi1>
        %masked_cumsum3A_295 = tpu.scan <sum>, %select_n3A_292 masked %broadcast_in_dim3A_294 : vector<16xi32>, vector<16xi1> -> vector<16xi32>
        %lt3A_296 = arith.constant 128 : i32
        %lt3A_297 = vector.broadcast %lt3A_296 : i32 to vector<16xi32>
        %lt3A_298 = arith.cmpi slt, %scan3A_201, %lt3A_297 : vector<16xi32>
        %and3A_299 = arith.andi %eq3A_287, %lt3A_298 : vector<16xi1>
        %add3A_300 = arith.addi %scan3A_201, %masked_cumsum3A_295 : vector<16xi32>
        %sub3A_301 = arith.constant 1 : i32
        %sub3A_302 = vector.broadcast %sub3A_301 : i32 to vector<16xi32>
        %sub3A_303 = arith.subi %add3A_300, %sub3A_302 : vector<16xi32>
        %min3A_304 = arith.constant 143 : i32
        %min3A_305 = vector.broadcast %min3A_304 : i32 to vector<16xi32>
        %min3A_306 = arith.minsi %sub3A_303, %min3A_305 : vector<16xi32>
        tpu.vector_store_idx %arg10[%min3A_306], %add3A_214 masked %and3A_299 : memref<144xi32, #tpu.memory_space<vmem>>[vector<16xi32>], vector<16xi32>, vector<16xi1>
        %broadcast_in_dim3A_307 = arith.constant 15 : i32
        %broadcast_in_dim3A_308 = vector.broadcast %broadcast_in_dim3A_307 : i32 to vector<16x1xi32>
        %gather3A_309 = vector.shape_cast %broadcast_in_dim3A_308 : vector<16x1xi32> to vector<16xi32>
        %gather3A_310 = tpu.dynamic_gather %masked_cumsum3A_295[%gather3A_309] in [0] : vector<16xi32>, vector<16xi32> -> vector<16xi32>
        %add3A_311 = arith.addi %scan3A_201, %gather3A_310 : vector<16xi32>
        scf.yield %add3A_245, %add3A_278, %add3A_311 : vector<16xi32>, vector<16xi32>, vector<16xi32>
      }
      %scan3A_55 = arith.constant 512 : i32
      %min3A = arith.constant 16 : i32
      %min3A_56 = vector.broadcast %min3A : i32 to vector<16xi32>
      %min3A_57 = arith.minsi %scan3A_54#0, %min3A_56 : vector<16xi32>
      %gather3A = tpu.vector_load_idx %arg8[%broadcast_in_dim3A_21] : memref<32xi32, #tpu.memory_space<vmem>>[vector<16xi32>], vector<16xi32>,
      %get3A = arith.constant 0 : index
      %get3A_58 = tpu.vector_load %arg8[%get3A] {strides = array<i32>} : memref<32xi32, #tpu.memory_space<vmem>>, vector<16xi32>,
      %add3A_59 = arith.constant 0 : i32
      %add3A_60 = vector.broadcast %add3A_59 : i32 to vector<16xi32>
      %add3A_61 = arith.addi %iota3A, %add3A_60 : vector<16xi32>
      %lt3A = arith.cmpi slt, %add3A_61, %min3A_57 : vector<16xi32>
      %select_n3A_62 = arith.select %lt3A, %get3A_58, %gather3A : vector<16xi1>, vector<16xi32>
      %swap3A_63 = arith.constant 0 : index
      %swap3A_64 = tpu.vector_load %arg8[%swap3A_63] {strides = array<i32>} : memref<32xi32, #tpu.memory_space<vmem>>, vector<16xi32>,
      tpu.vector_store %arg8[%swap3A_63], %select_n3A_62 {strides = array<i32>} : memref<32xi32, #tpu.memory_space<vmem>>, vector<16xi32>,
      %dma_start3A = arith.constant 0 : i32
      %dma_start3A_65 = tpu.memref_slice %arg8[%dma_start3A] : memref<32xi32, #tpu.memory_space<vmem>> -> memref<16xi32, #tpu.memory_space<vmem>>
      %dma_start3A_66 = arith.constant 0 : i32
      %dma_start3A_67 = arith.constant 0 : i32
      %dma_start3A_68 = tpu.memref_slice %arg3[%dma_start3A_66, %dma_start3A_67] : memref<32768x128xf32, #tpu.memory_space<hbm>> -> memref<32768x128xf32, #tpu.memory_space<hbm>>
      tpu.enqueue_indirect_dma source(%dma_start3A_68 : memref<32768x128xf32, #tpu.memory_space<hbm>>) target(%arg11 : memref<16x128xf32, #tpu.memory_space<vmem>>) offsets(%dma_start3A_65 : memref<16xi32, #tpu.memory_space<vmem>>) semaphore(%arg14 : memref<!tpu.dma_semaphore, #tpu.memory_space<semaphore_mem>>)
      %dma_wait3A = arith.constant 0 : i32
      %dma_wait3A_69 = tpu.memref_slice %arg8[%dma_wait3A] : memref<32xi32, #tpu.memory_space<vmem>> -> memref<16xi32, #tpu.memory_space<vmem>>
      %dma_wait3A_70 = arith.constant 0 : i32
      %dma_wait3A_71 = arith.constant 0 : i32
      %dma_wait3A_72 = tpu.memref_slice %arg3[%dma_wait3A_70, %dma_wait3A_71] : memref<32768x128xf32, #tpu.memory_space<hbm>> -> memref<32768x128xf32, #tpu.memory_space<hbm>>
      tpu.wait_indirect_dma semaphore(%arg14 : memref<!tpu.dma_semaphore, #tpu.memory_space<semaphore_mem>>) src(%dma_wait3A_72 : memref<32768x128xf32, #tpu.memory_space<hbm>>) dst(%arg11 : memref<16x128xf32, #tpu.memory_space<vmem>>)
      %mul3A_73 = arith.constant 16 : i32
      %mul3A_74 = arith.muli %add3A_30, %mul3A_73 : i32
      "tpu.region"() ({
        %run_scoped3A = tpu.sem_alloc : memref<!tpu.dma_semaphore, #tpu.memory_space<semaphore_mem>>
        %dma_start3A_198 = arith.constant 0 : i32
        %dma_start3A_199 = tpu.memref_slice %arg4[%mul3A_74, %dma_start3A_198] : memref<32768x128xf32, #tpu.memory_space<hbm>> -> memref<16x128xf32, #tpu.memory_space<hbm>>
        %dma_start3A_200 = arith.constant 0 : i32
        %dma_start3A_201 = tpu.memref_slice %arg4[%mul3A_74, %dma_start3A_200] : memref<32768x128xf32, #tpu.memory_space<hbm>> -> memref<16x128xf32, #tpu.memory_space<hbm>>
        tpu.enqueue_dma source(%arg11 : memref<16x128xf32, #tpu.memory_space<vmem>>) target(%dma_start3A_201 : memref<16x128xf32, #tpu.memory_space<hbm>>) target_semaphore(%run_scoped3A : memref<!tpu.dma_semaphore, #tpu.memory_space<semaphore_mem>>)
        %dma_wait3A_202 = arith.constant 0 : i32
        %dma_wait3A_203 = tpu.memref_slice %arg4[%mul3A_74, %dma_wait3A_202] : memref<32768x128xf32, #tpu.memory_space<hbm>> -> memref<16x128xf32, #tpu.memory_space<hbm>>
        %dma_wait3A_204 = arith.constant 0 : i32
        %dma_wait3A_205 = tpu.memref_slice %arg4[%mul3A_74, %dma_wait3A_204] : memref<32768x128xf32, #tpu.memory_space<hbm>> -> memref<16x128xf32, #tpu.memory_space<hbm>>
        tpu.wait_dma2 semaphore(%run_scoped3A : memref<!tpu.dma_semaphore, #tpu.memory_space<semaphore_mem>>) src(%arg11 : memref<16x128xf32, #tpu.memory_space<vmem>>) dst(%dma_wait3A_205 : memref<16x128xf32, #tpu.memory_space<hbm>>)
        tpu.yield
      }) : () -> ()
      %min3A_75 = arith.constant 32 : i32
      %min3A_76 = vector.broadcast %min3A_75 : i32 to vector<16xi32>
      %min3A_77 = arith.minsi %scan3A_54#1, %min3A_76 : vector<16xi32>
      %gather3A_78 = tpu.vector_load_idx %arg9[%broadcast_in_dim3A_21] : memref<48xi32, #tpu.memory_space<vmem>>[vector<16xi32>], vector<16xi32>,
      %get3A_79 = arith.constant 0 : index
      %get3A_80 = tpu.vector_load %arg9[%get3A_79] {strides = array<i32>} : memref<48xi32, #tpu.memory_space<vmem>>, vector<16xi32>,
      %add3A_81 = arith.constant 0 : i32
      %add3A_82 = vector.broadcast %add3A_81 : i32 to vector<16xi32>
      %add3A_83 = arith.addi %iota3A, %add3A_82 : vector<16xi32>
      %lt3A_84 = arith.cmpi slt, %add3A_83, %min3A_77 : vector<16xi32>
      %select_n3A_85 = arith.select %lt3A_84, %get3A_80, %gather3A_78 : vector<16xi1>, vector<16xi32>
      %swap3A_86 = arith.constant 0 : index
      %swap3A_87 = tpu.vector_load %arg9[%swap3A_86] {strides = array<i32>} : memref<48xi32, #tpu.memory_space<vmem>>, vector<16xi32>,
      tpu.vector_store %arg9[%swap3A_86], %select_n3A_85 {strides = array<i32>} : memref<48xi32, #tpu.memory_space<vmem>>, vector<16xi32>,
      %get3A_88 = arith.constant 16 : index
      %get3A_89 = tpu.vector_load %arg9[%get3A_88] {strides = array<i32>} : memref<48xi32, #tpu.memory_space<vmem>>, vector<16xi32>,
      %add3A_90 = arith.constant 16 : i32
      %add3A_91 = vector.broadcast %add3A_90 : i32 to vector<16xi32>
      %add3A_92 = arith.addi %iota3A, %add3A_91 : vector<16xi32>
      %lt3A_93 = arith.cmpi slt, %add3A_92, %min3A_77 : vector<16xi32>
      %select_n3A_94 = arith.select %lt3A_93, %get3A_89, %gather3A_78 : vector<16xi1>, vector<16xi32>
      %swap3A_95 = arith.constant 16 : index
      %swap3A_96 = tpu.vector_load %arg9[%swap3A_95] {strides = array<i32>} : memref<48xi32, #tpu.memory_space<vmem>>, vector<16xi32>,
      tpu.vector_store %arg9[%swap3A_95], %select_n3A_94 {strides = array<i32>} : memref<48xi32, #tpu.memory_space<vmem>>, vector<16xi32>,
      %dma_start3A_97 = arith.constant 0 : i32
      %dma_start3A_98 = tpu.memref_slice %arg9[%dma_start3A_97] : memref<48xi32, #tpu.memory_space<vmem>> -> memref<32xi32, #tpu.memory_space<vmem>>
      %dma_start3A_99 = arith.constant 0 : i32
      %dma_start3A_100 = arith.constant 0 : i32
      %dma_start3A_101 = tpu.memref_slice %arg3[%dma_start3A_99, %dma_start3A_100] : memref<32768x128xf32, #tpu.memory_space<hbm>> -> memref<32768x128xf32, #tpu.memory_space<hbm>>
      tpu.enqueue_indirect_dma source(%dma_start3A_101 : memref<32768x128xf32, #tpu.memory_space<hbm>>) target(%arg12 : memref<32x128xf32, #tpu.memory_space<vmem>>) offsets(%dma_start3A_98 : memref<32xi32, #tpu.memory_space<vmem>>) semaphore(%arg14 : memref<!tpu.dma_semaphore, #tpu.memory_space<semaphore_mem>>)
      %dma_wait3A_102 = arith.constant 0 : i32
      %dma_wait3A_103 = tpu.memref_slice %arg9[%dma_wait3A_102] : memref<48xi32, #tpu.memory_space<vmem>> -> memref<32xi32, #tpu.memory_space<vmem>>
      %dma_wait3A_104 = arith.constant 0 : i32
      %dma_wait3A_105 = arith.constant 0 : i32
      %dma_wait3A_106 = tpu.memref_slice %arg3[%dma_wait3A_104, %dma_wait3A_105] : memref<32768x128xf32, #tpu.memory_space<hbm>> -> memref<32768x128xf32, #tpu.memory_space<hbm>>
      tpu.wait_indirect_dma semaphore(%arg14 : memref<!tpu.dma_semaphore, #tpu.memory_space<semaphore_mem>>) src(%dma_wait3A_106 : memref<32768x128xf32, #tpu.memory_space<hbm>>) dst(%arg12 : memref<32x128xf32, #tpu.memory_space<vmem>>)
      %mul3A_107 = arith.constant 32 : i32
      %mul3A_108 = arith.muli %add3A_30, %mul3A_107 : i32
      "tpu.region"() ({
        %run_scoped3A = tpu.sem_alloc : memref<!tpu.dma_semaphore, #tpu.memory_space<semaphore_mem>>
        %dma_start3A_198 = arith.constant 0 : i32
        %dma_start3A_199 = tpu.memref_slice %arg5[%mul3A_108, %dma_start3A_198] : memref<65536x128xf32, #tpu.memory_space<hbm>> -> memref<32x128xf32, #tpu.memory_space<hbm>>
        %dma_start3A_200 = arith.constant 0 : i32
        %dma_start3A_201 = tpu.memref_slice %arg5[%mul3A_108, %dma_start3A_200] : memref<65536x128xf32, #tpu.memory_space<hbm>> -> memref<32x128xf32, #tpu.memory_space<hbm>>
        tpu.enqueue_dma source(%arg12 : memref<32x128xf32, #tpu.memory_space<vmem>>) target(%dma_start3A_201 : memref<32x128xf32, #tpu.memory_space<hbm>>) target_semaphore(%run_scoped3A : memref<!tpu.dma_semaphore, #tpu.memory_space<semaphore_mem>>)
        %dma_wait3A_202 = arith.constant 0 : i32
        %dma_wait3A_203 = tpu.memref_slice %arg5[%mul3A_108, %dma_wait3A_202] : memref<65536x128xf32, #tpu.memory_space<hbm>> -> memref<32x128xf32, #tpu.memory_space<hbm>>
        %dma_wait3A_204 = arith.constant 0 : i32
        %dma_wait3A_205 = tpu.memref_slice %arg5[%mul3A_108, %dma_wait3A_204] : memref<65536x128xf32, #tpu.memory_space<hbm>> -> memref<32x128xf32, #tpu.memory_space<hbm>>
        tpu.wait_dma2 semaphore(%run_scoped3A : memref<!tpu.dma_semaphore, #tpu.memory_space<semaphore_mem>>) src(%arg12 : memref<32x128xf32, #tpu.memory_space<vmem>>) dst(%dma_wait3A_205 : memref<32x128xf32, #tpu.memory_space<hbm>>)
        tpu.yield
      }) : () -> ()
      %min3A_109 = arith.constant 128 : i32
      %min3A_110 = vector.broadcast %min3A_109 : i32 to vector<16xi32>
      %min3A_111 = arith.minsi %scan3A_54#2, %min3A_110 : vector<16xi32>
      %gather3A_112 = tpu.vector_load_idx %arg10[%broadcast_in_dim3A_21] : memref<144xi32, #tpu.memory_space<vmem>>[vector<16xi32>], vector<16xi32>,
      %get3A_113 = arith.constant 0 : index
      %get3A_114 = tpu.vector_load %arg10[%get3A_113] {strides = array<i32>} : memref<144xi32, #tpu.memory_space<vmem>>, vector<16xi32>,
      %add3A_115 = arith.constant 0 : i32
      %add3A_116 = vector.broadcast %add3A_115 : i32 to vector<16xi32>
      %add3A_117 = arith.addi %iota3A, %add3A_116 : vector<16xi32>
      %lt3A_118 = arith.cmpi slt, %add3A_117, %min3A_111 : vector<16xi32>
      %select_n3A_119 = arith.select %lt3A_118, %get3A_114, %gather3A_112 : vector<16xi1>, vector<16xi32>
      %swap3A_120 = arith.constant 0 : index
      %swap3A_121 = tpu.vector_load %arg10[%swap3A_120] {strides = array<i32>} : memref<144xi32, #tpu.memory_space<vmem>>, vector<16xi32>,
      tpu.vector_store %arg10[%swap3A_120], %select_n3A_119 {strides = array<i32>} : memref<144xi32, #tpu.memory_space<vmem>>, vector<16xi32>,
      %get3A_122 = arith.constant 16 : index
      %get3A_123 = tpu.vector_load %arg10[%get3A_122] {strides = array<i32>} : memref<144xi32, #tpu.memory_space<vmem>>, vector<16xi32>,
      %add3A_124 = arith.constant 16 : i32
      %add3A_125 = vector.broadcast %add3A_124 : i32 to vector<16xi32>
      %add3A_126 = arith.addi %iota3A, %add3A_125 : vector<16xi32>
      %lt3A_127 = arith.cmpi slt, %add3A_126, %min3A_111 : vector<16xi32>
      %select_n3A_128 = arith.select %lt3A_127, %get3A_123, %gather3A_112 : vector<16xi1>, vector<16xi32>
      %swap3A_129 = arith.constant 16 : index
      %swap3A_130 = tpu.vector_load %arg10[%swap3A_129] {strides = array<i32>} : memref<144xi32, #tpu.memory_space<vmem>>, vector<16xi32>,
      tpu.vector_store %arg10[%swap3A_129], %select_n3A_128 {strides = array<i32>} : memref<144xi32, #tpu.memory_space<vmem>>, vector<16xi32>,
      %get3A_131 = arith.constant 32 : index
      %get3A_132 = tpu.vector_load %arg10[%get3A_131] {strides = array<i32>} : memref<144xi32, #tpu.memory_space<vmem>>, vector<16xi32>,
      %add3A_133 = arith.constant 32 : i32
      %add3A_134 = vector.broadcast %add3A_133 : i32 to vector<16xi32>
      %add3A_135 = arith.addi %iota3A, %add3A_134 : vector<16xi32>
      %lt3A_136 = arith.cmpi slt, %add3A_135, %min3A_111 : vector<16xi32>
      %select_n3A_137 = arith.select %lt3A_136, %get3A_132, %gather3A_112 : vector<16xi1>, vector<16xi32>
      %swap3A_138 = arith.constant 32 : index
      %swap3A_139 = tpu.vector_load %arg10[%swap3A_138] {strides = array<i32>} : memref<144xi32, #tpu.memory_space<vmem>>, vector<16xi32>,
      tpu.vector_store %arg10[%swap3A_138], %select_n3A_137 {strides = array<i32>} : memref<144xi32, #tpu.memory_space<vmem>>, vector<16xi32>,
      %get3A_140 = arith.constant 48 : index
      %get3A_141 = tpu.vector_load %arg10[%get3A_140] {strides = array<i32>} : memref<144xi32, #tpu.memory_space<vmem>>, vector<16xi32>,
      %add3A_142 = arith.constant 48 : i32
      %add3A_143 = vector.broadcast %add3A_142 : i32 to vector<16xi32>
      %add3A_144 = arith.addi %iota3A, %add3A_143 : vector<16xi32>
      %lt3A_145 = arith.cmpi slt, %add3A_144, %min3A_111 : vector<16xi32>
      %select_n3A_146 = arith.select %lt3A_145, %get3A_141, %gather3A_112 : vector<16xi1>, vector<16xi32>
      %swap3A_147 = arith.constant 48 : index
      %swap3A_148 = tpu.vector_load %arg10[%swap3A_147] {strides = array<i32>} : memref<144xi32, #tpu.memory_space<vmem>>, vector<16xi32>,
      tpu.vector_store %arg10[%swap3A_147], %select_n3A_146 {strides = array<i32>} : memref<144xi32, #tpu.memory_space<vmem>>, vector<16xi32>,
      %get3A_149 = arith.constant 64 : index
      %get3A_150 = tpu.vector_load %arg10[%get3A_149] {strides = array<i32>} : memref<144xi32, #tpu.memory_space<vmem>>, vector<16xi32>,
      %add3A_151 = arith.constant 64 : i32
      %add3A_152 = vector.broadcast %add3A_151 : i32 to vector<16xi32>
      %add3A_153 = arith.addi %iota3A, %add3A_152 : vector<16xi32>
      %lt3A_154 = arith.cmpi slt, %add3A_153, %min3A_111 : vector<16xi32>
      %select_n3A_155 = arith.select %lt3A_154, %get3A_150, %gather3A_112 : vector<16xi1>, vector<16xi32>
      %swap3A_156 = arith.constant 64 : index
      %swap3A_157 = tpu.vector_load %arg10[%swap3A_156] {strides = array<i32>} : memref<144xi32, #tpu.memory_space<vmem>>, vector<16xi32>,
      tpu.vector_store %arg10[%swap3A_156], %select_n3A_155 {strides = array<i32>} : memref<144xi32, #tpu.memory_space<vmem>>, vector<16xi32>,
      %get3A_158 = arith.constant 80 : index
      %get3A_159 = tpu.vector_load %arg10[%get3A_158] {strides = array<i32>} : memref<144xi32, #tpu.memory_space<vmem>>, vector<16xi32>,
      %add3A_160 = arith.constant 80 : i32
      %add3A_161 = vector.broadcast %add3A_160 : i32 to vector<16xi32>
      %add3A_162 = arith.addi %iota3A, %add3A_161 : vector<16xi32>
      %lt3A_163 = arith.cmpi slt, %add3A_162, %min3A_111 : vector<16xi32>
      %select_n3A_164 = arith.select %lt3A_163, %get3A_159, %gather3A_112 : vector<16xi1>, vector<16xi32>
      %swap3A_165 = arith.constant 80 : index
      %swap3A_166 = tpu.vector_load %arg10[%swap3A_165] {strides = array<i32>} : memref<144xi32, #tpu.memory_space<vmem>>, vector<16xi32>,
      tpu.vector_store %arg10[%swap3A_165], %select_n3A_164 {strides = array<i32>} : memref<144xi32, #tpu.memory_space<vmem>>, vector<16xi32>,
      %get3A_167 = arith.constant 96 : index
      %get3A_168 = tpu.vector_load %arg10[%get3A_167] {strides = array<i32>} : memref<144xi32, #tpu.memory_space<vmem>>, vector<16xi32>,
      %add3A_169 = arith.constant 96 : i32
      %add3A_170 = vector.broadcast %add3A_169 : i32 to vector<16xi32>
      %add3A_171 = arith.addi %iota3A, %add3A_170 : vector<16xi32>
      %lt3A_172 = arith.cmpi slt, %add3A_171, %min3A_111 : vector<16xi32>
      %select_n3A_173 = arith.select %lt3A_172, %get3A_168, %gather3A_112 : vector<16xi1>, vector<16xi32>
      %swap3A_174 = arith.constant 96 : index
      %swap3A_175 = tpu.vector_load %arg10[%swap3A_174] {strides = array<i32>} : memref<144xi32, #tpu.memory_space<vmem>>, vector<16xi32>,
      tpu.vector_store %arg10[%swap3A_174], %select_n3A_173 {strides = array<i32>} : memref<144xi32, #tpu.memory_space<vmem>>, vector<16xi32>,
      %get3A_176 = arith.constant 112 : index
      %get3A_177 = tpu.vector_load %arg10[%get3A_176] {strides = array<i32>} : memref<144xi32, #tpu.memory_space<vmem>>, vector<16xi32>,
      %add3A_178 = arith.constant 112 : i32
      %add3A_179 = vector.broadcast %add3A_178 : i32 to vector<16xi32>
      %add3A_180 = arith.addi %iota3A, %add3A_179 : vector<16xi32>
      %lt3A_181 = arith.cmpi slt, %add3A_180, %min3A_111 : vector<16xi32>
      %select_n3A_182 = arith.select %lt3A_181, %get3A_177, %gather3A_112 : vector<16xi1>, vector<16xi32>
      %swap3A_183 = arith.constant 112 : index
      %swap3A_184 = tpu.vector_load %arg10[%swap3A_183] {strides = array<i32>} : memref<144xi32, #tpu.memory_space<vmem>>, vector<16xi32>,
      tpu.vector_store %arg10[%swap3A_183], %select_n3A_182 {strides = array<i32>} : memref<144xi32, #tpu.memory_space<vmem>>, vector<16xi32>,
      %dma_start3A_185 = arith.constant 0 : i32
      %dma_start3A_186 = tpu.memref_slice %arg10[%dma_start3A_185] : memref<144xi32, #tpu.memory_space<vmem>> -> memref<128xi32, #tpu.memory_space<vmem>>
      %dma_start3A_187 = arith.constant 0 : i32
      %dma_start3A_188 = arith.constant 0 : i32
      %dma_start3A_189 = tpu.memref_slice %arg3[%dma_start3A_187, %dma_start3A_188] : memref<32768x128xf32, #tpu.memory_space<hbm>> -> memref<32768x128xf32, #tpu.memory_space<hbm>>
      tpu.enqueue_indirect_dma source(%dma_start3A_189 : memref<32768x128xf32, #tpu.memory_space<hbm>>) target(%arg13 : memref<128x128xf32, #tpu.memory_space<vmem>>) offsets(%dma_start3A_186 : memref<128xi32, #tpu.memory_space<vmem>>) semaphore(%arg14 : memref<!tpu.dma_semaphore, #tpu.memory_space<semaphore_mem>>)
      %dma_wait3A_190 = arith.constant 0 : i32
      %dma_wait3A_191 = tpu.memref_slice %arg10[%dma_wait3A_190] : memref<144xi32, #tpu.memory_space<vmem>> -> memref<128xi32, #tpu.memory_space<vmem>>
      %dma_wait3A_192 = arith.constant 0 : i32
      %dma_wait3A_193 = arith.constant 0 : i32
      %dma_wait3A_194 = tpu.memref_slice %arg3[%dma_wait3A_192, %dma_wait3A_193] : memref<32768x128xf32, #tpu.memory_space<hbm>> -> memref<32768x128xf32, #tpu.memory_space<hbm>>
      tpu.wait_indirect_dma semaphore(%arg14 : memref<!tpu.dma_semaphore, #tpu.memory_space<semaphore_mem>>) src(%dma_wait3A_194 : memref<32768x128xf32, #tpu.memory_space<hbm>>) dst(%arg13 : memref<128x128xf32, #tpu.memory_space<vmem>>)
      %mul3A_195 = arith.constant 128 : i32
      %mul3A_196 = arith.muli %add3A_30, %mul3A_195 : i32
      "tpu.region"() ({
        %run_scoped3A = tpu.sem_alloc : memref<!tpu.dma_semaphore, #tpu.memory_space<semaphore_mem>>
        %dma_start3A_198 = arith.constant 0 : i32
        %dma_start3A_199 = tpu.memref_slice %arg6[%mul3A_196, %dma_start3A_198] : memref<262144x128xf32, #tpu.memory_space<hbm>> -> memref<128x128xf32, #tpu.memory_space<hbm>>
        %dma_start3A_200 = arith.constant 0 : i32
        %dma_start3A_201 = tpu.memref_slice %arg6[%mul3A_196, %dma_start3A_200] : memref<262144x128xf32, #tpu.memory_space<hbm>> -> memref<128x128xf32, #tpu.memory_space<hbm>>
        tpu.enqueue_dma source(%arg13 : memref<128x128xf32, #tpu.memory_space<vmem>>) target(%dma_start3A_201 : memref<128x128xf32, #tpu.memory_space<hbm>>) target_semaphore(%run_scoped3A : memref<!tpu.dma_semaphore, #tpu.memory_space<semaphore_mem>>)
        %dma_wait3A_202 = arith.constant 0 : i32
        %dma_wait3A_203 = tpu.memref_slice %arg6[%mul3A_196, %dma_wait3A_202] : memref<262144x128xf32, #tpu.memory_space<hbm>> -> memref<128x128xf32, #tpu.memory_space<hbm>>
        %dma_wait3A_204 = arith.constant 0 : i32
        %dma_wait3A_205 = tpu.memref_slice %arg6[%mul3A_196, %dma_wait3A_204] : memref<262144x128xf32, #tpu.memory_space<hbm>> -> memref<128x128xf32, #tpu.memory_space<hbm>>
        tpu.wait_dma2 semaphore(%run_scoped3A : memref<!tpu.dma_semaphore, #tpu.memory_space<semaphore_mem>>) src(%arg13 : memref<128x128xf32, #tpu.memory_space<vmem>>) dst(%dma_wait3A_205 : memref<128x128xf32, #tpu.memory_space<hbm>>)
        tpu.yield
      }) : () -> ()
      %scan3A_197 = arith.constant 0 : i32
      scf.yield %scan3A_197 : i32
    }
    %scan3A_27 = arith.constant 64 : i32
    return
  }
}

module attributes {stable_mosaic.version = 14 : i64} {
  func.func @_fps_body(%arg0: memref<4x3x64x128xf32, #tpu.memory_space<vmem>>, %arg1: memref<4x512x3xf32, #tpu.memory_space<vmem>>) attributes {dimension_semantics = [], scalar_prefetch = 0 : i64, scratch_operands = 0 : i64, tpu.core_type = #tpu.core_type<tc>} {
    %get3A = arith.constant 0 : index
    %get3A_0 = arith.constant 0 : index
    %get3A_1 = arith.constant 0 : index
    %get3A_2 = arith.constant 0 : index
    %get3A_3 = vector.load %arg0[%get3A, %get3A_0, %get3A_1, %get3A_2] : memref<4x3x64x128xf32, #tpu.memory_space<vmem>>, vector<4x1x64x128xf32>
    %get3A_4 = vector.shape_cast %get3A_3 : vector<4x1x64x128xf32> to vector<4x64x128xf32>
    %get3A_5 = arith.constant 0 : index
    %get3A_6 = arith.constant 1 : index
    %get3A_7 = arith.constant 0 : index
    %get3A_8 = arith.constant 0 : index
    %get3A_9 = vector.load %arg0[%get3A_5, %get3A_6, %get3A_7, %get3A_8] : memref<4x3x64x128xf32, #tpu.memory_space<vmem>>, vector<4x1x64x128xf32>
    %get3A_10 = vector.shape_cast %get3A_9 : vector<4x1x64x128xf32> to vector<4x64x128xf32>
    %get3A_11 = arith.constant 0 : index
    %get3A_12 = arith.constant 2 : index
    %get3A_13 = arith.constant 0 : index
    %get3A_14 = arith.constant 0 : index
    %get3A_15 = vector.load %arg0[%get3A_11, %get3A_12, %get3A_13, %get3A_14] : memref<4x3x64x128xf32, #tpu.memory_space<vmem>>, vector<4x1x64x128xf32>
    %get3A_16 = vector.shape_cast %get3A_15 : vector<4x1x64x128xf32> to vector<4x64x128xf32>
    %iota3A = tpu.iota {dimensions = array<i32: 1>} : vector<4x64x128xi32>
    %mul3A = arith.constant 128 : i32
    %mul3A_17 = vector.broadcast %mul3A : i32 to vector<4x64x128xi32>
    %mul3A_18 = arith.muli %iota3A, %mul3A_17 : vector<4x64x128xi32>
    %iota3A_19 = tpu.iota {dimensions = array<i32: 2>} : vector<4x64x128xi32>
    %add3A = arith.addi %mul3A_18, %iota3A_19 : vector<4x64x128xi32>
    %broadcast_in_dim3A = arith.constant 1.000000e+10 : f32
    %broadcast_in_dim3A_20 = vector.broadcast %broadcast_in_dim3A : f32 to vector<4x64x128xf32>
    %broadcast_in_dim3A_21 = arith.constant 0 : i32
    %broadcast_in_dim3A_22 = vector.broadcast %broadcast_in_dim3A_21 : i32 to vector<4x1x1xi32>
    %scan3A = arith.constant 0 : i32
    %scan3A_23 = arith.constant 512 : i32
    %scan3A_24 = arith.addi %scan3A, %scan3A_23 : i32
    %scan3A_25 = arith.constant 1 : i32
    %scan3A_26:2 = scf.for %scan3A_28 = %scan3A to %scan3A_24 step %scan3A_25 iter_args(%scan3A_29 = %broadcast_in_dim3A_20, %scan3A_30 = %broadcast_in_dim3A_22) -> (vector<4x64x128xf32>, vector<4x1x1xi32>)  : i32 {
      %eq3A = vector.broadcast %scan3A_30 : vector<4x1x1xi32> to vector<4x64x128xi32>
      %eq3A_31 = arith.cmpi eq, %add3A, %eq3A : vector<4x64x128xi32>
      %jit3A = arith.constant 0.000000e+00 : f32
      %broadcast_in_dim3A_32 = vector.broadcast %jit3A : f32 to vector<4x64x128xf32>
      %select_n3A = arith.select %eq3A_31, %get3A_4, %broadcast_in_dim3A_32 : vector<4x64x128xi1>, vector<4x64x128xf32>
      %reduce_sum3A = arith.constant dense<0.000000e+00> : vector<4x64xf32>
      %reduce_sum3A_33 = vector.multi_reduction <add>, %select_n3A, %reduce_sum3A [2] : vector<4x64x128xf32> to vector<4x64xf32>
      %broadcast_in_dim3A_34 = vector.shape_cast %reduce_sum3A_33 : vector<4x64xf32> to vector<4x64x1xf32>
      %reduce_sum3A_35 = arith.constant dense<0.000000e+00> : vector<4x1xf32>
      %reduce_sum3A_36 = vector.multi_reduction <add>, %broadcast_in_dim3A_34, %reduce_sum3A_35 [1] : vector<4x64x1xf32> to vector<4x1xf32>
      %broadcast_in_dim3A_37 = vector.shape_cast %reduce_sum3A_36 : vector<4x1xf32> to vector<4x1x1xf32>
      %jit3A_38 = arith.constant 0.000000e+00 : f32
      %broadcast_in_dim3A_39 = vector.broadcast %jit3A_38 : f32 to vector<4x64x128xf32>
      %select_n3A_40 = arith.select %eq3A_31, %get3A_10, %broadcast_in_dim3A_39 : vector<4x64x128xi1>, vector<4x64x128xf32>
      %reduce_sum3A_41 = arith.constant dense<0.000000e+00> : vector<4x64xf32>
      %reduce_sum3A_42 = vector.multi_reduction <add>, %select_n3A_40, %reduce_sum3A_41 [2] : vector<4x64x128xf32> to vector<4x64xf32>
      %broadcast_in_dim3A_43 = vector.shape_cast %reduce_sum3A_42 : vector<4x64xf32> to vector<4x64x1xf32>
      %reduce_sum3A_44 = arith.constant dense<0.000000e+00> : vector<4x1xf32>
      %reduce_sum3A_45 = vector.multi_reduction <add>, %broadcast_in_dim3A_43, %reduce_sum3A_44 [1] : vector<4x64x1xf32> to vector<4x1xf32>
      %broadcast_in_dim3A_46 = vector.shape_cast %reduce_sum3A_45 : vector<4x1xf32> to vector<4x1x1xf32>
      %jit3A_47 = arith.constant 0.000000e+00 : f32
      %broadcast_in_dim3A_48 = vector.broadcast %jit3A_47 : f32 to vector<4x64x128xf32>
      %select_n3A_49 = arith.select %eq3A_31, %get3A_16, %broadcast_in_dim3A_48 : vector<4x64x128xi1>, vector<4x64x128xf32>
      %reduce_sum3A_50 = arith.constant dense<0.000000e+00> : vector<4x64xf32>
      %reduce_sum3A_51 = vector.multi_reduction <add>, %select_n3A_49, %reduce_sum3A_50 [2] : vector<4x64x128xf32> to vector<4x64xf32>
      %broadcast_in_dim3A_52 = vector.shape_cast %reduce_sum3A_51 : vector<4x64xf32> to vector<4x64x1xf32>
      %reduce_sum3A_53 = arith.constant dense<0.000000e+00> : vector<4x1xf32>
      %reduce_sum3A_54 = vector.multi_reduction <add>, %broadcast_in_dim3A_52, %reduce_sum3A_53 [1] : vector<4x64x1xf32> to vector<4x1xf32>
      %broadcast_in_dim3A_55 = vector.shape_cast %reduce_sum3A_54 : vector<4x1xf32> to vector<4x1x1xf32>
      %concatenate3A = tpu.concatenate %broadcast_in_dim3A_37, %broadcast_in_dim3A_46, %broadcast_in_dim3A_55 in 2 : vector<4x1x1xf32>, vector<4x1x1xf32>, vector<4x1x1xf32> -> vector<4x1x3xf32>
      %swap3A = arith.constant 0 : index
      %swap3A_56 = arith.index_cast %scan3A_28 : i32 to index
      %swap3A_57 = arith.constant 0 : index
      %swap3A_58 = vector.load %arg1[%swap3A, %swap3A_56, %swap3A_57] : memref<4x512x3xf32, #tpu.memory_space<vmem>>, vector<4x1x3xf32>
      tpu.vector_store %arg1[%swap3A, %swap3A_56, %swap3A_57], %concatenate3A {strides = array<i32>} : memref<4x512x3xf32, #tpu.memory_space<vmem>>, vector<4x1x3xf32>,
      %sub3A = vector.broadcast %broadcast_in_dim3A_37 : vector<4x1x1xf32> to vector<4x64x128xf32>
      %sub3A_59 = arith.subf %get3A_4, %sub3A : vector<4x64x128xf32>
      %sub3A_60 = vector.broadcast %broadcast_in_dim3A_46 : vector<4x1x1xf32> to vector<4x64x128xf32>
      %sub3A_61 = arith.subf %get3A_10, %sub3A_60 : vector<4x64x128xf32>
      %sub3A_62 = vector.broadcast %broadcast_in_dim3A_55 : vector<4x1x1xf32> to vector<4x64x128xf32>
      %sub3A_63 = arith.subf %get3A_16, %sub3A_62 : vector<4x64x128xf32>
      %mul3A_64 = arith.mulf %sub3A_59, %sub3A_59 : vector<4x64x128xf32>
      %mul3A_65 = arith.mulf %sub3A_61, %sub3A_61 : vector<4x64x128xf32>
      %add3A_66 = arith.addf %mul3A_64, %mul3A_65 : vector<4x64x128xf32>
      %mul3A_67 = arith.mulf %sub3A_63, %sub3A_63 : vector<4x64x128xf32>
      %add3A_68 = arith.addf %add3A_66, %mul3A_67 : vector<4x64x128xf32>
      %min3A = arith.minimumf %scan3A_29, %add3A_68 : vector<4x64x128xf32>
      %reduce_max3A = arith.constant dense<0xFF800000> : vector<4x64xf32>
      %reduce_max3A_69 = vector.multi_reduction <maximumf>, %min3A, %reduce_max3A [2] : vector<4x64x128xf32> to vector<4x64xf32>
      %broadcast_in_dim3A_70 = vector.shape_cast %reduce_max3A_69 : vector<4x64xf32> to vector<4x64x1xf32>
      %reduce_max3A_71 = arith.constant dense<0xFF800000> : vector<4x1xf32>
      %reduce_max3A_72 = vector.multi_reduction <maximumf>, %broadcast_in_dim3A_70, %reduce_max3A_71 [1] : vector<4x64x1xf32> to vector<4x1xf32>
      %broadcast_in_dim3A_73 = vector.shape_cast %reduce_max3A_72 : vector<4x1xf32> to vector<4x1x1xf32>
      %eq3A_74 = vector.broadcast %broadcast_in_dim3A_73 : vector<4x1x1xf32> to vector<4x64x128xf32>
      %eq3A_75 = arith.cmpf oeq, %min3A, %eq3A_74 : vector<4x64x128xf32>
      %jit3A_76 = arith.constant 8192 : i32
      %broadcast_in_dim3A_77 = vector.broadcast %jit3A_76 : i32 to vector<4x64x128xi32>
      %select_n3A_78 = arith.select %eq3A_75, %add3A, %broadcast_in_dim3A_77 : vector<4x64x128xi1>, vector<4x64x128xi32>
      %reduce_min3A = arith.constant dense<2147483647> : vector<4x64xi32>
      %reduce_min3A_79 = vector.multi_reduction <minsi>, %select_n3A_78, %reduce_min3A [2] : vector<4x64x128xi32> to vector<4x64xi32>
      %broadcast_in_dim3A_80 = vector.shape_cast %reduce_min3A_79 : vector<4x64xi32> to vector<4x64x1xi32>
      %reduce_min3A_81 = arith.constant dense<2147483647> : vector<4x1xi32>
      %reduce_min3A_82 = vector.multi_reduction <minsi>, %broadcast_in_dim3A_80, %reduce_min3A_81 [1] : vector<4x64x1xi32> to vector<4x1xi32>
      %broadcast_in_dim3A_83 = vector.shape_cast %reduce_min3A_82 : vector<4x1xi32> to vector<4x1x1xi32>
      scf.yield %min3A, %broadcast_in_dim3A_83 : vector<4x64x128xf32>, vector<4x1x1xi32>
    }
    %scan3A_27 = arith.constant 512 : i32
    return
  }
}

module attributes {stable_mosaic.version = 14 : i64} {
  func.func @_mlp_body(%arg0: i32, %arg1: memref<2048x128xf32, #tpu.memory_space<vmem>>, %arg2: memref<128x3xf32, #tpu.memory_space<vmem>>, %arg3: memref<128x32xf32, #tpu.memory_space<vmem>>, %arg4: memref<8x32xf32, #tpu.memory_space<vmem>>, %arg5: memref<8x32xf32, #tpu.memory_space<vmem>>) attributes {dimension_semantics = [#tpu.dimension_semantics<arbitrary>], iteration_bounds = array<i64: 16>, scalar_prefetch = 0 : i64, scratch_operands = 0 : i64, tpu.core_type = #tpu.core_type<tc>, window_params = [{transform_indices = @transform_0, window_bounds = array<i64: 2048, 128>}, {transform_indices = @transform_1, window_bounds = array<i64: 128, 3>}, {pipeline_mode = #tpu.pipeline_mode<synchronous>, transform_indices = @transform_2, window_bounds = array<i64: 128, 32>}, {pipeline_mode = #tpu.pipeline_mode<synchronous>, transform_indices = @transform_3, window_bounds = array<i64: 8, 32>}, {pipeline_mode = #tpu.pipeline_mode<synchronous>, transform_indices = @transform_4, window_bounds = array<i64: 8, 32>}]} {
    %get3A = arith.constant 0 : index
    %get3A_0 = arith.constant 0 : index
    %get3A_1 = vector.load %arg1[%get3A, %get3A_0] : memref<2048x128xf32, #tpu.memory_space<vmem>>, vector<2048x128xf32>
    %get3A_2 = arith.constant 0 : index
    %get3A_3 = arith.constant 0 : index
    %get3A_4 = vector.load %arg2[%get3A_2, %get3A_3] : memref<128x3xf32, #tpu.memory_space<vmem>>, vector<128x3xf32>
    %broadcast_in_dim3A = arith.constant 0.000000e+00 : f32
    %broadcast_in_dim3A_5 = vector.broadcast %broadcast_in_dim3A : f32 to vector<128x32xf32>
    %broadcast_in_dim3A_6 = arith.constant 0.000000e+00 : f32
    %broadcast_in_dim3A_7 = vector.broadcast %broadcast_in_dim3A_6 : f32 to vector<128x93xf32>
    %concatenate3A = tpu.concatenate %broadcast_in_dim3A_5, %get3A_4, %broadcast_in_dim3A_7 in 1 : vector<128x32xf32>, vector<128x3xf32>, vector<128x93xf32> -> vector<128x128xf32>
    %reshape3A = vector.shape_cast %get3A_1 : vector<2048x128xf32> to vector<128x16x128xf32>
    %broadcast_in_dim3A_8 = vector.shape_cast %concatenate3A : vector<128x128xf32> to vector<128x1x128xf32>
    %sub3A = vector.broadcast %broadcast_in_dim3A_8 : vector<128x1x128xf32> to vector<128x16x128xf32>
    %sub3A_9 = arith.subf %reshape3A, %sub3A : vector<128x16x128xf32>
    %reshape3A_10 = vector.shape_cast %sub3A_9 : vector<128x16x128xf32> to vector<2048x128xf32>
    %get3A_11 = arith.constant 0 : index
    %get3A_12 = arith.constant 0 : index
    %get3A_13 = vector.load %arg3[%get3A_11, %get3A_12] : memref<128x32xf32, #tpu.memory_space<vmem>>, vector<128x32xf32>
    %dot_general3A = arith.constant dense<0.000000e+00> : vector<2048x32xf32>
    %dot_general3A_14 = tpu.matmul %reshape3A_10, %get3A_13, %dot_general3A {dimension_numbers = #tpu.dot_dimension_numbers<[1], [0], [0], [1], [0, 0, 1, 1], [], []>, transpose_lhs_hint = false} : vector<2048x128xf32>, vector<128x32xf32>, vector<2048x32xf32> -> vector<2048x32xf32>
    %get3A_15 = arith.constant 0 : index
    %get3A_16 = arith.constant 0 : index
    %get3A_17 = vector.load %arg4[%get3A_15, %get3A_16] : memref<8x32xf32, #tpu.memory_space<vmem>>, vector<1x32xf32>
    %add3A = vector.broadcast %get3A_17 : vector<1x32xf32> to vector<2048x32xf32>
    %add3A_18 = arith.addf %dot_general3A_14, %add3A : vector<2048x32xf32>
    %reduce_sum3A = arith.constant dense<0.000000e+00> : vector<32xf32>
    %reduce_sum3A_19 = vector.multi_reduction <add>, %add3A_18, %reduce_sum3A [0] : vector<2048x32xf32> to vector<32xf32>
    %broadcast_in_dim3A_20 = vector.shape_cast %reduce_sum3A_19 : vector<32xf32> to vector<1x32xf32>
    %mul3A = arith.mulf %add3A_18, %add3A_18 : vector<2048x32xf32>
    %reduce_sum3A_21 = arith.constant dense<0.000000e+00> : vector<32xf32>
    %reduce_sum3A_22 = vector.multi_reduction <add>, %mul3A, %reduce_sum3A_21 [0] : vector<2048x32xf32> to vector<32xf32>
    %broadcast_in_dim3A_23 = vector.shape_cast %reduce_sum3A_22 : vector<32xf32> to vector<1x32xf32>
    %eq3A = arith.constant 0 : i32
    %eq3A_24 = arith.cmpi eq, %arg0, %eq3A : i32
    %convert_element_type3A = arith.extui %eq3A_24 : i1 to i32
    %cond3A = arith.constant 0 : i32
    %cond3A_25 = arith.cmpi ne, %convert_element_type3A, %cond3A : i32
    scf.if %cond3A_25 {
      %broadcast_in_dim3A_39 = arith.constant 0.000000e+00 : f32
      %broadcast_in_dim3A_40 = vector.broadcast %broadcast_in_dim3A_39 : f32 to vector<8x32xf32>
      %swap3A_41 = arith.constant 0 : index
      %swap3A_42 = arith.constant 0 : index
      %swap3A_43 = vector.load %arg5[%swap3A_41, %swap3A_42] : memref<8x32xf32, #tpu.memory_space<vmem>>, vector<8x32xf32>
      tpu.vector_store %arg5[%swap3A_41, %swap3A_42], %broadcast_in_dim3A_40 {strides = array<i32>} : memref<8x32xf32, #tpu.memory_space<vmem>>, vector<8x32xf32>,
    } else {
    }
    %get3A_26 = arith.constant 0 : index
    %get3A_27 = arith.constant 0 : index
    %get3A_28 = vector.load %arg5[%get3A_26, %get3A_27] : memref<8x32xf32, #tpu.memory_space<vmem>>, vector<1x32xf32>
    %add3A_29 = arith.addf %get3A_28, %broadcast_in_dim3A_20 : vector<1x32xf32>
    %swap3A = arith.constant 0 : index
    %swap3A_30 = arith.constant 0 : index
    %swap3A_31 = vector.load %arg5[%swap3A, %swap3A_30] : memref<8x32xf32, #tpu.memory_space<vmem>>, vector<1x32xf32>
    tpu.vector_store %arg5[%swap3A, %swap3A_30], %add3A_29 {strides = array<i32>} : memref<8x32xf32, #tpu.memory_space<vmem>>, vector<1x32xf32>,
    %get3A_32 = arith.constant 1 : index
    %get3A_33 = arith.constant 0 : index
    %get3A_34 = vector.load %arg5[%get3A_32, %get3A_33] : memref<8x32xf32, #tpu.memory_space<vmem>>, vector<1x32xf32>
    %add3A_35 = arith.addf %get3A_34, %broadcast_in_dim3A_23 : vector<1x32xf32>
    %swap3A_36 = arith.constant 1 : index
    %swap3A_37 = arith.constant 0 : index
    %swap3A_38 = vector.load %arg5[%swap3A_36, %swap3A_37] : memref<8x32xf32, #tpu.memory_space<vmem>>, vector<1x32xf32>
    tpu.vector_store %arg5[%swap3A_36, %swap3A_37], %add3A_35 {strides = array<i32>} : memref<8x32xf32, #tpu.memory_space<vmem>>, vector<1x32xf32>,
    return
  }
  func.func @transform_0(%arg0: i32) -> (i32, i32) {
    %c0_i32 = arith.constant 0 : i32
    %c0_i32_0 = arith.constant 0 : i32
    return %arg0, %c0_i32 : i32, i32
  }
  func.func @transform_1(%arg0: i32) -> (i32, i32) {
    %c0_i32 = arith.constant 0 : i32
    %c0_i32_0 = arith.constant 0 : i32
    return %arg0, %c0_i32 : i32, i32
  }
  func.func @transform_2(%arg0: i32) -> (i32, i32) {
    %c0_i32 = arith.constant 0 : i32
    %c0_i32_0 = arith.constant 0 : i32
    %c0_i32_1 = arith.constant 0 : i32
    return %c0_i32, %c0_i32_0 : i32, i32
  }
  func.func @transform_3(%arg0: i32) -> (i32, i32) {
    %c0_i32 = arith.constant 0 : i32
    %c0_i32_0 = arith.constant 0 : i32
    %c0_i32_1 = arith.constant 0 : i32
    return %c0_i32, %c0_i32_0 : i32, i32
  }
  func.func @transform_4(%arg0: i32) -> (i32, i32) {
    %c0_i32 = arith.constant 0 : i32
    %c0_i32_0 = arith.constant 0 : i32
    %c0_i32_1 = arith.constant 0 : i32
    return %c0_i32, %c0_i32_0 : i32, i32
  }
}

module attributes {stable_mosaic.version = 14 : i64} {
  func.func @_mlp_body(%arg0: i32, %arg1: memref<2048x128xf32, #tpu.memory_space<vmem>>, %arg2: memref<128x3xf32, #tpu.memory_space<vmem>>, %arg3: memref<128x32xf32, #tpu.memory_space<vmem>>, %arg4: memref<32x32xf32, #tpu.memory_space<vmem>>, %arg5: memref<8x32xf32, #tpu.memory_space<vmem>>, %arg6: memref<8x32xf32, #tpu.memory_space<vmem>>, %arg7: memref<8x32xf32, #tpu.memory_space<vmem>>, %arg8: memref<8x32xf32, #tpu.memory_space<vmem>>) attributes {dimension_semantics = [#tpu.dimension_semantics<arbitrary>], iteration_bounds = array<i64: 16>, scalar_prefetch = 0 : i64, scratch_operands = 0 : i64, tpu.core_type = #tpu.core_type<tc>, window_params = [{transform_indices = @transform_0, window_bounds = array<i64: 2048, 128>}, {transform_indices = @transform_1, window_bounds = array<i64: 128, 3>}, {pipeline_mode = #tpu.pipeline_mode<synchronous>, transform_indices = @transform_2, window_bounds = array<i64: 128, 32>}, {pipeline_mode = #tpu.pipeline_mode<synchronous>, transform_indices = @transform_3, window_bounds = array<i64: 32, 32>}, {pipeline_mode = #tpu.pipeline_mode<synchronous>, transform_indices = @transform_4, window_bounds = array<i64: 8, 32>}, {pipeline_mode = #tpu.pipeline_mode<synchronous>, transform_indices = @transform_5, window_bounds = array<i64: 8, 32>}, {pipeline_mode = #tpu.pipeline_mode<synchronous>, transform_indices = @transform_6, window_bounds = array<i64: 8, 32>}, {pipeline_mode = #tpu.pipeline_mode<synchronous>, transform_indices = @transform_7, window_bounds = array<i64: 8, 32>}]} {
    %get3A = arith.constant 0 : index
    %get3A_0 = arith.constant 0 : index
    %get3A_1 = vector.load %arg1[%get3A, %get3A_0] : memref<2048x128xf32, #tpu.memory_space<vmem>>, vector<2048x128xf32>
    %get3A_2 = arith.constant 0 : index
    %get3A_3 = arith.constant 0 : index
    %get3A_4 = vector.load %arg2[%get3A_2, %get3A_3] : memref<128x3xf32, #tpu.memory_space<vmem>>, vector<128x3xf32>
    %broadcast_in_dim3A = arith.constant 0.000000e+00 : f32
    %broadcast_in_dim3A_5 = vector.broadcast %broadcast_in_dim3A : f32 to vector<128x32xf32>
    %broadcast_in_dim3A_6 = arith.constant 0.000000e+00 : f32
    %broadcast_in_dim3A_7 = vector.broadcast %broadcast_in_dim3A_6 : f32 to vector<128x93xf32>
    %concatenate3A = tpu.concatenate %broadcast_in_dim3A_5, %get3A_4, %broadcast_in_dim3A_7 in 1 : vector<128x32xf32>, vector<128x3xf32>, vector<128x93xf32> -> vector<128x128xf32>
    %reshape3A = vector.shape_cast %get3A_1 : vector<2048x128xf32> to vector<128x16x128xf32>
    %broadcast_in_dim3A_8 = vector.shape_cast %concatenate3A : vector<128x128xf32> to vector<128x1x128xf32>
    %sub3A = vector.broadcast %broadcast_in_dim3A_8 : vector<128x1x128xf32> to vector<128x16x128xf32>
    %sub3A_9 = arith.subf %reshape3A, %sub3A : vector<128x16x128xf32>
    %reshape3A_10 = vector.shape_cast %sub3A_9 : vector<128x16x128xf32> to vector<2048x128xf32>
    %get3A_11 = arith.constant 0 : index
    %get3A_12 = arith.constant 0 : index
    %get3A_13 = vector.load %arg3[%get3A_11, %get3A_12] : memref<128x32xf32, #tpu.memory_space<vmem>>, vector<128x32xf32>
    %dot_general3A = arith.constant dense<0.000000e+00> : vector<2048x32xf32>
    %dot_general3A_14 = tpu.matmul %reshape3A_10, %get3A_13, %dot_general3A {dimension_numbers = #tpu.dot_dimension_numbers<[1], [0], [0], [1], [0, 0, 1, 1], [], []>, transpose_lhs_hint = false} : vector<2048x128xf32>, vector<128x32xf32>, vector<2048x32xf32> -> vector<2048x32xf32>
    %get3A_15 = arith.constant 0 : index
    %get3A_16 = arith.constant 0 : index
    %get3A_17 = vector.load %arg5[%get3A_15, %get3A_16] : memref<8x32xf32, #tpu.memory_space<vmem>>, vector<1x32xf32>
    %add3A = vector.broadcast %get3A_17 : vector<1x32xf32> to vector<2048x32xf32>
    %add3A_18 = arith.addf %dot_general3A_14, %add3A : vector<2048x32xf32>
    %get3A_19 = arith.constant 0 : index
    %get3A_20 = arith.constant 0 : index
    %get3A_21 = vector.load %arg7[%get3A_19, %get3A_20] : memref<8x32xf32, #tpu.memory_space<vmem>>, vector<8x32xf32>
    %slice3A = vector.extract_strided_slice %get3A_21 {offsets = [0, 0], sizes = [1, 32], strides = [1, 1]} : vector<8x32xf32> to vector<1x32xf32>
    %div3A = arith.constant 3.276800e+04 : f32
    %div3A_22 = vector.broadcast %div3A : f32 to vector<1x32xf32>
    %div3A_23 = arith.divf %slice3A, %div3A_22 : vector<1x32xf32>
    %slice3A_24 = vector.extract_strided_slice %get3A_21 {offsets = [1, 0], sizes = [1, 32], strides = [1, 1]} : vector<8x32xf32> to vector<1x32xf32>
    %div3A_25 = arith.constant 3.276800e+04 : f32
    %div3A_26 = vector.broadcast %div3A_25 : f32 to vector<1x32xf32>
    %div3A_27 = arith.divf %slice3A_24, %div3A_26 : vector<1x32xf32>
    %mul3A = arith.mulf %div3A_23, %div3A_23 : vector<1x32xf32>
    %sub3A_28 = arith.subf %div3A_27, %mul3A : vector<1x32xf32>
    %get3A_29 = arith.constant 1 : index
    %get3A_30 = arith.constant 0 : index
    %get3A_31 = vector.load %arg5[%get3A_29, %get3A_30] : memref<8x32xf32, #tpu.memory_space<vmem>>, vector<1x32xf32>
    %get3A_32 = arith.constant 2 : index
    %get3A_33 = arith.constant 0 : index
    %get3A_34 = vector.load %arg5[%get3A_32, %get3A_33] : memref<8x32xf32, #tpu.memory_space<vmem>>, vector<1x32xf32>
    %add3A_35 = arith.constant 9.99999974E-6 : f32
    %add3A_36 = vector.broadcast %add3A_35 : f32 to vector<1x32xf32>
    %add3A_37 = arith.addf %sub3A_28, %add3A_36 : vector<1x32xf32>
    %sqrt3A = math.sqrt %add3A_37 : vector<1x32xf32>
    %div3A_38 = arith.divf %get3A_31, %sqrt3A : vector<1x32xf32>
    %mul3A_39 = arith.mulf %div3A_23, %div3A_38 : vector<1x32xf32>
    %sub3A_40 = arith.subf %get3A_34, %mul3A_39 : vector<1x32xf32>
    %mul3A_41 = vector.broadcast %div3A_38 : vector<1x32xf32> to vector<2048x32xf32>
    %mul3A_42 = arith.mulf %add3A_18, %mul3A_41 : vector<2048x32xf32>
    %add3A_43 = vector.broadcast %sub3A_40 : vector<1x32xf32> to vector<2048x32xf32>
    %add3A_44 = arith.addf %mul3A_42, %add3A_43 : vector<2048x32xf32>
    %max3A = arith.constant 0.000000e+00 : f32
    %max3A_45 = vector.broadcast %max3A : f32 to vector<2048x32xf32>
    %max3A_46 = arith.maximumf %add3A_44, %max3A_45 : vector<2048x32xf32>
    %get3A_47 = arith.constant 0 : index
    %get3A_48 = arith.constant 0 : index
    %get3A_49 = vector.load %arg4[%get3A_47, %get3A_48] : memref<32x32xf32, #tpu.memory_space<vmem>>, vector<32x32xf32>
    %dot_general3A_50 = arith.constant dense<0.000000e+00> : vector<2048x32xf32>
    %dot_general3A_51 = tpu.matmul %max3A_46, %get3A_49, %dot_general3A_50 {dimension_numbers = #tpu.dot_dimension_numbers<[1], [0], [0], [1], [0, 0, 1, 1], [], []>, transpose_lhs_hint = false} : vector<2048x32xf32>, vector<32x32xf32>, vector<2048x32xf32> -> vector<2048x32xf32>
    %get3A_52 = arith.constant 0 : index
    %get3A_53 = arith.constant 0 : index
    %get3A_54 = vector.load %arg6[%get3A_52, %get3A_53] : memref<8x32xf32, #tpu.memory_space<vmem>>, vector<1x32xf32>
    %add3A_55 = vector.broadcast %get3A_54 : vector<1x32xf32> to vector<2048x32xf32>
    %add3A_56 = arith.addf %dot_general3A_51, %add3A_55 : vector<2048x32xf32>
    %reduce_sum3A = arith.constant dense<0.000000e+00> : vector<32xf32>
    %reduce_sum3A_57 = vector.multi_reduction <add>, %add3A_56, %reduce_sum3A [0] : vector<2048x32xf32> to vector<32xf32>
    %broadcast_in_dim3A_58 = vector.shape_cast %reduce_sum3A_57 : vector<32xf32> to vector<1x32xf32>
    %mul3A_59 = arith.mulf %add3A_56, %add3A_56 : vector<2048x32xf32>
    %reduce_sum3A_60 = arith.constant dense<0.000000e+00> : vector<32xf32>
    %reduce_sum3A_61 = vector.multi_reduction <add>, %mul3A_59, %reduce_sum3A_60 [0] : vector<2048x32xf32> to vector<32xf32>
    %broadcast_in_dim3A_62 = vector.shape_cast %reduce_sum3A_61 : vector<32xf32> to vector<1x32xf32>
    %eq3A = arith.constant 0 : i32
    %eq3A_63 = arith.cmpi eq, %arg0, %eq3A : i32
    %convert_element_type3A = arith.extui %eq3A_63 : i1 to i32
    %cond3A = arith.constant 0 : i32
    %cond3A_64 = arith.cmpi ne, %convert_element_type3A, %cond3A : i32
    scf.if %cond3A_64 {
      %broadcast_in_dim3A_78 = arith.constant 0.000000e+00 : f32
      %broadcast_in_dim3A_79 = vector.broadcast %broadcast_in_dim3A_78 : f32 to vector<8x32xf32>
      %swap3A_80 = arith.constant 0 : index
      %swap3A_81 = arith.constant 0 : index
      %swap3A_82 = vector.load %arg8[%swap3A_80, %swap3A_81] : memref<8x32xf32, #tpu.memory_space<vmem>>, vector<8x32xf32>
      tpu.vector_store %arg8[%swap3A_80, %swap3A_81], %broadcast_in_dim3A_79 {strides = array<i32>} : memref<8x32xf32, #tpu.memory_space<vmem>>, vector<8x32xf32>,
    } else {
    }
    %get3A_65 = arith.constant 0 : index
    %get3A_66 = arith.constant 0 : index
    %get3A_67 = vector.load %arg8[%get3A_65, %get3A_66] : memref<8x32xf32, #tpu.memory_space<vmem>>, vector<1x32xf32>
    %add3A_68 = arith.addf %get3A_67, %broadcast_in_dim3A_58 : vector<1x32xf32>
    %swap3A = arith.constant 0 : index
    %swap3A_69 = arith.constant 0 : index
    %swap3A_70 = vector.load %arg8[%swap3A, %swap3A_69] : memref<8x32xf32, #tpu.memory_space<vmem>>, vector<1x32xf32>
    tpu.vector_store %arg8[%swap3A, %swap3A_69], %add3A_68 {strides = array<i32>} : memref<8x32xf32, #tpu.memory_space<vmem>>, vector<1x32xf32>,
    %get3A_71 = arith.constant 1 : index
    %get3A_72 = arith.constant 0 : index
    %get3A_73 = vector.load %arg8[%get3A_71, %get3A_72] : memref<8x32xf32, #tpu.memory_space<vmem>>, vector<1x32xf32>
    %add3A_74 = arith.addf %get3A_73, %broadcast_in_dim3A_62 : vector<1x32xf32>
    %swap3A_75 = arith.constant 1 : index
    %swap3A_76 = arith.constant 0 : index
    %swap3A_77 = vector.load %arg8[%swap3A_75, %swap3A_76] : memref<8x32xf32, #tpu.memory_space<vmem>>, vector<1x32xf32>
    tpu.vector_store %arg8[%swap3A_75, %swap3A_76], %add3A_74 {strides = array<i32>} : memref<8x32xf32, #tpu.memory_space<vmem>>, vector<1x32xf32>,
    return
  }
  func.func @transform_0(%arg0: i32) -> (i32, i32) {
    %c0_i32 = arith.constant 0 : i32
    %c0_i32_0 = arith.constant 0 : i32
    return %arg0, %c0_i32 : i32, i32
  }
  func.func @transform_1(%arg0: i32) -> (i32, i32) {
    %c0_i32 = arith.constant 0 : i32
    %c0_i32_0 = arith.constant 0 : i32
    return %arg0, %c0_i32 : i32, i32
  }
  func.func @transform_2(%arg0: i32) -> (i32, i32) {
    %c0_i32 = arith.constant 0 : i32
    %c0_i32_0 = arith.constant 0 : i32
    %c0_i32_1 = arith.constant 0 : i32
    return %c0_i32, %c0_i32_0 : i32, i32
  }
  func.func @transform_3(%arg0: i32) -> (i32, i32) {
    %c0_i32 = arith.constant 0 : i32
    %c0_i32_0 = arith.constant 0 : i32
    %c0_i32_1 = arith.constant 0 : i32
    return %c0_i32, %c0_i32_0 : i32, i32
  }
  func.func @transform_4(%arg0: i32) -> (i32, i32) {
    %c0_i32 = arith.constant 0 : i32
    %c0_i32_0 = arith.constant 0 : i32
    %c0_i32_1 = arith.constant 0 : i32
    return %c0_i32, %c0_i32_0 : i32, i32
  }
  func.func @transform_5(%arg0: i32) -> (i32, i32) {
    %c0_i32 = arith.constant 0 : i32
    %c0_i32_0 = arith.constant 0 : i32
    %c0_i32_1 = arith.constant 0 : i32
    return %c0_i32, %c0_i32_0 : i32, i32
  }
  func.func @transform_6(%arg0: i32) -> (i32, i32) {
    %c0_i32 = arith.constant 0 : i32
    %c0_i32_0 = arith.constant 0 : i32
    %c0_i32_1 = arith.constant 0 : i32
    return %c0_i32, %c0_i32_0 : i32, i32
  }
  func.func @transform_7(%arg0: i32) -> (i32, i32) {
    %c0_i32 = arith.constant 0 : i32
    %c0_i32_0 = arith.constant 0 : i32
    %c0_i32_1 = arith.constant 0 : i32
    return %c0_i32, %c0_i32_0 : i32, i32
  }
}

module attributes {stable_mosaic.version = 14 : i64} {
  func.func @_mlp_body(%arg0: i32, %arg1: memref<2048x128xf32, #tpu.memory_space<vmem>>, %arg2: memref<128x3xf32, #tpu.memory_space<vmem>>, %arg3: memref<128x32xf32, #tpu.memory_space<vmem>>, %arg4: memref<32x32xf32, #tpu.memory_space<vmem>>, %arg5: memref<32x64xf32, #tpu.memory_space<vmem>>, %arg6: memref<8x32xf32, #tpu.memory_space<vmem>>, %arg7: memref<8x32xf32, #tpu.memory_space<vmem>>, %arg8: memref<8x64xf32, #tpu.memory_space<vmem>>, %arg9: memref<8x32xf32, #tpu.memory_space<vmem>>, %arg10: memref<8x32xf32, #tpu.memory_space<vmem>>, %arg11: memref<8x64xf32, #tpu.memory_space<vmem>>) attributes {dimension_semantics = [#tpu.dimension_semantics<arbitrary>], iteration_bounds = array<i64: 16>, scalar_prefetch = 0 : i64, scratch_operands = 0 : i64, tpu.core_type = #tpu.core_type<tc>, window_params = [{transform_indices = @transform_0, window_bounds = array<i64: 2048, 128>}, {transform_indices = @transform_1, window_bounds = array<i64: 128, 3>}, {pipeline_mode = #tpu.pipeline_mode<synchronous>, transform_indices = @transform_2, window_bounds = array<i64: 128, 32>}, {pipeline_mode = #tpu.pipeline_mode<synchronous>, transform_indices = @transform_3, window_bounds = array<i64: 32, 32>}, {pipeline_mode = #tpu.pipeline_mode<synchronous>, transform_indices = @transform_4, window_bounds = array<i64: 32, 64>}, {pipeline_mode = #tpu.pipeline_mode<synchronous>, transform_indices = @transform_5, window_bounds = array<i64: 8, 32>}, {pipeline_mode = #tpu.pipeline_mode<synchronous>, transform_indices = @transform_6, window_bounds = array<i64: 8, 32>}, {pipeline_mode = #tpu.pipeline_mode<synchronous>, transform_indices = @transform_7, window_bounds = array<i64: 8, 64>}, {pipeline_mode = #tpu.pipeline_mode<synchronous>, transform_indices = @transform_8, window_bounds = array<i64: 8, 32>}, {pipeline_mode = #tpu.pipeline_mode<synchronous>, transform_indices = @transform_9, window_bounds = array<i64: 8, 32>}, {pipeline_mode = #tpu.pipeline_mode<synchronous>, transform_indices = @transform_10, window_bounds = array<i64: 8, 64>}]} {
    %get3A = arith.constant 0 : index
    %get3A_0 = arith.constant 0 : index
    %get3A_1 = vector.load %arg1[%get3A, %get3A_0] : memref<2048x128xf32, #tpu.memory_space<vmem>>, vector<2048x128xf32>
    %get3A_2 = arith.constant 0 : index
    %get3A_3 = arith.constant 0 : index
    %get3A_4 = vector.load %arg2[%get3A_2, %get3A_3] : memref<128x3xf32, #tpu.memory_space<vmem>>, vector<128x3xf32>
    %broadcast_in_dim3A = arith.constant 0.000000e+00 : f32
    %broadcast_in_dim3A_5 = vector.broadcast %broadcast_in_dim3A : f32 to vector<128x32xf32>
    %broadcast_in_dim3A_6 = arith.constant 0.000000e+00 : f32
    %broadcast_in_dim3A_7 = vector.broadcast %broadcast_in_dim3A_6 : f32 to vector<128x93xf32>
    %concatenate3A = tpu.concatenate %broadcast_in_dim3A_5, %get3A_4, %broadcast_in_dim3A_7 in 1 : vector<128x32xf32>, vector<128x3xf32>, vector<128x93xf32> -> vector<128x128xf32>
    %reshape3A = vector.shape_cast %get3A_1 : vector<2048x128xf32> to vector<128x16x128xf32>
    %broadcast_in_dim3A_8 = vector.shape_cast %concatenate3A : vector<128x128xf32> to vector<128x1x128xf32>
    %sub3A = vector.broadcast %broadcast_in_dim3A_8 : vector<128x1x128xf32> to vector<128x16x128xf32>
    %sub3A_9 = arith.subf %reshape3A, %sub3A : vector<128x16x128xf32>
    %reshape3A_10 = vector.shape_cast %sub3A_9 : vector<128x16x128xf32> to vector<2048x128xf32>
    %get3A_11 = arith.constant 0 : index
    %get3A_12 = arith.constant 0 : index
    %get3A_13 = vector.load %arg3[%get3A_11, %get3A_12] : memref<128x32xf32, #tpu.memory_space<vmem>>, vector<128x32xf32>
    %dot_general3A = arith.constant dense<0.000000e+00> : vector<2048x32xf32>
    %dot_general3A_14 = tpu.matmul %reshape3A_10, %get3A_13, %dot_general3A {dimension_numbers = #tpu.dot_dimension_numbers<[1], [0], [0], [1], [0, 0, 1, 1], [], []>, transpose_lhs_hint = false} : vector<2048x128xf32>, vector<128x32xf32>, vector<2048x32xf32> -> vector<2048x32xf32>
    %get3A_15 = arith.constant 0 : index
    %get3A_16 = arith.constant 0 : index
    %get3A_17 = vector.load %arg6[%get3A_15, %get3A_16] : memref<8x32xf32, #tpu.memory_space<vmem>>, vector<1x32xf32>
    %add3A = vector.broadcast %get3A_17 : vector<1x32xf32> to vector<2048x32xf32>
    %add3A_18 = arith.addf %dot_general3A_14, %add3A : vector<2048x32xf32>
    %get3A_19 = arith.constant 0 : index
    %get3A_20 = arith.constant 0 : index
    %get3A_21 = vector.load %arg9[%get3A_19, %get3A_20] : memref<8x32xf32, #tpu.memory_space<vmem>>, vector<8x32xf32>
    %slice3A = vector.extract_strided_slice %get3A_21 {offsets = [0, 0], sizes = [1, 32], strides = [1, 1]} : vector<8x32xf32> to vector<1x32xf32>
    %div3A = arith.constant 3.276800e+04 : f32
    %div3A_22 = vector.broadcast %div3A : f32 to vector<1x32xf32>
    %div3A_23 = arith.divf %slice3A, %div3A_22 : vector<1x32xf32>
    %slice3A_24 = vector.extract_strided_slice %get3A_21 {offsets = [1, 0], sizes = [1, 32], strides = [1, 1]} : vector<8x32xf32> to vector<1x32xf32>
    %div3A_25 = arith.constant 3.276800e+04 : f32
    %div3A_26 = vector.broadcast %div3A_25 : f32 to vector<1x32xf32>
    %div3A_27 = arith.divf %slice3A_24, %div3A_26 : vector<1x32xf32>
    %mul3A = arith.mulf %div3A_23, %div3A_23 : vector<1x32xf32>
    %sub3A_28 = arith.subf %div3A_27, %mul3A : vector<1x32xf32>
    %get3A_29 = arith.constant 1 : index
    %get3A_30 = arith.constant 0 : index
    %get3A_31 = vector.load %arg6[%get3A_29, %get3A_30] : memref<8x32xf32, #tpu.memory_space<vmem>>, vector<1x32xf32>
    %get3A_32 = arith.constant 2 : index
    %get3A_33 = arith.constant 0 : index
    %get3A_34 = vector.load %arg6[%get3A_32, %get3A_33] : memref<8x32xf32, #tpu.memory_space<vmem>>, vector<1x32xf32>
    %add3A_35 = arith.constant 9.99999974E-6 : f32
    %add3A_36 = vector.broadcast %add3A_35 : f32 to vector<1x32xf32>
    %add3A_37 = arith.addf %sub3A_28, %add3A_36 : vector<1x32xf32>
    %sqrt3A = math.sqrt %add3A_37 : vector<1x32xf32>
    %div3A_38 = arith.divf %get3A_31, %sqrt3A : vector<1x32xf32>
    %mul3A_39 = arith.mulf %div3A_23, %div3A_38 : vector<1x32xf32>
    %sub3A_40 = arith.subf %get3A_34, %mul3A_39 : vector<1x32xf32>
    %mul3A_41 = vector.broadcast %div3A_38 : vector<1x32xf32> to vector<2048x32xf32>
    %mul3A_42 = arith.mulf %add3A_18, %mul3A_41 : vector<2048x32xf32>
    %add3A_43 = vector.broadcast %sub3A_40 : vector<1x32xf32> to vector<2048x32xf32>
    %add3A_44 = arith.addf %mul3A_42, %add3A_43 : vector<2048x32xf32>
    %max3A = arith.constant 0.000000e+00 : f32
    %max3A_45 = vector.broadcast %max3A : f32 to vector<2048x32xf32>
    %max3A_46 = arith.maximumf %add3A_44, %max3A_45 : vector<2048x32xf32>
    %get3A_47 = arith.constant 0 : index
    %get3A_48 = arith.constant 0 : index
    %get3A_49 = vector.load %arg4[%get3A_47, %get3A_48] : memref<32x32xf32, #tpu.memory_space<vmem>>, vector<32x32xf32>
    %dot_general3A_50 = arith.constant dense<0.000000e+00> : vector<2048x32xf32>
    %dot_general3A_51 = tpu.matmul %max3A_46, %get3A_49, %dot_general3A_50 {dimension_numbers = #tpu.dot_dimension_numbers<[1], [0], [0], [1], [0, 0, 1, 1], [], []>, transpose_lhs_hint = false} : vector<2048x32xf32>, vector<32x32xf32>, vector<2048x32xf32> -> vector<2048x32xf32>
    %get3A_52 = arith.constant 0 : index
    %get3A_53 = arith.constant 0 : index
    %get3A_54 = vector.load %arg7[%get3A_52, %get3A_53] : memref<8x32xf32, #tpu.memory_space<vmem>>, vector<1x32xf32>
    %add3A_55 = vector.broadcast %get3A_54 : vector<1x32xf32> to vector<2048x32xf32>
    %add3A_56 = arith.addf %dot_general3A_51, %add3A_55 : vector<2048x32xf32>
    %get3A_57 = arith.constant 0 : index
    %get3A_58 = arith.constant 0 : index
    %get3A_59 = vector.load %arg10[%get3A_57, %get3A_58] : memref<8x32xf32, #tpu.memory_space<vmem>>, vector<8x32xf32>
    %slice3A_60 = vector.extract_strided_slice %get3A_59 {offsets = [0, 0], sizes = [1, 32], strides = [1, 1]} : vector<8x32xf32> to vector<1x32xf32>
    %div3A_61 = arith.constant 3.276800e+04 : f32
    %div3A_62 = vector.broadcast %div3A_61 : f32 to vector<1x32xf32>
    %div3A_63 = arith.divf %slice3A_60, %div3A_62 : vector<1x32xf32>
    %slice3A_64 = vector.extract_strided_slice %get3A_59 {offsets = [1, 0], sizes = [1, 32], strides = [1, 1]} : vector<8x32xf32> to vector<1x32xf32>
    %div3A_65 = arith.constant 3.276800e+04 : f32
    %div3A_66 = vector.broadcast %div3A_65 : f32 to vector<1x32xf32>
    %div3A_67 = arith.divf %slice3A_64, %div3A_66 : vector<1x32xf32>
    %mul3A_68 = arith.mulf %div3A_63, %div3A_63 : vector<1x32xf32>
    %sub3A_69 = arith.subf %div3A_67, %mul3A_68 : vector<1x32xf32>
    %get3A_70 = arith.constant 1 : index
    %get3A_71 = arith.constant 0 : index
    %get3A_72 = vector.load %arg7[%get3A_70, %get3A_71] : memref<8x32xf32, #tpu.memory_space<vmem>>, vector<1x32xf32>
    %get3A_73 = arith.constant 2 : index
    %get3A_74 = arith.constant 0 : index
    %get3A_75 = vector.load %arg7[%get3A_73, %get3A_74] : memref<8x32xf32, #tpu.memory_space<vmem>>, vector<1x32xf32>
    %add3A_76 = arith.constant 9.99999974E-6 : f32
    %add3A_77 = vector.broadcast %add3A_76 : f32 to vector<1x32xf32>
    %add3A_78 = arith.addf %sub3A_69, %add3A_77 : vector<1x32xf32>
    %sqrt3A_79 = math.sqrt %add3A_78 : vector<1x32xf32>
    %div3A_80 = arith.divf %get3A_72, %sqrt3A_79 : vector<1x32xf32>
    %mul3A_81 = arith.mulf %div3A_63, %div3A_80 : vector<1x32xf32>
    %sub3A_82 = arith.subf %get3A_75, %mul3A_81 : vector<1x32xf32>
    %mul3A_83 = vector.broadcast %div3A_80 : vector<1x32xf32> to vector<2048x32xf32>
    %mul3A_84 = arith.mulf %add3A_56, %mul3A_83 : vector<2048x32xf32>
    %add3A_85 = vector.broadcast %sub3A_82 : vector<1x32xf32> to vector<2048x32xf32>
    %add3A_86 = arith.addf %mul3A_84, %add3A_85 : vector<2048x32xf32>
    %max3A_87 = arith.constant 0.000000e+00 : f32
    %max3A_88 = vector.broadcast %max3A_87 : f32 to vector<2048x32xf32>
    %max3A_89 = arith.maximumf %add3A_86, %max3A_88 : vector<2048x32xf32>
    %get3A_90 = arith.constant 0 : index
    %get3A_91 = arith.constant 0 : index
    %get3A_92 = vector.load %arg5[%get3A_90, %get3A_91] : memref<32x64xf32, #tpu.memory_space<vmem>>, vector<32x64xf32>
    %dot_general3A_93 = arith.constant dense<0.000000e+00> : vector<2048x64xf32>
    %dot_general3A_94 = tpu.matmul %max3A_89, %get3A_92, %dot_general3A_93 {dimension_numbers = #tpu.dot_dimension_numbers<[1], [0], [0], [1], [0, 0, 1, 1], [], []>, transpose_lhs_hint = false} : vector<2048x32xf32>, vector<32x64xf32>, vector<2048x64xf32> -> vector<2048x64xf32>
    %get3A_95 = arith.constant 0 : index
    %get3A_96 = arith.constant 0 : index
    %get3A_97 = vector.load %arg8[%get3A_95, %get3A_96] : memref<8x64xf32, #tpu.memory_space<vmem>>, vector<1x64xf32>
    %add3A_98 = vector.broadcast %get3A_97 : vector<1x64xf32> to vector<2048x64xf32>
    %add3A_99 = arith.addf %dot_general3A_94, %add3A_98 : vector<2048x64xf32>
    %reduce_sum3A = arith.constant dense<0.000000e+00> : vector<64xf32>
    %reduce_sum3A_100 = vector.multi_reduction <add>, %add3A_99, %reduce_sum3A [0] : vector<2048x64xf32> to vector<64xf32>
    %broadcast_in_dim3A_101 = vector.shape_cast %reduce_sum3A_100 : vector<64xf32> to vector<1x64xf32>
    %mul3A_102 = arith.mulf %add3A_99, %add3A_99 : vector<2048x64xf32>
    %reduce_sum3A_103 = arith.constant dense<0.000000e+00> : vector<64xf32>
    %reduce_sum3A_104 = vector.multi_reduction <add>, %mul3A_102, %reduce_sum3A_103 [0] : vector<2048x64xf32> to vector<64xf32>
    %broadcast_in_dim3A_105 = vector.shape_cast %reduce_sum3A_104 : vector<64xf32> to vector<1x64xf32>
    %eq3A = arith.constant 0 : i32
    %eq3A_106 = arith.cmpi eq, %arg0, %eq3A : i32
    %convert_element_type3A = arith.extui %eq3A_106 : i1 to i32
    %cond3A = arith.constant 0 : i32
    %cond3A_107 = arith.cmpi ne, %convert_element_type3A, %cond3A : i32
    scf.if %cond3A_107 {
      %broadcast_in_dim3A_121 = arith.constant 0.000000e+00 : f32
      %broadcast_in_dim3A_122 = vector.broadcast %broadcast_in_dim3A_121 : f32 to vector<8x64xf32>
      %swap3A_123 = arith.constant 0 : index
      %swap3A_124 = arith.constant 0 : index
      %swap3A_125 = vector.load %arg11[%swap3A_123, %swap3A_124] : memref<8x64xf32, #tpu.memory_space<vmem>>, vector<8x64xf32>
      tpu.vector_store %arg11[%swap3A_123, %swap3A_124], %broadcast_in_dim3A_122 {strides = array<i32>} : memref<8x64xf32, #tpu.memory_space<vmem>>, vector<8x64xf32>,
    } else {
    }
    %get3A_108 = arith.constant 0 : index
    %get3A_109 = arith.constant 0 : index
    %get3A_110 = vector.load %arg11[%get3A_108, %get3A_109] : memref<8x64xf32, #tpu.memory_space<vmem>>, vector<1x64xf32>
    %add3A_111 = arith.addf %get3A_110, %broadcast_in_dim3A_101 : vector<1x64xf32>
    %swap3A = arith.constant 0 : index
    %swap3A_112 = arith.constant 0 : index
    %swap3A_113 = vector.load %arg11[%swap3A, %swap3A_112] : memref<8x64xf32, #tpu.memory_space<vmem>>, vector<1x64xf32>
    tpu.vector_store %arg11[%swap3A, %swap3A_112], %add3A_111 {strides = array<i32>} : memref<8x64xf32, #tpu.memory_space<vmem>>, vector<1x64xf32>,
    %get3A_114 = arith.constant 1 : index
    %get3A_115 = arith.constant 0 : index
    %get3A_116 = vector.load %arg11[%get3A_114, %get3A_115] : memref<8x64xf32, #tpu.memory_space<vmem>>, vector<1x64xf32>
    %add3A_117 = arith.addf %get3A_116, %broadcast_in_dim3A_105 : vector<1x64xf32>
    %swap3A_118 = arith.constant 1 : index
    %swap3A_119 = arith.constant 0 : index
    %swap3A_120 = vector.load %arg11[%swap3A_118, %swap3A_119] : memref<8x64xf32, #tpu.memory_space<vmem>>, vector<1x64xf32>
    tpu.vector_store %arg11[%swap3A_118, %swap3A_119], %add3A_117 {strides = array<i32>} : memref<8x64xf32, #tpu.memory_space<vmem>>, vector<1x64xf32>,
    return
  }
  func.func @transform_0(%arg0: i32) -> (i32, i32) {
    %c0_i32 = arith.constant 0 : i32
    %c0_i32_0 = arith.constant 0 : i32
    return %arg0, %c0_i32 : i32, i32
  }
  func.func @transform_1(%arg0: i32) -> (i32, i32) {
    %c0_i32 = arith.constant 0 : i32
    %c0_i32_0 = arith.constant 0 : i32
    return %arg0, %c0_i32 : i32, i32
  }
  func.func @transform_2(%arg0: i32) -> (i32, i32) {
    %c0_i32 = arith.constant 0 : i32
    %c0_i32_0 = arith.constant 0 : i32
    %c0_i32_1 = arith.constant 0 : i32
    return %c0_i32, %c0_i32_0 : i32, i32
  }
  func.func @transform_3(%arg0: i32) -> (i32, i32) {
    %c0_i32 = arith.constant 0 : i32
    %c0_i32_0 = arith.constant 0 : i32
    %c0_i32_1 = arith.constant 0 : i32
    return %c0_i32, %c0_i32_0 : i32, i32
  }
  func.func @transform_4(%arg0: i32) -> (i32, i32) {
    %c0_i32 = arith.constant 0 : i32
    %c0_i32_0 = arith.constant 0 : i32
    %c0_i32_1 = arith.constant 0 : i32
    return %c0_i32, %c0_i32_0 : i32, i32
  }
  func.func @transform_5(%arg0: i32) -> (i32, i32) {
    %c0_i32 = arith.constant 0 : i32
    %c0_i32_0 = arith.constant 0 : i32
    %c0_i32_1 = arith.constant 0 : i32
    return %c0_i32, %c0_i32_0 : i32, i32
  }
  func.func @transform_6(%arg0: i32) -> (i32, i32) {
    %c0_i32 = arith.constant 0 : i32
    %c0_i32_0 = arith.constant 0 : i32
    %c0_i32_1 = arith.constant 0 : i32
    return %c0_i32, %c0_i32_0 : i32, i32
  }
  func.func @transform_7(%arg0: i32) -> (i32, i32) {
    %c0_i32 = arith.constant 0 : i32
    %c0_i32_0 = arith.constant 0 : i32
    %c0_i32_1 = arith.constant 0 : i32
    return %c0_i32, %c0_i32_0 : i32, i32
  }
  func.func @transform_8(%arg0: i32) -> (i32, i32) {
    %c0_i32 = arith.constant 0 : i32
    %c0_i32_0 = arith.constant 0 : i32
    %c0_i32_1 = arith.constant 0 : i32
    return %c0_i32, %c0_i32_0 : i32, i32
  }
  func.func @transform_9(%arg0: i32) -> (i32, i32) {
    %c0_i32 = arith.constant 0 : i32
    %c0_i32_0 = arith.constant 0 : i32
    %c0_i32_1 = arith.constant 0 : i32
    return %c0_i32, %c0_i32_0 : i32, i32
  }
  func.func @transform_10(%arg0: i32) -> (i32, i32) {
    %c0_i32 = arith.constant 0 : i32
    %c0_i32_0 = arith.constant 0 : i32
    %c0_i32_1 = arith.constant 0 : i32
    return %c0_i32, %c0_i32_0 : i32, i32
  }
}

module attributes {stable_mosaic.version = 14 : i64} {
  func.func @_mlp_final_body(%arg0: i32, %arg1: memref<2048x128xf32, #tpu.memory_space<vmem>>, %arg2: memref<128x3xf32, #tpu.memory_space<vmem>>, %arg3: memref<128x32xf32, #tpu.memory_space<vmem>>, %arg4: memref<32x32xf32, #tpu.memory_space<vmem>>, %arg5: memref<32x64xf32, #tpu.memory_space<vmem>>, %arg6: memref<8x32xf32, #tpu.memory_space<vmem>>, %arg7: memref<8x32xf32, #tpu.memory_space<vmem>>, %arg8: memref<8x64xf32, #tpu.memory_space<vmem>>, %arg9: memref<8x32xf32, #tpu.memory_space<vmem>>, %arg10: memref<8x32xf32, #tpu.memory_space<vmem>>, %arg11: memref<8x64xf32, #tpu.memory_space<vmem>>, %arg12: memref<128x64xf32, #tpu.memory_space<vmem>>) attributes {dimension_semantics = [#tpu.dimension_semantics<arbitrary>], iteration_bounds = array<i64: 16>, scalar_prefetch = 0 : i64, scratch_operands = 0 : i64, tpu.core_type = #tpu.core_type<tc>, window_params = [{transform_indices = @transform_0, window_bounds = array<i64: 2048, 128>}, {transform_indices = @transform_1, window_bounds = array<i64: 128, 3>}, {pipeline_mode = #tpu.pipeline_mode<synchronous>, transform_indices = @transform_2, window_bounds = array<i64: 128, 32>}, {pipeline_mode = #tpu.pipeline_mode<synchronous>, transform_indices = @transform_3, window_bounds = array<i64: 32, 32>}, {pipeline_mode = #tpu.pipeline_mode<synchronous>, transform_indices = @transform_4, window_bounds = array<i64: 32, 64>}, {pipeline_mode = #tpu.pipeline_mode<synchronous>, transform_indices = @transform_5, window_bounds = array<i64: 8, 32>}, {pipeline_mode = #tpu.pipeline_mode<synchronous>, transform_indices = @transform_6, window_bounds = array<i64: 8, 32>}, {pipeline_mode = #tpu.pipeline_mode<synchronous>, transform_indices = @transform_7, window_bounds = array<i64: 8, 64>}, {pipeline_mode = #tpu.pipeline_mode<synchronous>, transform_indices = @transform_8, window_bounds = array<i64: 8, 32>}, {pipeline_mode = #tpu.pipeline_mode<synchronous>, transform_indices = @transform_9, window_bounds = array<i64: 8, 32>}, {pipeline_mode = #tpu.pipeline_mode<synchronous>, transform_indices = @transform_10, window_bounds = array<i64: 8, 64>}, {transform_indices = @transform_11, window_bounds = array<i64: 128, 64>}]} {
    %get3A = arith.constant 0 : index
    %get3A_0 = arith.constant 0 : index
    %get3A_1 = vector.load %arg1[%get3A, %get3A_0] : memref<2048x128xf32, #tpu.memory_space<vmem>>, vector<2048x128xf32>
    %get3A_2 = arith.constant 0 : index
    %get3A_3 = arith.constant 0 : index
    %get3A_4 = vector.load %arg2[%get3A_2, %get3A_3] : memref<128x3xf32, #tpu.memory_space<vmem>>, vector<128x3xf32>
    %broadcast_in_dim3A = arith.constant 0.000000e+00 : f32
    %broadcast_in_dim3A_5 = vector.broadcast %broadcast_in_dim3A : f32 to vector<128x32xf32>
    %broadcast_in_dim3A_6 = arith.constant 0.000000e+00 : f32
    %broadcast_in_dim3A_7 = vector.broadcast %broadcast_in_dim3A_6 : f32 to vector<128x93xf32>
    %concatenate3A = tpu.concatenate %broadcast_in_dim3A_5, %get3A_4, %broadcast_in_dim3A_7 in 1 : vector<128x32xf32>, vector<128x3xf32>, vector<128x93xf32> -> vector<128x128xf32>
    %reshape3A = vector.shape_cast %get3A_1 : vector<2048x128xf32> to vector<128x16x128xf32>
    %broadcast_in_dim3A_8 = vector.shape_cast %concatenate3A : vector<128x128xf32> to vector<128x1x128xf32>
    %sub3A = vector.broadcast %broadcast_in_dim3A_8 : vector<128x1x128xf32> to vector<128x16x128xf32>
    %sub3A_9 = arith.subf %reshape3A, %sub3A : vector<128x16x128xf32>
    %reshape3A_10 = vector.shape_cast %sub3A_9 : vector<128x16x128xf32> to vector<2048x128xf32>
    %get3A_11 = arith.constant 0 : index
    %get3A_12 = arith.constant 0 : index
    %get3A_13 = vector.load %arg3[%get3A_11, %get3A_12] : memref<128x32xf32, #tpu.memory_space<vmem>>, vector<128x32xf32>
    %dot_general3A = arith.constant dense<0.000000e+00> : vector<2048x32xf32>
    %dot_general3A_14 = tpu.matmul %reshape3A_10, %get3A_13, %dot_general3A {dimension_numbers = #tpu.dot_dimension_numbers<[1], [0], [0], [1], [0, 0, 1, 1], [], []>, transpose_lhs_hint = false} : vector<2048x128xf32>, vector<128x32xf32>, vector<2048x32xf32> -> vector<2048x32xf32>
    %get3A_15 = arith.constant 0 : index
    %get3A_16 = arith.constant 0 : index
    %get3A_17 = vector.load %arg6[%get3A_15, %get3A_16] : memref<8x32xf32, #tpu.memory_space<vmem>>, vector<1x32xf32>
    %add3A = vector.broadcast %get3A_17 : vector<1x32xf32> to vector<2048x32xf32>
    %add3A_18 = arith.addf %dot_general3A_14, %add3A : vector<2048x32xf32>
    %get3A_19 = arith.constant 0 : index
    %get3A_20 = arith.constant 0 : index
    %get3A_21 = vector.load %arg9[%get3A_19, %get3A_20] : memref<8x32xf32, #tpu.memory_space<vmem>>, vector<8x32xf32>
    %slice3A = vector.extract_strided_slice %get3A_21 {offsets = [0, 0], sizes = [1, 32], strides = [1, 1]} : vector<8x32xf32> to vector<1x32xf32>
    %div3A = arith.constant 3.276800e+04 : f32
    %div3A_22 = vector.broadcast %div3A : f32 to vector<1x32xf32>
    %div3A_23 = arith.divf %slice3A, %div3A_22 : vector<1x32xf32>
    %slice3A_24 = vector.extract_strided_slice %get3A_21 {offsets = [1, 0], sizes = [1, 32], strides = [1, 1]} : vector<8x32xf32> to vector<1x32xf32>
    %div3A_25 = arith.constant 3.276800e+04 : f32
    %div3A_26 = vector.broadcast %div3A_25 : f32 to vector<1x32xf32>
    %div3A_27 = arith.divf %slice3A_24, %div3A_26 : vector<1x32xf32>
    %mul3A = arith.mulf %div3A_23, %div3A_23 : vector<1x32xf32>
    %sub3A_28 = arith.subf %div3A_27, %mul3A : vector<1x32xf32>
    %get3A_29 = arith.constant 1 : index
    %get3A_30 = arith.constant 0 : index
    %get3A_31 = vector.load %arg6[%get3A_29, %get3A_30] : memref<8x32xf32, #tpu.memory_space<vmem>>, vector<1x32xf32>
    %add3A_32 = arith.constant 9.99999974E-6 : f32
    %add3A_33 = vector.broadcast %add3A_32 : f32 to vector<1x32xf32>
    %add3A_34 = arith.addf %sub3A_28, %add3A_33 : vector<1x32xf32>
    %sqrt3A = math.sqrt %add3A_34 : vector<1x32xf32>
    %div3A_35 = arith.divf %get3A_31, %sqrt3A : vector<1x32xf32>
    %get3A_36 = arith.constant 2 : index
    %get3A_37 = arith.constant 0 : index
    %get3A_38 = vector.load %arg6[%get3A_36, %get3A_37] : memref<8x32xf32, #tpu.memory_space<vmem>>, vector<1x32xf32>
    %mul3A_39 = arith.mulf %div3A_23, %div3A_35 : vector<1x32xf32>
    %sub3A_40 = arith.subf %get3A_38, %mul3A_39 : vector<1x32xf32>
    %mul3A_41 = vector.broadcast %div3A_35 : vector<1x32xf32> to vector<2048x32xf32>
    %mul3A_42 = arith.mulf %add3A_18, %mul3A_41 : vector<2048x32xf32>
    %add3A_43 = vector.broadcast %sub3A_40 : vector<1x32xf32> to vector<2048x32xf32>
    %add3A_44 = arith.addf %mul3A_42, %add3A_43 : vector<2048x32xf32>
    %max3A = arith.constant 0.000000e+00 : f32
    %max3A_45 = vector.broadcast %max3A : f32 to vector<2048x32xf32>
    %max3A_46 = arith.maximumf %add3A_44, %max3A_45 : vector<2048x32xf32>
    %get3A_47 = arith.constant 0 : index
    %get3A_48 = arith.constant 0 : index
    %get3A_49 = vector.load %arg4[%get3A_47, %get3A_48] : memref<32x32xf32, #tpu.memory_space<vmem>>, vector<32x32xf32>
    %dot_general3A_50 = arith.constant dense<0.000000e+00> : vector<2048x32xf32>
    %dot_general3A_51 = tpu.matmul %max3A_46, %get3A_49, %dot_general3A_50 {dimension_numbers = #tpu.dot_dimension_numbers<[1], [0], [0], [1], [0, 0, 1, 1], [], []>, transpose_lhs_hint = false} : vector<2048x32xf32>, vector<32x32xf32>, vector<2048x32xf32> -> vector<2048x32xf32>
    %get3A_52 = arith.constant 0 : index
    %get3A_53 = arith.constant 0 : index
    %get3A_54 = vector.load %arg7[%get3A_52, %get3A_53] : memref<8x32xf32, #tpu.memory_space<vmem>>, vector<1x32xf32>
    %add3A_55 = vector.broadcast %get3A_54 : vector<1x32xf32> to vector<2048x32xf32>
    %add3A_56 = arith.addf %dot_general3A_51, %add3A_55 : vector<2048x32xf32>
    %get3A_57 = arith.constant 0 : index
    %get3A_58 = arith.constant 0 : index
    %get3A_59 = vector.load %arg10[%get3A_57, %get3A_58] : memref<8x32xf32, #tpu.memory_space<vmem>>, vector<8x32xf32>
    %slice3A_60 = vector.extract_strided_slice %get3A_59 {offsets = [0, 0], sizes = [1, 32], strides = [1, 1]} : vector<8x32xf32> to vector<1x32xf32>
    %div3A_61 = arith.constant 3.276800e+04 : f32
    %div3A_62 = vector.broadcast %div3A_61 : f32 to vector<1x32xf32>
    %div3A_63 = arith.divf %slice3A_60, %div3A_62 : vector<1x32xf32>
    %slice3A_64 = vector.extract_strided_slice %get3A_59 {offsets = [1, 0], sizes = [1, 32], strides = [1, 1]} : vector<8x32xf32> to vector<1x32xf32>
    %div3A_65 = arith.constant 3.276800e+04 : f32
    %div3A_66 = vector.broadcast %div3A_65 : f32 to vector<1x32xf32>
    %div3A_67 = arith.divf %slice3A_64, %div3A_66 : vector<1x32xf32>
    %mul3A_68 = arith.mulf %div3A_63, %div3A_63 : vector<1x32xf32>
    %sub3A_69 = arith.subf %div3A_67, %mul3A_68 : vector<1x32xf32>
    %get3A_70 = arith.constant 1 : index
    %get3A_71 = arith.constant 0 : index
    %get3A_72 = vector.load %arg7[%get3A_70, %get3A_71] : memref<8x32xf32, #tpu.memory_space<vmem>>, vector<1x32xf32>
    %add3A_73 = arith.constant 9.99999974E-6 : f32
    %add3A_74 = vector.broadcast %add3A_73 : f32 to vector<1x32xf32>
    %add3A_75 = arith.addf %sub3A_69, %add3A_74 : vector<1x32xf32>
    %sqrt3A_76 = math.sqrt %add3A_75 : vector<1x32xf32>
    %div3A_77 = arith.divf %get3A_72, %sqrt3A_76 : vector<1x32xf32>
    %get3A_78 = arith.constant 2 : index
    %get3A_79 = arith.constant 0 : index
    %get3A_80 = vector.load %arg7[%get3A_78, %get3A_79] : memref<8x32xf32, #tpu.memory_space<vmem>>, vector<1x32xf32>
    %mul3A_81 = arith.mulf %div3A_63, %div3A_77 : vector<1x32xf32>
    %sub3A_82 = arith.subf %get3A_80, %mul3A_81 : vector<1x32xf32>
    %mul3A_83 = vector.broadcast %div3A_77 : vector<1x32xf32> to vector<2048x32xf32>
    %mul3A_84 = arith.mulf %add3A_56, %mul3A_83 : vector<2048x32xf32>
    %add3A_85 = vector.broadcast %sub3A_82 : vector<1x32xf32> to vector<2048x32xf32>
    %add3A_86 = arith.addf %mul3A_84, %add3A_85 : vector<2048x32xf32>
    %max3A_87 = arith.constant 0.000000e+00 : f32
    %max3A_88 = vector.broadcast %max3A_87 : f32 to vector<2048x32xf32>
    %max3A_89 = arith.maximumf %add3A_86, %max3A_88 : vector<2048x32xf32>
    %get3A_90 = arith.constant 0 : index
    %get3A_91 = arith.constant 0 : index
    %get3A_92 = vector.load %arg5[%get3A_90, %get3A_91] : memref<32x64xf32, #tpu.memory_space<vmem>>, vector<32x64xf32>
    %dot_general3A_93 = arith.constant dense<0.000000e+00> : vector<2048x64xf32>
    %dot_general3A_94 = tpu.matmul %max3A_89, %get3A_92, %dot_general3A_93 {dimension_numbers = #tpu.dot_dimension_numbers<[1], [0], [0], [1], [0, 0, 1, 1], [], []>, transpose_lhs_hint = false} : vector<2048x32xf32>, vector<32x64xf32>, vector<2048x64xf32> -> vector<2048x64xf32>
    %get3A_95 = arith.constant 0 : index
    %get3A_96 = arith.constant 0 : index
    %get3A_97 = vector.load %arg8[%get3A_95, %get3A_96] : memref<8x64xf32, #tpu.memory_space<vmem>>, vector<1x64xf32>
    %add3A_98 = vector.broadcast %get3A_97 : vector<1x64xf32> to vector<2048x64xf32>
    %add3A_99 = arith.addf %dot_general3A_94, %add3A_98 : vector<2048x64xf32>
    %get3A_100 = arith.constant 0 : index
    %get3A_101 = arith.constant 0 : index
    %get3A_102 = vector.load %arg11[%get3A_100, %get3A_101] : memref<8x64xf32, #tpu.memory_space<vmem>>, vector<8x64xf32>
    %slice3A_103 = vector.extract_strided_slice %get3A_102 {offsets = [0, 0], sizes = [1, 64], strides = [1, 1]} : vector<8x64xf32> to vector<1x64xf32>
    %div3A_104 = arith.constant 3.276800e+04 : f32
    %div3A_105 = vector.broadcast %div3A_104 : f32 to vector<1x64xf32>
    %div3A_106 = arith.divf %slice3A_103, %div3A_105 : vector<1x64xf32>
    %slice3A_107 = vector.extract_strided_slice %get3A_102 {offsets = [1, 0], sizes = [1, 64], strides = [1, 1]} : vector<8x64xf32> to vector<1x64xf32>
    %div3A_108 = arith.constant 3.276800e+04 : f32
    %div3A_109 = vector.broadcast %div3A_108 : f32 to vector<1x64xf32>
    %div3A_110 = arith.divf %slice3A_107, %div3A_109 : vector<1x64xf32>
    %mul3A_111 = arith.mulf %div3A_106, %div3A_106 : vector<1x64xf32>
    %sub3A_112 = arith.subf %div3A_110, %mul3A_111 : vector<1x64xf32>
    %get3A_113 = arith.constant 1 : index
    %get3A_114 = arith.constant 0 : index
    %get3A_115 = vector.load %arg8[%get3A_113, %get3A_114] : memref<8x64xf32, #tpu.memory_space<vmem>>, vector<1x64xf32>
    %add3A_116 = arith.constant 9.99999974E-6 : f32
    %add3A_117 = vector.broadcast %add3A_116 : f32 to vector<1x64xf32>
    %add3A_118 = arith.addf %sub3A_112, %add3A_117 : vector<1x64xf32>
    %sqrt3A_119 = math.sqrt %add3A_118 : vector<1x64xf32>
    %div3A_120 = arith.divf %get3A_115, %sqrt3A_119 : vector<1x64xf32>
    %get3A_121 = arith.constant 2 : index
    %get3A_122 = arith.constant 0 : index
    %get3A_123 = vector.load %arg8[%get3A_121, %get3A_122] : memref<8x64xf32, #tpu.memory_space<vmem>>, vector<1x64xf32>
    %mul3A_124 = arith.mulf %div3A_106, %div3A_120 : vector<1x64xf32>
    %sub3A_125 = arith.subf %get3A_123, %mul3A_124 : vector<1x64xf32>
    %mul3A_126 = vector.broadcast %div3A_120 : vector<1x64xf32> to vector<2048x64xf32>
    %mul3A_127 = arith.mulf %add3A_99, %mul3A_126 : vector<2048x64xf32>
    %add3A_128 = vector.broadcast %sub3A_125 : vector<1x64xf32> to vector<2048x64xf32>
    %add3A_129 = arith.addf %mul3A_127, %add3A_128 : vector<2048x64xf32>
    %max3A_130 = arith.constant 0.000000e+00 : f32
    %max3A_131 = vector.broadcast %max3A_130 : f32 to vector<2048x64xf32>
    %max3A_132 = arith.maximumf %add3A_129, %max3A_131 : vector<2048x64xf32>
    %reshape3A_133 = vector.shape_cast %max3A_132 : vector<2048x64xf32> to vector<128x16x64xf32>
    %reduce_max3A = arith.constant dense<0xFF800000> : vector<128x64xf32>
    %reduce_max3A_134 = vector.multi_reduction <maximumf>, %reshape3A_133, %reduce_max3A [1] : vector<128x16x64xf32> to vector<128x64xf32>
    %swap3A = arith.constant 0 : index
    %swap3A_135 = arith.constant 0 : index
    %swap3A_136 = vector.load %arg12[%swap3A, %swap3A_135] : memref<128x64xf32, #tpu.memory_space<vmem>>, vector<128x64xf32>
    tpu.vector_store %arg12[%swap3A, %swap3A_135], %reduce_max3A_134 {strides = array<i32>} : memref<128x64xf32, #tpu.memory_space<vmem>>, vector<128x64xf32>,
    return
  }
  func.func @transform_0(%arg0: i32) -> (i32, i32) {
    %c0_i32 = arith.constant 0 : i32
    %c0_i32_0 = arith.constant 0 : i32
    return %arg0, %c0_i32 : i32, i32
  }
  func.func @transform_1(%arg0: i32) -> (i32, i32) {
    %c0_i32 = arith.constant 0 : i32
    %c0_i32_0 = arith.constant 0 : i32
    return %arg0, %c0_i32 : i32, i32
  }
  func.func @transform_2(%arg0: i32) -> (i32, i32) {
    %c0_i32 = arith.constant 0 : i32
    %c0_i32_0 = arith.constant 0 : i32
    %c0_i32_1 = arith.constant 0 : i32
    return %c0_i32, %c0_i32_0 : i32, i32
  }
  func.func @transform_3(%arg0: i32) -> (i32, i32) {
    %c0_i32 = arith.constant 0 : i32
    %c0_i32_0 = arith.constant 0 : i32
    %c0_i32_1 = arith.constant 0 : i32
    return %c0_i32, %c0_i32_0 : i32, i32
  }
  func.func @transform_4(%arg0: i32) -> (i32, i32) {
    %c0_i32 = arith.constant 0 : i32
    %c0_i32_0 = arith.constant 0 : i32
    %c0_i32_1 = arith.constant 0 : i32
    return %c0_i32, %c0_i32_0 : i32, i32
  }
  func.func @transform_5(%arg0: i32) -> (i32, i32) {
    %c0_i32 = arith.constant 0 : i32
    %c0_i32_0 = arith.constant 0 : i32
    %c0_i32_1 = arith.constant 0 : i32
    return %c0_i32, %c0_i32_0 : i32, i32
  }
  func.func @transform_6(%arg0: i32) -> (i32, i32) {
    %c0_i32 = arith.constant 0 : i32
    %c0_i32_0 = arith.constant 0 : i32
    %c0_i32_1 = arith.constant 0 : i32
    return %c0_i32, %c0_i32_0 : i32, i32
  }
  func.func @transform_7(%arg0: i32) -> (i32, i32) {
    %c0_i32 = arith.constant 0 : i32
    %c0_i32_0 = arith.constant 0 : i32
    %c0_i32_1 = arith.constant 0 : i32
    return %c0_i32, %c0_i32_0 : i32, i32
  }
  func.func @transform_8(%arg0: i32) -> (i32, i32) {
    %c0_i32 = arith.constant 0 : i32
    %c0_i32_0 = arith.constant 0 : i32
    %c0_i32_1 = arith.constant 0 : i32
    return %c0_i32, %c0_i32_0 : i32, i32
  }
  func.func @transform_9(%arg0: i32) -> (i32, i32) {
    %c0_i32 = arith.constant 0 : i32
    %c0_i32_0 = arith.constant 0 : i32
    %c0_i32_1 = arith.constant 0 : i32
    return %c0_i32, %c0_i32_0 : i32, i32
  }
  func.func @transform_10(%arg0: i32) -> (i32, i32) {
    %c0_i32 = arith.constant 0 : i32
    %c0_i32_0 = arith.constant 0 : i32
    %c0_i32_1 = arith.constant 0 : i32
    return %c0_i32, %c0_i32_0 : i32, i32
  }
  func.func @transform_11(%arg0: i32) -> (i32, i32) {
    %c0_i32 = arith.constant 0 : i32
    %c0_i32_0 = arith.constant 0 : i32
    return %arg0, %c0_i32 : i32, i32
  }
}

module attributes {stable_mosaic.version = 14 : i64} {
  func.func @_mlp_body(%arg0: i32, %arg1: memref<2048x128xf32, #tpu.memory_space<vmem>>, %arg2: memref<64x3xf32, #tpu.memory_space<vmem>>, %arg3: memref<128x64xf32, #tpu.memory_space<vmem>>, %arg4: memref<8x64xf32, #tpu.memory_space<vmem>>, %arg5: memref<8x64xf32, #tpu.memory_space<vmem>>) attributes {dimension_semantics = [#tpu.dimension_semantics<arbitrary>], iteration_bounds = array<i64: 32>, scalar_prefetch = 0 : i64, scratch_operands = 0 : i64, tpu.core_type = #tpu.core_type<tc>, window_params = [{transform_indices = @transform_0, window_bounds = array<i64: 2048, 128>}, {transform_indices = @transform_1, window_bounds = array<i64: 64, 3>}, {pipeline_mode = #tpu.pipeline_mode<synchronous>, transform_indices = @transform_2, window_bounds = array<i64: 128, 64>}, {pipeline_mode = #tpu.pipeline_mode<synchronous>, transform_indices = @transform_3, window_bounds = array<i64: 8, 64>}, {pipeline_mode = #tpu.pipeline_mode<synchronous>, transform_indices = @transform_4, window_bounds = array<i64: 8, 64>}]} {
    %get3A = arith.constant 0 : index
    %get3A_0 = arith.constant 0 : index
    %get3A_1 = vector.load %arg1[%get3A, %get3A_0] : memref<2048x128xf32, #tpu.memory_space<vmem>>, vector<2048x128xf32>
    %get3A_2 = arith.constant 0 : index
    %get3A_3 = arith.constant 0 : index
    %get3A_4 = vector.load %arg2[%get3A_2, %get3A_3] : memref<64x3xf32, #tpu.memory_space<vmem>>, vector<64x3xf32>
    %broadcast_in_dim3A = arith.constant 0.000000e+00 : f32
    %broadcast_in_dim3A_5 = vector.broadcast %broadcast_in_dim3A : f32 to vector<64x32xf32>
    %broadcast_in_dim3A_6 = arith.constant 0.000000e+00 : f32
    %broadcast_in_dim3A_7 = vector.broadcast %broadcast_in_dim3A_6 : f32 to vector<64x93xf32>
    %concatenate3A = tpu.concatenate %broadcast_in_dim3A_5, %get3A_4, %broadcast_in_dim3A_7 in 1 : vector<64x32xf32>, vector<64x3xf32>, vector<64x93xf32> -> vector<64x128xf32>
    %reshape3A = vector.shape_cast %get3A_1 : vector<2048x128xf32> to vector<64x32x128xf32>
    %broadcast_in_dim3A_8 = vector.shape_cast %concatenate3A : vector<64x128xf32> to vector<64x1x128xf32>
    %sub3A = vector.broadcast %broadcast_in_dim3A_8 : vector<64x1x128xf32> to vector<64x32x128xf32>
    %sub3A_9 = arith.subf %reshape3A, %sub3A : vector<64x32x128xf32>
    %reshape3A_10 = vector.shape_cast %sub3A_9 : vector<64x32x128xf32> to vector<2048x128xf32>
    %get3A_11 = arith.constant 0 : index
    %get3A_12 = arith.constant 0 : index
    %get3A_13 = vector.load %arg3[%get3A_11, %get3A_12] : memref<128x64xf32, #tpu.memory_space<vmem>>, vector<128x64xf32>
    %dot_general3A = arith.constant dense<0.000000e+00> : vector<2048x64xf32>
    %dot_general3A_14 = tpu.matmul %reshape3A_10, %get3A_13, %dot_general3A {dimension_numbers = #tpu.dot_dimension_numbers<[1], [0], [0], [1], [0, 0, 1, 1], [], []>, transpose_lhs_hint = false} : vector<2048x128xf32>, vector<128x64xf32>, vector<2048x64xf32> -> vector<2048x64xf32>
    %get3A_15 = arith.constant 0 : index
    %get3A_16 = arith.constant 0 : index
    %get3A_17 = vector.load %arg4[%get3A_15, %get3A_16] : memref<8x64xf32, #tpu.memory_space<vmem>>, vector<1x64xf32>
    %add3A = vector.broadcast %get3A_17 : vector<1x64xf32> to vector<2048x64xf32>
    %add3A_18 = arith.addf %dot_general3A_14, %add3A : vector<2048x64xf32>
    %reduce_sum3A = arith.constant dense<0.000000e+00> : vector<64xf32>
    %reduce_sum3A_19 = vector.multi_reduction <add>, %add3A_18, %reduce_sum3A [0] : vector<2048x64xf32> to vector<64xf32>
    %broadcast_in_dim3A_20 = vector.shape_cast %reduce_sum3A_19 : vector<64xf32> to vector<1x64xf32>
    %mul3A = arith.mulf %add3A_18, %add3A_18 : vector<2048x64xf32>
    %reduce_sum3A_21 = arith.constant dense<0.000000e+00> : vector<64xf32>
    %reduce_sum3A_22 = vector.multi_reduction <add>, %mul3A, %reduce_sum3A_21 [0] : vector<2048x64xf32> to vector<64xf32>
    %broadcast_in_dim3A_23 = vector.shape_cast %reduce_sum3A_22 : vector<64xf32> to vector<1x64xf32>
    %eq3A = arith.constant 0 : i32
    %eq3A_24 = arith.cmpi eq, %arg0, %eq3A : i32
    %convert_element_type3A = arith.extui %eq3A_24 : i1 to i32
    %cond3A = arith.constant 0 : i32
    %cond3A_25 = arith.cmpi ne, %convert_element_type3A, %cond3A : i32
    scf.if %cond3A_25 {
      %broadcast_in_dim3A_39 = arith.constant 0.000000e+00 : f32
      %broadcast_in_dim3A_40 = vector.broadcast %broadcast_in_dim3A_39 : f32 to vector<8x64xf32>
      %swap3A_41 = arith.constant 0 : index
      %swap3A_42 = arith.constant 0 : index
      %swap3A_43 = vector.load %arg5[%swap3A_41, %swap3A_42] : memref<8x64xf32, #tpu.memory_space<vmem>>, vector<8x64xf32>
      tpu.vector_store %arg5[%swap3A_41, %swap3A_42], %broadcast_in_dim3A_40 {strides = array<i32>} : memref<8x64xf32, #tpu.memory_space<vmem>>, vector<8x64xf32>,
    } else {
    }
    %get3A_26 = arith.constant 0 : index
    %get3A_27 = arith.constant 0 : index
    %get3A_28 = vector.load %arg5[%get3A_26, %get3A_27] : memref<8x64xf32, #tpu.memory_space<vmem>>, vector<1x64xf32>
    %add3A_29 = arith.addf %get3A_28, %broadcast_in_dim3A_20 : vector<1x64xf32>
    %swap3A = arith.constant 0 : index
    %swap3A_30 = arith.constant 0 : index
    %swap3A_31 = vector.load %arg5[%swap3A, %swap3A_30] : memref<8x64xf32, #tpu.memory_space<vmem>>, vector<1x64xf32>
    tpu.vector_store %arg5[%swap3A, %swap3A_30], %add3A_29 {strides = array<i32>} : memref<8x64xf32, #tpu.memory_space<vmem>>, vector<1x64xf32>,
    %get3A_32 = arith.constant 1 : index
    %get3A_33 = arith.constant 0 : index
    %get3A_34 = vector.load %arg5[%get3A_32, %get3A_33] : memref<8x64xf32, #tpu.memory_space<vmem>>, vector<1x64xf32>
    %add3A_35 = arith.addf %get3A_34, %broadcast_in_dim3A_23 : vector<1x64xf32>
    %swap3A_36 = arith.constant 1 : index
    %swap3A_37 = arith.constant 0 : index
    %swap3A_38 = vector.load %arg5[%swap3A_36, %swap3A_37] : memref<8x64xf32, #tpu.memory_space<vmem>>, vector<1x64xf32>
    tpu.vector_store %arg5[%swap3A_36, %swap3A_37], %add3A_35 {strides = array<i32>} : memref<8x64xf32, #tpu.memory_space<vmem>>, vector<1x64xf32>,
    return
  }
  func.func @transform_0(%arg0: i32) -> (i32, i32) {
    %c0_i32 = arith.constant 0 : i32
    %c0_i32_0 = arith.constant 0 : i32
    return %arg0, %c0_i32 : i32, i32
  }
  func.func @transform_1(%arg0: i32) -> (i32, i32) {
    %c0_i32 = arith.constant 0 : i32
    %c0_i32_0 = arith.constant 0 : i32
    return %arg0, %c0_i32 : i32, i32
  }
  func.func @transform_2(%arg0: i32) -> (i32, i32) {
    %c0_i32 = arith.constant 0 : i32
    %c0_i32_0 = arith.constant 0 : i32
    %c0_i32_1 = arith.constant 0 : i32
    return %c0_i32, %c0_i32_0 : i32, i32
  }
  func.func @transform_3(%arg0: i32) -> (i32, i32) {
    %c0_i32 = arith.constant 0 : i32
    %c0_i32_0 = arith.constant 0 : i32
    %c0_i32_1 = arith.constant 0 : i32
    return %c0_i32, %c0_i32_0 : i32, i32
  }
  func.func @transform_4(%arg0: i32) -> (i32, i32) {
    %c0_i32 = arith.constant 0 : i32
    %c0_i32_0 = arith.constant 0 : i32
    %c0_i32_1 = arith.constant 0 : i32
    return %c0_i32, %c0_i32_0 : i32, i32
  }
}

module attributes {stable_mosaic.version = 14 : i64} {
  func.func @_mlp_body(%arg0: i32, %arg1: memref<2048x128xf32, #tpu.memory_space<vmem>>, %arg2: memref<64x3xf32, #tpu.memory_space<vmem>>, %arg3: memref<128x64xf32, #tpu.memory_space<vmem>>, %arg4: memref<64x64xf32, #tpu.memory_space<vmem>>, %arg5: memref<8x64xf32, #tpu.memory_space<vmem>>, %arg6: memref<8x64xf32, #tpu.memory_space<vmem>>, %arg7: memref<8x64xf32, #tpu.memory_space<vmem>>, %arg8: memref<8x64xf32, #tpu.memory_space<vmem>>) attributes {dimension_semantics = [#tpu.dimension_semantics<arbitrary>], iteration_bounds = array<i64: 32>, scalar_prefetch = 0 : i64, scratch_operands = 0 : i64, tpu.core_type = #tpu.core_type<tc>, window_params = [{transform_indices = @transform_0, window_bounds = array<i64: 2048, 128>}, {transform_indices = @transform_1, window_bounds = array<i64: 64, 3>}, {pipeline_mode = #tpu.pipeline_mode<synchronous>, transform_indices = @transform_2, window_bounds = array<i64: 128, 64>}, {pipeline_mode = #tpu.pipeline_mode<synchronous>, transform_indices = @transform_3, window_bounds = array<i64: 64, 64>}, {pipeline_mode = #tpu.pipeline_mode<synchronous>, transform_indices = @transform_4, window_bounds = array<i64: 8, 64>}, {pipeline_mode = #tpu.pipeline_mode<synchronous>, transform_indices = @transform_5, window_bounds = array<i64: 8, 64>}, {pipeline_mode = #tpu.pipeline_mode<synchronous>, transform_indices = @transform_6, window_bounds = array<i64: 8, 64>}, {pipeline_mode = #tpu.pipeline_mode<synchronous>, transform_indices = @transform_7, window_bounds = array<i64: 8, 64>}]} {
    %get3A = arith.constant 0 : index
    %get3A_0 = arith.constant 0 : index
    %get3A_1 = vector.load %arg1[%get3A, %get3A_0] : memref<2048x128xf32, #tpu.memory_space<vmem>>, vector<2048x128xf32>
    %get3A_2 = arith.constant 0 : index
    %get3A_3 = arith.constant 0 : index
    %get3A_4 = vector.load %arg2[%get3A_2, %get3A_3] : memref<64x3xf32, #tpu.memory_space<vmem>>, vector<64x3xf32>
    %broadcast_in_dim3A = arith.constant 0.000000e+00 : f32
    %broadcast_in_dim3A_5 = vector.broadcast %broadcast_in_dim3A : f32 to vector<64x32xf32>
    %broadcast_in_dim3A_6 = arith.constant 0.000000e+00 : f32
    %broadcast_in_dim3A_7 = vector.broadcast %broadcast_in_dim3A_6 : f32 to vector<64x93xf32>
    %concatenate3A = tpu.concatenate %broadcast_in_dim3A_5, %get3A_4, %broadcast_in_dim3A_7 in 1 : vector<64x32xf32>, vector<64x3xf32>, vector<64x93xf32> -> vector<64x128xf32>
    %reshape3A = vector.shape_cast %get3A_1 : vector<2048x128xf32> to vector<64x32x128xf32>
    %broadcast_in_dim3A_8 = vector.shape_cast %concatenate3A : vector<64x128xf32> to vector<64x1x128xf32>
    %sub3A = vector.broadcast %broadcast_in_dim3A_8 : vector<64x1x128xf32> to vector<64x32x128xf32>
    %sub3A_9 = arith.subf %reshape3A, %sub3A : vector<64x32x128xf32>
    %reshape3A_10 = vector.shape_cast %sub3A_9 : vector<64x32x128xf32> to vector<2048x128xf32>
    %get3A_11 = arith.constant 0 : index
    %get3A_12 = arith.constant 0 : index
    %get3A_13 = vector.load %arg3[%get3A_11, %get3A_12] : memref<128x64xf32, #tpu.memory_space<vmem>>, vector<128x64xf32>
    %dot_general3A = arith.constant dense<0.000000e+00> : vector<2048x64xf32>
    %dot_general3A_14 = tpu.matmul %reshape3A_10, %get3A_13, %dot_general3A {dimension_numbers = #tpu.dot_dimension_numbers<[1], [0], [0], [1], [0, 0, 1, 1], [], []>, transpose_lhs_hint = false} : vector<2048x128xf32>, vector<128x64xf32>, vector<2048x64xf32> -> vector<2048x64xf32>
    %get3A_15 = arith.constant 0 : index
    %get3A_16 = arith.constant 0 : index
    %get3A_17 = vector.load %arg5[%get3A_15, %get3A_16] : memref<8x64xf32, #tpu.memory_space<vmem>>, vector<1x64xf32>
    %add3A = vector.broadcast %get3A_17 : vector<1x64xf32> to vector<2048x64xf32>
    %add3A_18 = arith.addf %dot_general3A_14, %add3A : vector<2048x64xf32>
    %get3A_19 = arith.constant 0 : index
    %get3A_20 = arith.constant 0 : index
    %get3A_21 = vector.load %arg7[%get3A_19, %get3A_20] : memref<8x64xf32, #tpu.memory_space<vmem>>, vector<8x64xf32>
    %slice3A = vector.extract_strided_slice %get3A_21 {offsets = [0, 0], sizes = [1, 64], strides = [1, 1]} : vector<8x64xf32> to vector<1x64xf32>
    %div3A = arith.constant 6.553600e+04 : f32
    %div3A_22 = vector.broadcast %div3A : f32 to vector<1x64xf32>
    %div3A_23 = arith.divf %slice3A, %div3A_22 : vector<1x64xf32>
    %slice3A_24 = vector.extract_strided_slice %get3A_21 {offsets = [1, 0], sizes = [1, 64], strides = [1, 1]} : vector<8x64xf32> to vector<1x64xf32>
    %div3A_25 = arith.constant 6.553600e+04 : f32
    %div3A_26 = vector.broadcast %div3A_25 : f32 to vector<1x64xf32>
    %div3A_27 = arith.divf %slice3A_24, %div3A_26 : vector<1x64xf32>
    %mul3A = arith.mulf %div3A_23, %div3A_23 : vector<1x64xf32>
    %sub3A_28 = arith.subf %div3A_27, %mul3A : vector<1x64xf32>
    %get3A_29 = arith.constant 1 : index
    %get3A_30 = arith.constant 0 : index
    %get3A_31 = vector.load %arg5[%get3A_29, %get3A_30] : memref<8x64xf32, #tpu.memory_space<vmem>>, vector<1x64xf32>
    %get3A_32 = arith.constant 2 : index
    %get3A_33 = arith.constant 0 : index
    %get3A_34 = vector.load %arg5[%get3A_32, %get3A_33] : memref<8x64xf32, #tpu.memory_space<vmem>>, vector<1x64xf32>
    %add3A_35 = arith.constant 9.99999974E-6 : f32
    %add3A_36 = vector.broadcast %add3A_35 : f32 to vector<1x64xf32>
    %add3A_37 = arith.addf %sub3A_28, %add3A_36 : vector<1x64xf32>
    %sqrt3A = math.sqrt %add3A_37 : vector<1x64xf32>
    %div3A_38 = arith.divf %get3A_31, %sqrt3A : vector<1x64xf32>
    %mul3A_39 = arith.mulf %div3A_23, %div3A_38 : vector<1x64xf32>
    %sub3A_40 = arith.subf %get3A_34, %mul3A_39 : vector<1x64xf32>
    %mul3A_41 = vector.broadcast %div3A_38 : vector<1x64xf32> to vector<2048x64xf32>
    %mul3A_42 = arith.mulf %add3A_18, %mul3A_41 : vector<2048x64xf32>
    %add3A_43 = vector.broadcast %sub3A_40 : vector<1x64xf32> to vector<2048x64xf32>
    %add3A_44 = arith.addf %mul3A_42, %add3A_43 : vector<2048x64xf32>
    %max3A = arith.constant 0.000000e+00 : f32
    %max3A_45 = vector.broadcast %max3A : f32 to vector<2048x64xf32>
    %max3A_46 = arith.maximumf %add3A_44, %max3A_45 : vector<2048x64xf32>
    %get3A_47 = arith.constant 0 : index
    %get3A_48 = arith.constant 0 : index
    %get3A_49 = vector.load %arg4[%get3A_47, %get3A_48] : memref<64x64xf32, #tpu.memory_space<vmem>>, vector<64x64xf32>
    %dot_general3A_50 = arith.constant dense<0.000000e+00> : vector<2048x64xf32>
    %dot_general3A_51 = tpu.matmul %max3A_46, %get3A_49, %dot_general3A_50 {dimension_numbers = #tpu.dot_dimension_numbers<[1], [0], [0], [1], [0, 0, 1, 1], [], []>, transpose_lhs_hint = false} : vector<2048x64xf32>, vector<64x64xf32>, vector<2048x64xf32> -> vector<2048x64xf32>
    %get3A_52 = arith.constant 0 : index
    %get3A_53 = arith.constant 0 : index
    %get3A_54 = vector.load %arg6[%get3A_52, %get3A_53] : memref<8x64xf32, #tpu.memory_space<vmem>>, vector<1x64xf32>
    %add3A_55 = vector.broadcast %get3A_54 : vector<1x64xf32> to vector<2048x64xf32>
    %add3A_56 = arith.addf %dot_general3A_51, %add3A_55 : vector<2048x64xf32>
    %reduce_sum3A = arith.constant dense<0.000000e+00> : vector<64xf32>
    %reduce_sum3A_57 = vector.multi_reduction <add>, %add3A_56, %reduce_sum3A [0] : vector<2048x64xf32> to vector<64xf32>
    %broadcast_in_dim3A_58 = vector.shape_cast %reduce_sum3A_57 : vector<64xf32> to vector<1x64xf32>
    %mul3A_59 = arith.mulf %add3A_56, %add3A_56 : vector<2048x64xf32>
    %reduce_sum3A_60 = arith.constant dense<0.000000e+00> : vector<64xf32>
    %reduce_sum3A_61 = vector.multi_reduction <add>, %mul3A_59, %reduce_sum3A_60 [0] : vector<2048x64xf32> to vector<64xf32>
    %broadcast_in_dim3A_62 = vector.shape_cast %reduce_sum3A_61 : vector<64xf32> to vector<1x64xf32>
    %eq3A = arith.constant 0 : i32
    %eq3A_63 = arith.cmpi eq, %arg0, %eq3A : i32
    %convert_element_type3A = arith.extui %eq3A_63 : i1 to i32
    %cond3A = arith.constant 0 : i32
    %cond3A_64 = arith.cmpi ne, %convert_element_type3A, %cond3A : i32
    scf.if %cond3A_64 {
      %broadcast_in_dim3A_78 = arith.constant 0.000000e+00 : f32
      %broadcast_in_dim3A_79 = vector.broadcast %broadcast_in_dim3A_78 : f32 to vector<8x64xf32>
      %swap3A_80 = arith.constant 0 : index
      %swap3A_81 = arith.constant 0 : index
      %swap3A_82 = vector.load %arg8[%swap3A_80, %swap3A_81] : memref<8x64xf32, #tpu.memory_space<vmem>>, vector<8x64xf32>
      tpu.vector_store %arg8[%swap3A_80, %swap3A_81], %broadcast_in_dim3A_79 {strides = array<i32>} : memref<8x64xf32, #tpu.memory_space<vmem>>, vector<8x64xf32>,
    } else {
    }
    %get3A_65 = arith.constant 0 : index
    %get3A_66 = arith.constant 0 : index
    %get3A_67 = vector.load %arg8[%get3A_65, %get3A_66] : memref<8x64xf32, #tpu.memory_space<vmem>>, vector<1x64xf32>
    %add3A_68 = arith.addf %get3A_67, %broadcast_in_dim3A_58 : vector<1x64xf32>
    %swap3A = arith.constant 0 : index
    %swap3A_69 = arith.constant 0 : index
    %swap3A_70 = vector.load %arg8[%swap3A, %swap3A_69] : memref<8x64xf32, #tpu.memory_space<vmem>>, vector<1x64xf32>
    tpu.vector_store %arg8[%swap3A, %swap3A_69], %add3A_68 {strides = array<i32>} : memref<8x64xf32, #tpu.memory_space<vmem>>, vector<1x64xf32>,
    %get3A_71 = arith.constant 1 : index
    %get3A_72 = arith.constant 0 : index
    %get3A_73 = vector.load %arg8[%get3A_71, %get3A_72] : memref<8x64xf32, #tpu.memory_space<vmem>>, vector<1x64xf32>
    %add3A_74 = arith.addf %get3A_73, %broadcast_in_dim3A_62 : vector<1x64xf32>
    %swap3A_75 = arith.constant 1 : index
    %swap3A_76 = arith.constant 0 : index
    %swap3A_77 = vector.load %arg8[%swap3A_75, %swap3A_76] : memref<8x64xf32, #tpu.memory_space<vmem>>, vector<1x64xf32>
    tpu.vector_store %arg8[%swap3A_75, %swap3A_76], %add3A_74 {strides = array<i32>} : memref<8x64xf32, #tpu.memory_space<vmem>>, vector<1x64xf32>,
    return
  }
  func.func @transform_0(%arg0: i32) -> (i32, i32) {
    %c0_i32 = arith.constant 0 : i32
    %c0_i32_0 = arith.constant 0 : i32
    return %arg0, %c0_i32 : i32, i32
  }
  func.func @transform_1(%arg0: i32) -> (i32, i32) {
    %c0_i32 = arith.constant 0 : i32
    %c0_i32_0 = arith.constant 0 : i32
    return %arg0, %c0_i32 : i32, i32
  }
  func.func @transform_2(%arg0: i32) -> (i32, i32) {
    %c0_i32 = arith.constant 0 : i32
    %c0_i32_0 = arith.constant 0 : i32
    %c0_i32_1 = arith.constant 0 : i32
    return %c0_i32, %c0_i32_0 : i32, i32
  }
  func.func @transform_3(%arg0: i32) -> (i32, i32) {
    %c0_i32 = arith.constant 0 : i32
    %c0_i32_0 = arith.constant 0 : i32
    %c0_i32_1 = arith.constant 0 : i32
    return %c0_i32, %c0_i32_0 : i32, i32
  }
  func.func @transform_4(%arg0: i32) -> (i32, i32) {
    %c0_i32 = arith.constant 0 : i32
    %c0_i32_0 = arith.constant 0 : i32
    %c0_i32_1 = arith.constant 0 : i32
    return %c0_i32, %c0_i32_0 : i32, i32
  }
  func.func @transform_5(%arg0: i32) -> (i32, i32) {
    %c0_i32 = arith.constant 0 : i32
    %c0_i32_0 = arith.constant 0 : i32
    %c0_i32_1 = arith.constant 0 : i32
    return %c0_i32, %c0_i32_0 : i32, i32
  }
  func.func @transform_6(%arg0: i32) -> (i32, i32) {
    %c0_i32 = arith.constant 0 : i32
    %c0_i32_0 = arith.constant 0 : i32
    %c0_i32_1 = arith.constant 0 : i32
    return %c0_i32, %c0_i32_0 : i32, i32
  }
  func.func @transform_7(%arg0: i32) -> (i32, i32) {
    %c0_i32 = arith.constant 0 : i32
    %c0_i32_0 = arith.constant 0 : i32
    %c0_i32_1 = arith.constant 0 : i32
    return %c0_i32, %c0_i32_0 : i32, i32
  }
}

module attributes {stable_mosaic.version = 14 : i64} {
  func.func @_mlp_body(%arg0: i32, %arg1: memref<2048x128xf32, #tpu.memory_space<vmem>>, %arg2: memref<64x3xf32, #tpu.memory_space<vmem>>, %arg3: memref<128x64xf32, #tpu.memory_space<vmem>>, %arg4: memref<64x64xf32, #tpu.memory_space<vmem>>, %arg5: memref<64x128xf32, #tpu.memory_space<vmem>>, %arg6: memref<8x64xf32, #tpu.memory_space<vmem>>, %arg7: memref<8x64xf32, #tpu.memory_space<vmem>>, %arg8: memref<8x128xf32, #tpu.memory_space<vmem>>, %arg9: memref<8x64xf32, #tpu.memory_space<vmem>>, %arg10: memref<8x64xf32, #tpu.memory_space<vmem>>, %arg11: memref<8x128xf32, #tpu.memory_space<vmem>>) attributes {dimension_semantics = [#tpu.dimension_semantics<arbitrary>], iteration_bounds = array<i64: 32>, scalar_prefetch = 0 : i64, scratch_operands = 0 : i64, tpu.core_type = #tpu.core_type<tc>, window_params = [{transform_indices = @transform_0, window_bounds = array<i64: 2048, 128>}, {transform_indices = @transform_1, window_bounds = array<i64: 64, 3>}, {pipeline_mode = #tpu.pipeline_mode<synchronous>, transform_indices = @transform_2, window_bounds = array<i64: 128, 64>}, {pipeline_mode = #tpu.pipeline_mode<synchronous>, transform_indices = @transform_3, window_bounds = array<i64: 64, 64>}, {pipeline_mode = #tpu.pipeline_mode<synchronous>, transform_indices = @transform_4, window_bounds = array<i64: 64, 128>}, {pipeline_mode = #tpu.pipeline_mode<synchronous>, transform_indices = @transform_5, window_bounds = array<i64: 8, 64>}, {pipeline_mode = #tpu.pipeline_mode<synchronous>, transform_indices = @transform_6, window_bounds = array<i64: 8, 64>}, {pipeline_mode = #tpu.pipeline_mode<synchronous>, transform_indices = @transform_7, window_bounds = array<i64: 8, 128>}, {pipeline_mode = #tpu.pipeline_mode<synchronous>, transform_indices = @transform_8, window_bounds = array<i64: 8, 64>}, {pipeline_mode = #tpu.pipeline_mode<synchronous>, transform_indices = @transform_9, window_bounds = array<i64: 8, 64>}, {pipeline_mode = #tpu.pipeline_mode<synchronous>, transform_indices = @transform_10, window_bounds = array<i64: 8, 128>}]} {
    %get3A = arith.constant 0 : index
    %get3A_0 = arith.constant 0 : index
    %get3A_1 = vector.load %arg1[%get3A, %get3A_0] : memref<2048x128xf32, #tpu.memory_space<vmem>>, vector<2048x128xf32>
    %get3A_2 = arith.constant 0 : index
    %get3A_3 = arith.constant 0 : index
    %get3A_4 = vector.load %arg2[%get3A_2, %get3A_3] : memref<64x3xf32, #tpu.memory_space<vmem>>, vector<64x3xf32>
    %broadcast_in_dim3A = arith.constant 0.000000e+00 : f32
    %broadcast_in_dim3A_5 = vector.broadcast %broadcast_in_dim3A : f32 to vector<64x32xf32>
    %broadcast_in_dim3A_6 = arith.constant 0.000000e+00 : f32
    %broadcast_in_dim3A_7 = vector.broadcast %broadcast_in_dim3A_6 : f32 to vector<64x93xf32>
    %concatenate3A = tpu.concatenate %broadcast_in_dim3A_5, %get3A_4, %broadcast_in_dim3A_7 in 1 : vector<64x32xf32>, vector<64x3xf32>, vector<64x93xf32> -> vector<64x128xf32>
    %reshape3A = vector.shape_cast %get3A_1 : vector<2048x128xf32> to vector<64x32x128xf32>
    %broadcast_in_dim3A_8 = vector.shape_cast %concatenate3A : vector<64x128xf32> to vector<64x1x128xf32>
    %sub3A = vector.broadcast %broadcast_in_dim3A_8 : vector<64x1x128xf32> to vector<64x32x128xf32>
    %sub3A_9 = arith.subf %reshape3A, %sub3A : vector<64x32x128xf32>
    %reshape3A_10 = vector.shape_cast %sub3A_9 : vector<64x32x128xf32> to vector<2048x128xf32>
    %get3A_11 = arith.constant 0 : index
    %get3A_12 = arith.constant 0 : index
    %get3A_13 = vector.load %arg3[%get3A_11, %get3A_12] : memref<128x64xf32, #tpu.memory_space<vmem>>, vector<128x64xf32>
    %dot_general3A = arith.constant dense<0.000000e+00> : vector<2048x64xf32>
    %dot_general3A_14 = tpu.matmul %reshape3A_10, %get3A_13, %dot_general3A {dimension_numbers = #tpu.dot_dimension_numbers<[1], [0], [0], [1], [0, 0, 1, 1], [], []>, transpose_lhs_hint = false} : vector<2048x128xf32>, vector<128x64xf32>, vector<2048x64xf32> -> vector<2048x64xf32>
    %get3A_15 = arith.constant 0 : index
    %get3A_16 = arith.constant 0 : index
    %get3A_17 = vector.load %arg6[%get3A_15, %get3A_16] : memref<8x64xf32, #tpu.memory_space<vmem>>, vector<1x64xf32>
    %add3A = vector.broadcast %get3A_17 : vector<1x64xf32> to vector<2048x64xf32>
    %add3A_18 = arith.addf %dot_general3A_14, %add3A : vector<2048x64xf32>
    %get3A_19 = arith.constant 0 : index
    %get3A_20 = arith.constant 0 : index
    %get3A_21 = vector.load %arg9[%get3A_19, %get3A_20] : memref<8x64xf32, #tpu.memory_space<vmem>>, vector<8x64xf32>
    %slice3A = vector.extract_strided_slice %get3A_21 {offsets = [0, 0], sizes = [1, 64], strides = [1, 1]} : vector<8x64xf32> to vector<1x64xf32>
    %div3A = arith.constant 6.553600e+04 : f32
    %div3A_22 = vector.broadcast %div3A : f32 to vector<1x64xf32>
    %div3A_23 = arith.divf %slice3A, %div3A_22 : vector<1x64xf32>
    %slice3A_24 = vector.extract_strided_slice %get3A_21 {offsets = [1, 0], sizes = [1, 64], strides = [1, 1]} : vector<8x64xf32> to vector<1x64xf32>
    %div3A_25 = arith.constant 6.553600e+04 : f32
    %div3A_26 = vector.broadcast %div3A_25 : f32 to vector<1x64xf32>
    %div3A_27 = arith.divf %slice3A_24, %div3A_26 : vector<1x64xf32>
    %mul3A = arith.mulf %div3A_23, %div3A_23 : vector<1x64xf32>
    %sub3A_28 = arith.subf %div3A_27, %mul3A : vector<1x64xf32>
    %get3A_29 = arith.constant 1 : index
    %get3A_30 = arith.constant 0 : index
    %get3A_31 = vector.load %arg6[%get3A_29, %get3A_30] : memref<8x64xf32, #tpu.memory_space<vmem>>, vector<1x64xf32>
    %get3A_32 = arith.constant 2 : index
    %get3A_33 = arith.constant 0 : index
    %get3A_34 = vector.load %arg6[%get3A_32, %get3A_33] : memref<8x64xf32, #tpu.memory_space<vmem>>, vector<1x64xf32>
    %add3A_35 = arith.constant 9.99999974E-6 : f32
    %add3A_36 = vector.broadcast %add3A_35 : f32 to vector<1x64xf32>
    %add3A_37 = arith.addf %sub3A_28, %add3A_36 : vector<1x64xf32>
    %sqrt3A = math.sqrt %add3A_37 : vector<1x64xf32>
    %div3A_38 = arith.divf %get3A_31, %sqrt3A : vector<1x64xf32>
    %mul3A_39 = arith.mulf %div3A_23, %div3A_38 : vector<1x64xf32>
    %sub3A_40 = arith.subf %get3A_34, %mul3A_39 : vector<1x64xf32>
    %mul3A_41 = vector.broadcast %div3A_38 : vector<1x64xf32> to vector<2048x64xf32>
    %mul3A_42 = arith.mulf %add3A_18, %mul3A_41 : vector<2048x64xf32>
    %add3A_43 = vector.broadcast %sub3A_40 : vector<1x64xf32> to vector<2048x64xf32>
    %add3A_44 = arith.addf %mul3A_42, %add3A_43 : vector<2048x64xf32>
    %max3A = arith.constant 0.000000e+00 : f32
    %max3A_45 = vector.broadcast %max3A : f32 to vector<2048x64xf32>
    %max3A_46 = arith.maximumf %add3A_44, %max3A_45 : vector<2048x64xf32>
    %get3A_47 = arith.constant 0 : index
    %get3A_48 = arith.constant 0 : index
    %get3A_49 = vector.load %arg4[%get3A_47, %get3A_48] : memref<64x64xf32, #tpu.memory_space<vmem>>, vector<64x64xf32>
    %dot_general3A_50 = arith.constant dense<0.000000e+00> : vector<2048x64xf32>
    %dot_general3A_51 = tpu.matmul %max3A_46, %get3A_49, %dot_general3A_50 {dimension_numbers = #tpu.dot_dimension_numbers<[1], [0], [0], [1], [0, 0, 1, 1], [], []>, transpose_lhs_hint = false} : vector<2048x64xf32>, vector<64x64xf32>, vector<2048x64xf32> -> vector<2048x64xf32>
    %get3A_52 = arith.constant 0 : index
    %get3A_53 = arith.constant 0 : index
    %get3A_54 = vector.load %arg7[%get3A_52, %get3A_53] : memref<8x64xf32, #tpu.memory_space<vmem>>, vector<1x64xf32>
    %add3A_55 = vector.broadcast %get3A_54 : vector<1x64xf32> to vector<2048x64xf32>
    %add3A_56 = arith.addf %dot_general3A_51, %add3A_55 : vector<2048x64xf32>
    %get3A_57 = arith.constant 0 : index
    %get3A_58 = arith.constant 0 : index
    %get3A_59 = vector.load %arg10[%get3A_57, %get3A_58] : memref<8x64xf32, #tpu.memory_space<vmem>>, vector<8x64xf32>
    %slice3A_60 = vector.extract_strided_slice %get3A_59 {offsets = [0, 0], sizes = [1, 64], strides = [1, 1]} : vector<8x64xf32> to vector<1x64xf32>
    %div3A_61 = arith.constant 6.553600e+04 : f32
    %div3A_62 = vector.broadcast %div3A_61 : f32 to vector<1x64xf32>
    %div3A_63 = arith.divf %slice3A_60, %div3A_62 : vector<1x64xf32>
    %slice3A_64 = vector.extract_strided_slice %get3A_59 {offsets = [1, 0], sizes = [1, 64], strides = [1, 1]} : vector<8x64xf32> to vector<1x64xf32>
    %div3A_65 = arith.constant 6.553600e+04 : f32
    %div3A_66 = vector.broadcast %div3A_65 : f32 to vector<1x64xf32>
    %div3A_67 = arith.divf %slice3A_64, %div3A_66 : vector<1x64xf32>
    %mul3A_68 = arith.mulf %div3A_63, %div3A_63 : vector<1x64xf32>
    %sub3A_69 = arith.subf %div3A_67, %mul3A_68 : vector<1x64xf32>
    %get3A_70 = arith.constant 1 : index
    %get3A_71 = arith.constant 0 : index
    %get3A_72 = vector.load %arg7[%get3A_70, %get3A_71] : memref<8x64xf32, #tpu.memory_space<vmem>>, vector<1x64xf32>
    %get3A_73 = arith.constant 2 : index
    %get3A_74 = arith.constant 0 : index
    %get3A_75 = vector.load %arg7[%get3A_73, %get3A_74] : memref<8x64xf32, #tpu.memory_space<vmem>>, vector<1x64xf32>
    %add3A_76 = arith.constant 9.99999974E-6 : f32
    %add3A_77 = vector.broadcast %add3A_76 : f32 to vector<1x64xf32>
    %add3A_78 = arith.addf %sub3A_69, %add3A_77 : vector<1x64xf32>
    %sqrt3A_79 = math.sqrt %add3A_78 : vector<1x64xf32>
    %div3A_80 = arith.divf %get3A_72, %sqrt3A_79 : vector<1x64xf32>
    %mul3A_81 = arith.mulf %div3A_63, %div3A_80 : vector<1x64xf32>
    %sub3A_82 = arith.subf %get3A_75, %mul3A_81 : vector<1x64xf32>
    %mul3A_83 = vector.broadcast %div3A_80 : vector<1x64xf32> to vector<2048x64xf32>
    %mul3A_84 = arith.mulf %add3A_56, %mul3A_83 : vector<2048x64xf32>
    %add3A_85 = vector.broadcast %sub3A_82 : vector<1x64xf32> to vector<2048x64xf32>
    %add3A_86 = arith.addf %mul3A_84, %add3A_85 : vector<2048x64xf32>
    %max3A_87 = arith.constant 0.000000e+00 : f32
    %max3A_88 = vector.broadcast %max3A_87 : f32 to vector<2048x64xf32>
    %max3A_89 = arith.maximumf %add3A_86, %max3A_88 : vector<2048x64xf32>
    %get3A_90 = arith.constant 0 : index
    %get3A_91 = arith.constant 0 : index
    %get3A_92 = vector.load %arg5[%get3A_90, %get3A_91] : memref<64x128xf32, #tpu.memory_space<vmem>>, vector<64x128xf32>
    %dot_general3A_93 = arith.constant dense<0.000000e+00> : vector<2048x128xf32>
    %dot_general3A_94 = tpu.matmul %max3A_89, %get3A_92, %dot_general3A_93 {dimension_numbers = #tpu.dot_dimension_numbers<[1], [0], [0], [1], [0, 0, 1, 1], [], []>, transpose_lhs_hint = false} : vector<2048x64xf32>, vector<64x128xf32>, vector<2048x128xf32> -> vector<2048x128xf32>
    %get3A_95 = arith.constant 0 : index
    %get3A_96 = arith.constant 0 : index
    %get3A_97 = vector.load %arg8[%get3A_95, %get3A_96] : memref<8x128xf32, #tpu.memory_space<vmem>>, vector<1x128xf32>
    %add3A_98 = vector.broadcast %get3A_97 : vector<1x128xf32> to vector<2048x128xf32>
    %add3A_99 = arith.addf %dot_general3A_94, %add3A_98 : vector<2048x128xf32>
    %reduce_sum3A = arith.constant dense<0.000000e+00> : vector<128xf32>
    %reduce_sum3A_100 = vector.multi_reduction <add>, %add3A_99, %reduce_sum3A [0] : vector<2048x128xf32> to vector<128xf32>
    %broadcast_in_dim3A_101 = vector.shape_cast %reduce_sum3A_100 : vector<128xf32> to vector<1x128xf32>
    %mul3A_102 = arith.mulf %add3A_99, %add3A_99 : vector<2048x128xf32>
    %reduce_sum3A_103 = arith.constant dense<0.000000e+00> : vector<128xf32>
    %reduce_sum3A_104 = vector.multi_reduction <add>, %mul3A_102, %reduce_sum3A_103 [0] : vector<2048x128xf32> to vector<128xf32>
    %broadcast_in_dim3A_105 = vector.shape_cast %reduce_sum3A_104 : vector<128xf32> to vector<1x128xf32>
    %eq3A = arith.constant 0 : i32
    %eq3A_106 = arith.cmpi eq, %arg0, %eq3A : i32
    %convert_element_type3A = arith.extui %eq3A_106 : i1 to i32
    %cond3A = arith.constant 0 : i32
    %cond3A_107 = arith.cmpi ne, %convert_element_type3A, %cond3A : i32
    scf.if %cond3A_107 {
      %broadcast_in_dim3A_121 = arith.constant 0.000000e+00 : f32
      %broadcast_in_dim3A_122 = vector.broadcast %broadcast_in_dim3A_121 : f32 to vector<8x128xf32>
      %swap3A_123 = arith.constant 0 : index
      %swap3A_124 = arith.constant 0 : index
      %swap3A_125 = vector.load %arg11[%swap3A_123, %swap3A_124] : memref<8x128xf32, #tpu.memory_space<vmem>>, vector<8x128xf32>
      tpu.vector_store %arg11[%swap3A_123, %swap3A_124], %broadcast_in_dim3A_122 {strides = array<i32>} : memref<8x128xf32, #tpu.memory_space<vmem>>, vector<8x128xf32>,
    } else {
    }
    %get3A_108 = arith.constant 0 : index
    %get3A_109 = arith.constant 0 : index
    %get3A_110 = vector.load %arg11[%get3A_108, %get3A_109] : memref<8x128xf32, #tpu.memory_space<vmem>>, vector<1x128xf32>
    %add3A_111 = arith.addf %get3A_110, %broadcast_in_dim3A_101 : vector<1x128xf32>
    %swap3A = arith.constant 0 : index
    %swap3A_112 = arith.constant 0 : index
    %swap3A_113 = vector.load %arg11[%swap3A, %swap3A_112] : memref<8x128xf32, #tpu.memory_space<vmem>>, vector<1x128xf32>
    tpu.vector_store %arg11[%swap3A, %swap3A_112], %add3A_111 {strides = array<i32>} : memref<8x128xf32, #tpu.memory_space<vmem>>, vector<1x128xf32>,
    %get3A_114 = arith.constant 1 : index
    %get3A_115 = arith.constant 0 : index
    %get3A_116 = vector.load %arg11[%get3A_114, %get3A_115] : memref<8x128xf32, #tpu.memory_space<vmem>>, vector<1x128xf32>
    %add3A_117 = arith.addf %get3A_116, %broadcast_in_dim3A_105 : vector<1x128xf32>
    %swap3A_118 = arith.constant 1 : index
    %swap3A_119 = arith.constant 0 : index
    %swap3A_120 = vector.load %arg11[%swap3A_118, %swap3A_119] : memref<8x128xf32, #tpu.memory_space<vmem>>, vector<1x128xf32>
    tpu.vector_store %arg11[%swap3A_118, %swap3A_119], %add3A_117 {strides = array<i32>} : memref<8x128xf32, #tpu.memory_space<vmem>>, vector<1x128xf32>,
    return
  }
  func.func @transform_0(%arg0: i32) -> (i32, i32) {
    %c0_i32 = arith.constant 0 : i32
    %c0_i32_0 = arith.constant 0 : i32
    return %arg0, %c0_i32 : i32, i32
  }
  func.func @transform_1(%arg0: i32) -> (i32, i32) {
    %c0_i32 = arith.constant 0 : i32
    %c0_i32_0 = arith.constant 0 : i32
    return %arg0, %c0_i32 : i32, i32
  }
  func.func @transform_2(%arg0: i32) -> (i32, i32) {
    %c0_i32 = arith.constant 0 : i32
    %c0_i32_0 = arith.constant 0 : i32
    %c0_i32_1 = arith.constant 0 : i32
    return %c0_i32, %c0_i32_0 : i32, i32
  }
  func.func @transform_3(%arg0: i32) -> (i32, i32) {
    %c0_i32 = arith.constant 0 : i32
    %c0_i32_0 = arith.constant 0 : i32
    %c0_i32_1 = arith.constant 0 : i32
    return %c0_i32, %c0_i32_0 : i32, i32
  }
  func.func @transform_4(%arg0: i32) -> (i32, i32) {
    %c0_i32 = arith.constant 0 : i32
    %c0_i32_0 = arith.constant 0 : i32
    %c0_i32_1 = arith.constant 0 : i32
    return %c0_i32, %c0_i32_0 : i32, i32
  }
  func.func @transform_5(%arg0: i32) -> (i32, i32) {
    %c0_i32 = arith.constant 0 : i32
    %c0_i32_0 = arith.constant 0 : i32
    %c0_i32_1 = arith.constant 0 : i32
    return %c0_i32, %c0_i32_0 : i32, i32
  }
  func.func @transform_6(%arg0: i32) -> (i32, i32) {
    %c0_i32 = arith.constant 0 : i32
    %c0_i32_0 = arith.constant 0 : i32
    %c0_i32_1 = arith.constant 0 : i32
    return %c0_i32, %c0_i32_0 : i32, i32
  }
  func.func @transform_7(%arg0: i32) -> (i32, i32) {
    %c0_i32 = arith.constant 0 : i32
    %c0_i32_0 = arith.constant 0 : i32
    %c0_i32_1 = arith.constant 0 : i32
    return %c0_i32, %c0_i32_0 : i32, i32
  }
  func.func @transform_8(%arg0: i32) -> (i32, i32) {
    %c0_i32 = arith.constant 0 : i32
    %c0_i32_0 = arith.constant 0 : i32
    %c0_i32_1 = arith.constant 0 : i32
    return %c0_i32, %c0_i32_0 : i32, i32
  }
  func.func @transform_9(%arg0: i32) -> (i32, i32) {
    %c0_i32 = arith.constant 0 : i32
    %c0_i32_0 = arith.constant 0 : i32
    %c0_i32_1 = arith.constant 0 : i32
    return %c0_i32, %c0_i32_0 : i32, i32
  }
  func.func @transform_10(%arg0: i32) -> (i32, i32) {
    %c0_i32 = arith.constant 0 : i32
    %c0_i32_0 = arith.constant 0 : i32
    %c0_i32_1 = arith.constant 0 : i32
    return %c0_i32, %c0_i32_0 : i32, i32
  }
}

module attributes {stable_mosaic.version = 14 : i64} {
  func.func @_mlp_final_body(%arg0: i32, %arg1: memref<2048x128xf32, #tpu.memory_space<vmem>>, %arg2: memref<64x3xf32, #tpu.memory_space<vmem>>, %arg3: memref<128x64xf32, #tpu.memory_space<vmem>>, %arg4: memref<64x64xf32, #tpu.memory_space<vmem>>, %arg5: memref<64x128xf32, #tpu.memory_space<vmem>>, %arg6: memref<8x64xf32, #tpu.memory_space<vmem>>, %arg7: memref<8x64xf32, #tpu.memory_space<vmem>>, %arg8: memref<8x128xf32, #tpu.memory_space<vmem>>, %arg9: memref<8x64xf32, #tpu.memory_space<vmem>>, %arg10: memref<8x64xf32, #tpu.memory_space<vmem>>, %arg11: memref<8x128xf32, #tpu.memory_space<vmem>>, %arg12: memref<64x128xf32, #tpu.memory_space<vmem>>) attributes {dimension_semantics = [#tpu.dimension_semantics<arbitrary>], iteration_bounds = array<i64: 32>, scalar_prefetch = 0 : i64, scratch_operands = 0 : i64, tpu.core_type = #tpu.core_type<tc>, window_params = [{transform_indices = @transform_0, window_bounds = array<i64: 2048, 128>}, {transform_indices = @transform_1, window_bounds = array<i64: 64, 3>}, {pipeline_mode = #tpu.pipeline_mode<synchronous>, transform_indices = @transform_2, window_bounds = array<i64: 128, 64>}, {pipeline_mode = #tpu.pipeline_mode<synchronous>, transform_indices = @transform_3, window_bounds = array<i64: 64, 64>}, {pipeline_mode = #tpu.pipeline_mode<synchronous>, transform_indices = @transform_4, window_bounds = array<i64: 64, 128>}, {pipeline_mode = #tpu.pipeline_mode<synchronous>, transform_indices = @transform_5, window_bounds = array<i64: 8, 64>}, {pipeline_mode = #tpu.pipeline_mode<synchronous>, transform_indices = @transform_6, window_bounds = array<i64: 8, 64>}, {pipeline_mode = #tpu.pipeline_mode<synchronous>, transform_indices = @transform_7, window_bounds = array<i64: 8, 128>}, {pipeline_mode = #tpu.pipeline_mode<synchronous>, transform_indices = @transform_8, window_bounds = array<i64: 8, 64>}, {pipeline_mode = #tpu.pipeline_mode<synchronous>, transform_indices = @transform_9, window_bounds = array<i64: 8, 64>}, {pipeline_mode = #tpu.pipeline_mode<synchronous>, transform_indices = @transform_10, window_bounds = array<i64: 8, 128>}, {transform_indices = @transform_11, window_bounds = array<i64: 64, 128>}]} {
    %get3A = arith.constant 0 : index
    %get3A_0 = arith.constant 0 : index
    %get3A_1 = vector.load %arg1[%get3A, %get3A_0] : memref<2048x128xf32, #tpu.memory_space<vmem>>, vector<2048x128xf32>
    %get3A_2 = arith.constant 0 : index
    %get3A_3 = arith.constant 0 : index
    %get3A_4 = vector.load %arg2[%get3A_2, %get3A_3] : memref<64x3xf32, #tpu.memory_space<vmem>>, vector<64x3xf32>
    %broadcast_in_dim3A = arith.constant 0.000000e+00 : f32
    %broadcast_in_dim3A_5 = vector.broadcast %broadcast_in_dim3A : f32 to vector<64x32xf32>
    %broadcast_in_dim3A_6 = arith.constant 0.000000e+00 : f32
    %broadcast_in_dim3A_7 = vector.broadcast %broadcast_in_dim3A_6 : f32 to vector<64x93xf32>
    %concatenate3A = tpu.concatenate %broadcast_in_dim3A_5, %get3A_4, %broadcast_in_dim3A_7 in 1 : vector<64x32xf32>, vector<64x3xf32>, vector<64x93xf32> -> vector<64x128xf32>
    %reshape3A = vector.shape_cast %get3A_1 : vector<2048x128xf32> to vector<64x32x128xf32>
    %broadcast_in_dim3A_8 = vector.shape_cast %concatenate3A : vector<64x128xf32> to vector<64x1x128xf32>
    %sub3A = vector.broadcast %broadcast_in_dim3A_8 : vector<64x1x128xf32> to vector<64x32x128xf32>
    %sub3A_9 = arith.subf %reshape3A, %sub3A : vector<64x32x128xf32>
    %reshape3A_10 = vector.shape_cast %sub3A_9 : vector<64x32x128xf32> to vector<2048x128xf32>
    %get3A_11 = arith.constant 0 : index
    %get3A_12 = arith.constant 0 : index
    %get3A_13 = vector.load %arg3[%get3A_11, %get3A_12] : memref<128x64xf32, #tpu.memory_space<vmem>>, vector<128x64xf32>
    %dot_general3A = arith.constant dense<0.000000e+00> : vector<2048x64xf32>
    %dot_general3A_14 = tpu.matmul %reshape3A_10, %get3A_13, %dot_general3A {dimension_numbers = #tpu.dot_dimension_numbers<[1], [0], [0], [1], [0, 0, 1, 1], [], []>, transpose_lhs_hint = false} : vector<2048x128xf32>, vector<128x64xf32>, vector<2048x64xf32> -> vector<2048x64xf32>
    %get3A_15 = arith.constant 0 : index
    %get3A_16 = arith.constant 0 : index
    %get3A_17 = vector.load %arg6[%get3A_15, %get3A_16] : memref<8x64xf32, #tpu.memory_space<vmem>>, vector<1x64xf32>
    %add3A = vector.broadcast %get3A_17 : vector<1x64xf32> to vector<2048x64xf32>
    %add3A_18 = arith.addf %dot_general3A_14, %add3A : vector<2048x64xf32>
    %get3A_19 = arith.constant 0 : index
    %get3A_20 = arith.constant 0 : index
    %get3A_21 = vector.load %arg9[%get3A_19, %get3A_20] : memref<8x64xf32, #tpu.memory_space<vmem>>, vector<8x64xf32>
    %slice3A = vector.extract_strided_slice %get3A_21 {offsets = [0, 0], sizes = [1, 64], strides = [1, 1]} : vector<8x64xf32> to vector<1x64xf32>
    %div3A = arith.constant 6.553600e+04 : f32
    %div3A_22 = vector.broadcast %div3A : f32 to vector<1x64xf32>
    %div3A_23 = arith.divf %slice3A, %div3A_22 : vector<1x64xf32>
    %slice3A_24 = vector.extract_strided_slice %get3A_21 {offsets = [1, 0], sizes = [1, 64], strides = [1, 1]} : vector<8x64xf32> to vector<1x64xf32>
    %div3A_25 = arith.constant 6.553600e+04 : f32
    %div3A_26 = vector.broadcast %div3A_25 : f32 to vector<1x64xf32>
    %div3A_27 = arith.divf %slice3A_24, %div3A_26 : vector<1x64xf32>
    %mul3A = arith.mulf %div3A_23, %div3A_23 : vector<1x64xf32>
    %sub3A_28 = arith.subf %div3A_27, %mul3A : vector<1x64xf32>
    %get3A_29 = arith.constant 1 : index
    %get3A_30 = arith.constant 0 : index
    %get3A_31 = vector.load %arg6[%get3A_29, %get3A_30] : memref<8x64xf32, #tpu.memory_space<vmem>>, vector<1x64xf32>
    %add3A_32 = arith.constant 9.99999974E-6 : f32
    %add3A_33 = vector.broadcast %add3A_32 : f32 to vector<1x64xf32>
    %add3A_34 = arith.addf %sub3A_28, %add3A_33 : vector<1x64xf32>
    %sqrt3A = math.sqrt %add3A_34 : vector<1x64xf32>
    %div3A_35 = arith.divf %get3A_31, %sqrt3A : vector<1x64xf32>
    %get3A_36 = arith.constant 2 : index
    %get3A_37 = arith.constant 0 : index
    %get3A_38 = vector.load %arg6[%get3A_36, %get3A_37] : memref<8x64xf32, #tpu.memory_space<vmem>>, vector<1x64xf32>
    %mul3A_39 = arith.mulf %div3A_23, %div3A_35 : vector<1x64xf32>
    %sub3A_40 = arith.subf %get3A_38, %mul3A_39 : vector<1x64xf32>
    %mul3A_41 = vector.broadcast %div3A_35 : vector<1x64xf32> to vector<2048x64xf32>
    %mul3A_42 = arith.mulf %add3A_18, %mul3A_41 : vector<2048x64xf32>
    %add3A_43 = vector.broadcast %sub3A_40 : vector<1x64xf32> to vector<2048x64xf32>
    %add3A_44 = arith.addf %mul3A_42, %add3A_43 : vector<2048x64xf32>
    %max3A = arith.constant 0.000000e+00 : f32
    %max3A_45 = vector.broadcast %max3A : f32 to vector<2048x64xf32>
    %max3A_46 = arith.maximumf %add3A_44, %max3A_45 : vector<2048x64xf32>
    %get3A_47 = arith.constant 0 : index
    %get3A_48 = arith.constant 0 : index
    %get3A_49 = vector.load %arg4[%get3A_47, %get3A_48] : memref<64x64xf32, #tpu.memory_space<vmem>>, vector<64x64xf32>
    %dot_general3A_50 = arith.constant dense<0.000000e+00> : vector<2048x64xf32>
    %dot_general3A_51 = tpu.matmul %max3A_46, %get3A_49, %dot_general3A_50 {dimension_numbers = #tpu.dot_dimension_numbers<[1], [0], [0], [1], [0, 0, 1, 1], [], []>, transpose_lhs_hint = false} : vector<2048x64xf32>, vector<64x64xf32>, vector<2048x64xf32> -> vector<2048x64xf32>
    %get3A_52 = arith.constant 0 : index
    %get3A_53 = arith.constant 0 : index
    %get3A_54 = vector.load %arg7[%get3A_52, %get3A_53] : memref<8x64xf32, #tpu.memory_space<vmem>>, vector<1x64xf32>
    %add3A_55 = vector.broadcast %get3A_54 : vector<1x64xf32> to vector<2048x64xf32>
    %add3A_56 = arith.addf %dot_general3A_51, %add3A_55 : vector<2048x64xf32>
    %get3A_57 = arith.constant 0 : index
    %get3A_58 = arith.constant 0 : index
    %get3A_59 = vector.load %arg10[%get3A_57, %get3A_58] : memref<8x64xf32, #tpu.memory_space<vmem>>, vector<8x64xf32>
    %slice3A_60 = vector.extract_strided_slice %get3A_59 {offsets = [0, 0], sizes = [1, 64], strides = [1, 1]} : vector<8x64xf32> to vector<1x64xf32>
    %div3A_61 = arith.constant 6.553600e+04 : f32
    %div3A_62 = vector.broadcast %div3A_61 : f32 to vector<1x64xf32>
    %div3A_63 = arith.divf %slice3A_60, %div3A_62 : vector<1x64xf32>
    %slice3A_64 = vector.extract_strided_slice %get3A_59 {offsets = [1, 0], sizes = [1, 64], strides = [1, 1]} : vector<8x64xf32> to vector<1x64xf32>
    %div3A_65 = arith.constant 6.553600e+04 : f32
    %div3A_66 = vector.broadcast %div3A_65 : f32 to vector<1x64xf32>
    %div3A_67 = arith.divf %slice3A_64, %div3A_66 : vector<1x64xf32>
    %mul3A_68 = arith.mulf %div3A_63, %div3A_63 : vector<1x64xf32>
    %sub3A_69 = arith.subf %div3A_67, %mul3A_68 : vector<1x64xf32>
    %get3A_70 = arith.constant 1 : index
    %get3A_71 = arith.constant 0 : index
    %get3A_72 = vector.load %arg7[%get3A_70, %get3A_71] : memref<8x64xf32, #tpu.memory_space<vmem>>, vector<1x64xf32>
    %add3A_73 = arith.constant 9.99999974E-6 : f32
    %add3A_74 = vector.broadcast %add3A_73 : f32 to vector<1x64xf32>
    %add3A_75 = arith.addf %sub3A_69, %add3A_74 : vector<1x64xf32>
    %sqrt3A_76 = math.sqrt %add3A_75 : vector<1x64xf32>
    %div3A_77 = arith.divf %get3A_72, %sqrt3A_76 : vector<1x64xf32>
    %get3A_78 = arith.constant 2 : index
    %get3A_79 = arith.constant 0 : index
    %get3A_80 = vector.load %arg7[%get3A_78, %get3A_79] : memref<8x64xf32, #tpu.memory_space<vmem>>, vector<1x64xf32>
    %mul3A_81 = arith.mulf %div3A_63, %div3A_77 : vector<1x64xf32>
    %sub3A_82 = arith.subf %get3A_80, %mul3A_81 : vector<1x64xf32>
    %mul3A_83 = vector.broadcast %div3A_77 : vector<1x64xf32> to vector<2048x64xf32>
    %mul3A_84 = arith.mulf %add3A_56, %mul3A_83 : vector<2048x64xf32>
    %add3A_85 = vector.broadcast %sub3A_82 : vector<1x64xf32> to vector<2048x64xf32>
    %add3A_86 = arith.addf %mul3A_84, %add3A_85 : vector<2048x64xf32>
    %max3A_87 = arith.constant 0.000000e+00 : f32
    %max3A_88 = vector.broadcast %max3A_87 : f32 to vector<2048x64xf32>
    %max3A_89 = arith.maximumf %add3A_86, %max3A_88 : vector<2048x64xf32>
    %get3A_90 = arith.constant 0 : index
    %get3A_91 = arith.constant 0 : index
    %get3A_92 = vector.load %arg5[%get3A_90, %get3A_91] : memref<64x128xf32, #tpu.memory_space<vmem>>, vector<64x128xf32>
    %dot_general3A_93 = arith.constant dense<0.000000e+00> : vector<2048x128xf32>
    %dot_general3A_94 = tpu.matmul %max3A_89, %get3A_92, %dot_general3A_93 {dimension_numbers = #tpu.dot_dimension_numbers<[1], [0], [0], [1], [0, 0, 1, 1], [], []>, transpose_lhs_hint = false} : vector<2048x64xf32>, vector<64x128xf32>, vector<2048x128xf32> -> vector<2048x128xf32>
    %get3A_95 = arith.constant 0 : index
    %get3A_96 = arith.constant 0 : index
    %get3A_97 = vector.load %arg8[%get3A_95, %get3A_96] : memref<8x128xf32, #tpu.memory_space<vmem>>, vector<1x128xf32>
    %add3A_98 = vector.broadcast %get3A_97 : vector<1x128xf32> to vector<2048x128xf32>
    %add3A_99 = arith.addf %dot_general3A_94, %add3A_98 : vector<2048x128xf32>
    %get3A_100 = arith.constant 0 : index
    %get3A_101 = arith.constant 0 : index
    %get3A_102 = vector.load %arg11[%get3A_100, %get3A_101] : memref<8x128xf32, #tpu.memory_space<vmem>>, vector<8x128xf32>
    %slice3A_103 = vector.extract_strided_slice %get3A_102 {offsets = [0, 0], sizes = [1, 128], strides = [1, 1]} : vector<8x128xf32> to vector<1x128xf32>
    %div3A_104 = arith.constant 6.553600e+04 : f32
    %div3A_105 = vector.broadcast %div3A_104 : f32 to vector<1x128xf32>
    %div3A_106 = arith.divf %slice3A_103, %div3A_105 : vector<1x128xf32>
    %slice3A_107 = vector.extract_strided_slice %get3A_102 {offsets = [1, 0], sizes = [1, 128], strides = [1, 1]} : vector<8x128xf32> to vector<1x128xf32>
    %div3A_108 = arith.constant 6.553600e+04 : f32
    %div3A_109 = vector.broadcast %div3A_108 : f32 to vector<1x128xf32>
    %div3A_110 = arith.divf %slice3A_107, %div3A_109 : vector<1x128xf32>
    %mul3A_111 = arith.mulf %div3A_106, %div3A_106 : vector<1x128xf32>
    %sub3A_112 = arith.subf %div3A_110, %mul3A_111 : vector<1x128xf32>
    %get3A_113 = arith.constant 1 : index
    %get3A_114 = arith.constant 0 : index
    %get3A_115 = vector.load %arg8[%get3A_113, %get3A_114] : memref<8x128xf32, #tpu.memory_space<vmem>>, vector<1x128xf32>
    %add3A_116 = arith.constant 9.99999974E-6 : f32
    %add3A_117 = vector.broadcast %add3A_116 : f32 to vector<1x128xf32>
    %add3A_118 = arith.addf %sub3A_112, %add3A_117 : vector<1x128xf32>
    %sqrt3A_119 = math.sqrt %add3A_118 : vector<1x128xf32>
    %div3A_120 = arith.divf %get3A_115, %sqrt3A_119 : vector<1x128xf32>
    %get3A_121 = arith.constant 2 : index
    %get3A_122 = arith.constant 0 : index
    %get3A_123 = vector.load %arg8[%get3A_121, %get3A_122] : memref<8x128xf32, #tpu.memory_space<vmem>>, vector<1x128xf32>
    %mul3A_124 = arith.mulf %div3A_106, %div3A_120 : vector<1x128xf32>
    %sub3A_125 = arith.subf %get3A_123, %mul3A_124 : vector<1x128xf32>
    %mul3A_126 = vector.broadcast %div3A_120 : vector<1x128xf32> to vector<2048x128xf32>
    %mul3A_127 = arith.mulf %add3A_99, %mul3A_126 : vector<2048x128xf32>
    %add3A_128 = vector.broadcast %sub3A_125 : vector<1x128xf32> to vector<2048x128xf32>
    %add3A_129 = arith.addf %mul3A_127, %add3A_128 : vector<2048x128xf32>
    %max3A_130 = arith.constant 0.000000e+00 : f32
    %max3A_131 = vector.broadcast %max3A_130 : f32 to vector<2048x128xf32>
    %max3A_132 = arith.maximumf %add3A_129, %max3A_131 : vector<2048x128xf32>
    %reshape3A_133 = vector.shape_cast %max3A_132 : vector<2048x128xf32> to vector<64x32x128xf32>
    %reduce_max3A = arith.constant dense<0xFF800000> : vector<64x128xf32>
    %reduce_max3A_134 = vector.multi_reduction <maximumf>, %reshape3A_133, %reduce_max3A [1] : vector<64x32x128xf32> to vector<64x128xf32>
    %swap3A = arith.constant 0 : index
    %swap3A_135 = arith.constant 0 : index
    %swap3A_136 = vector.load %arg12[%swap3A, %swap3A_135] : memref<64x128xf32, #tpu.memory_space<vmem>>, vector<64x128xf32>
    tpu.vector_store %arg12[%swap3A, %swap3A_135], %reduce_max3A_134 {strides = array<i32>} : memref<64x128xf32, #tpu.memory_space<vmem>>, vector<64x128xf32>,
    return
  }
  func.func @transform_0(%arg0: i32) -> (i32, i32) {
    %c0_i32 = arith.constant 0 : i32
    %c0_i32_0 = arith.constant 0 : i32
    return %arg0, %c0_i32 : i32, i32
  }
  func.func @transform_1(%arg0: i32) -> (i32, i32) {
    %c0_i32 = arith.constant 0 : i32
    %c0_i32_0 = arith.constant 0 : i32
    return %arg0, %c0_i32 : i32, i32
  }
  func.func @transform_2(%arg0: i32) -> (i32, i32) {
    %c0_i32 = arith.constant 0 : i32
    %c0_i32_0 = arith.constant 0 : i32
    %c0_i32_1 = arith.constant 0 : i32
    return %c0_i32, %c0_i32_0 : i32, i32
  }
  func.func @transform_3(%arg0: i32) -> (i32, i32) {
    %c0_i32 = arith.constant 0 : i32
    %c0_i32_0 = arith.constant 0 : i32
    %c0_i32_1 = arith.constant 0 : i32
    return %c0_i32, %c0_i32_0 : i32, i32
  }
  func.func @transform_4(%arg0: i32) -> (i32, i32) {
    %c0_i32 = arith.constant 0 : i32
    %c0_i32_0 = arith.constant 0 : i32
    %c0_i32_1 = arith.constant 0 : i32
    return %c0_i32, %c0_i32_0 : i32, i32
  }
  func.func @transform_5(%arg0: i32) -> (i32, i32) {
    %c0_i32 = arith.constant 0 : i32
    %c0_i32_0 = arith.constant 0 : i32
    %c0_i32_1 = arith.constant 0 : i32
    return %c0_i32, %c0_i32_0 : i32, i32
  }
  func.func @transform_6(%arg0: i32) -> (i32, i32) {
    %c0_i32 = arith.constant 0 : i32
    %c0_i32_0 = arith.constant 0 : i32
    %c0_i32_1 = arith.constant 0 : i32
    return %c0_i32, %c0_i32_0 : i32, i32
  }
  func.func @transform_7(%arg0: i32) -> (i32, i32) {
    %c0_i32 = arith.constant 0 : i32
    %c0_i32_0 = arith.constant 0 : i32
    %c0_i32_1 = arith.constant 0 : i32
    return %c0_i32, %c0_i32_0 : i32, i32
  }
  func.func @transform_8(%arg0: i32) -> (i32, i32) {
    %c0_i32 = arith.constant 0 : i32
    %c0_i32_0 = arith.constant 0 : i32
    %c0_i32_1 = arith.constant 0 : i32
    return %c0_i32, %c0_i32_0 : i32, i32
  }
  func.func @transform_9(%arg0: i32) -> (i32, i32) {
    %c0_i32 = arith.constant 0 : i32
    %c0_i32_0 = arith.constant 0 : i32
    %c0_i32_1 = arith.constant 0 : i32
    return %c0_i32, %c0_i32_0 : i32, i32
  }
  func.func @transform_10(%arg0: i32) -> (i32, i32) {
    %c0_i32 = arith.constant 0 : i32
    %c0_i32_0 = arith.constant 0 : i32
    %c0_i32_1 = arith.constant 0 : i32
    return %c0_i32, %c0_i32_0 : i32, i32
  }
  func.func @transform_11(%arg0: i32) -> (i32, i32) {
    %c0_i32 = arith.constant 0 : i32
    %c0_i32_0 = arith.constant 0 : i32
    return %arg0, %c0_i32 : i32, i32
  }
}

module attributes {stable_mosaic.version = 14 : i64} {
  func.func @_mlp_body(%arg0: i32, %arg1: memref<2048x128xf32, #tpu.memory_space<vmem>>, %arg2: memref<16x3xf32, #tpu.memory_space<vmem>>, %arg3: memref<128x64xf32, #tpu.memory_space<vmem>>, %arg4: memref<8x64xf32, #tpu.memory_space<vmem>>, %arg5: memref<8x64xf32, #tpu.memory_space<vmem>>) attributes {dimension_semantics = [#tpu.dimension_semantics<arbitrary>], iteration_bounds = array<i64: 128>, scalar_prefetch = 0 : i64, scratch_operands = 0 : i64, tpu.core_type = #tpu.core_type<tc>, window_params = [{transform_indices = @transform_0, window_bounds = array<i64: 2048, 128>}, {transform_indices = @transform_1, window_bounds = array<i64: 16, 3>}, {pipeline_mode = #tpu.pipeline_mode<synchronous>, transform_indices = @transform_2, window_bounds = array<i64: 128, 64>}, {pipeline_mode = #tpu.pipeline_mode<synchronous>, transform_indices = @transform_3, window_bounds = array<i64: 8, 64>}, {pipeline_mode = #tpu.pipeline_mode<synchronous>, transform_indices = @transform_4, window_bounds = array<i64: 8, 64>}]} {
    %get3A = arith.constant 0 : index
    %get3A_0 = arith.constant 0 : index
    %get3A_1 = vector.load %arg1[%get3A, %get3A_0] : memref<2048x128xf32, #tpu.memory_space<vmem>>, vector<2048x128xf32>
    %get3A_2 = arith.constant 0 : index
    %get3A_3 = arith.constant 0 : index
    %get3A_4 = vector.load %arg2[%get3A_2, %get3A_3] : memref<16x3xf32, #tpu.memory_space<vmem>>, vector<16x3xf32>
    %broadcast_in_dim3A = arith.constant 0.000000e+00 : f32
    %broadcast_in_dim3A_5 = vector.broadcast %broadcast_in_dim3A : f32 to vector<16x32xf32>
    %broadcast_in_dim3A_6 = arith.constant 0.000000e+00 : f32
    %broadcast_in_dim3A_7 = vector.broadcast %broadcast_in_dim3A_6 : f32 to vector<16x93xf32>
    %concatenate3A = tpu.concatenate %broadcast_in_dim3A_5, %get3A_4, %broadcast_in_dim3A_7 in 1 : vector<16x32xf32>, vector<16x3xf32>, vector<16x93xf32> -> vector<16x128xf32>
    %reshape3A = vector.shape_cast %get3A_1 : vector<2048x128xf32> to vector<16x128x128xf32>
    %broadcast_in_dim3A_8 = vector.shape_cast %concatenate3A : vector<16x128xf32> to vector<16x1x128xf32>
    %sub3A = vector.broadcast %broadcast_in_dim3A_8 : vector<16x1x128xf32> to vector<16x128x128xf32>
    %sub3A_9 = arith.subf %reshape3A, %sub3A : vector<16x128x128xf32>
    %reshape3A_10 = vector.shape_cast %sub3A_9 : vector<16x128x128xf32> to vector<2048x128xf32>
    %get3A_11 = arith.constant 0 : index
    %get3A_12 = arith.constant 0 : index
    %get3A_13 = vector.load %arg3[%get3A_11, %get3A_12] : memref<128x64xf32, #tpu.memory_space<vmem>>, vector<128x64xf32>
    %dot_general3A = arith.constant dense<0.000000e+00> : vector<2048x64xf32>
    %dot_general3A_14 = tpu.matmul %reshape3A_10, %get3A_13, %dot_general3A {dimension_numbers = #tpu.dot_dimension_numbers<[1], [0], [0], [1], [0, 0, 1, 1], [], []>, transpose_lhs_hint = false} : vector<2048x128xf32>, vector<128x64xf32>, vector<2048x64xf32> -> vector<2048x64xf32>
    %get3A_15 = arith.constant 0 : index
    %get3A_16 = arith.constant 0 : index
    %get3A_17 = vector.load %arg4[%get3A_15, %get3A_16] : memref<8x64xf32, #tpu.memory_space<vmem>>, vector<1x64xf32>
    %add3A = vector.broadcast %get3A_17 : vector<1x64xf32> to vector<2048x64xf32>
    %add3A_18 = arith.addf %dot_general3A_14, %add3A : vector<2048x64xf32>
    %reduce_sum3A = arith.constant dense<0.000000e+00> : vector<64xf32>
    %reduce_sum3A_19 = vector.multi_reduction <add>, %add3A_18, %reduce_sum3A [0] : vector<2048x64xf32> to vector<64xf32>
    %broadcast_in_dim3A_20 = vector.shape_cast %reduce_sum3A_19 : vector<64xf32> to vector<1x64xf32>
    %mul3A = arith.mulf %add3A_18, %add3A_18 : vector<2048x64xf32>
    %reduce_sum3A_21 = arith.constant dense<0.000000e+00> : vector<64xf32>
    %reduce_sum3A_22 = vector.multi_reduction <add>, %mul3A, %reduce_sum3A_21 [0] : vector<2048x64xf32> to vector<64xf32>
    %broadcast_in_dim3A_23 = vector.shape_cast %reduce_sum3A_22 : vector<64xf32> to vector<1x64xf32>
    %eq3A = arith.constant 0 : i32
    %eq3A_24 = arith.cmpi eq, %arg0, %eq3A : i32
    %convert_element_type3A = arith.extui %eq3A_24 : i1 to i32
    %cond3A = arith.constant 0 : i32
    %cond3A_25 = arith.cmpi ne, %convert_element_type3A, %cond3A : i32
    scf.if %cond3A_25 {
      %broadcast_in_dim3A_39 = arith.constant 0.000000e+00 : f32
      %broadcast_in_dim3A_40 = vector.broadcast %broadcast_in_dim3A_39 : f32 to vector<8x64xf32>
      %swap3A_41 = arith.constant 0 : index
      %swap3A_42 = arith.constant 0 : index
      %swap3A_43 = vector.load %arg5[%swap3A_41, %swap3A_42] : memref<8x64xf32, #tpu.memory_space<vmem>>, vector<8x64xf32>
      tpu.vector_store %arg5[%swap3A_41, %swap3A_42], %broadcast_in_dim3A_40 {strides = array<i32>} : memref<8x64xf32, #tpu.memory_space<vmem>>, vector<8x64xf32>,
    } else {
    }
    %get3A_26 = arith.constant 0 : index
    %get3A_27 = arith.constant 0 : index
    %get3A_28 = vector.load %arg5[%get3A_26, %get3A_27] : memref<8x64xf32, #tpu.memory_space<vmem>>, vector<1x64xf32>
    %add3A_29 = arith.addf %get3A_28, %broadcast_in_dim3A_20 : vector<1x64xf32>
    %swap3A = arith.constant 0 : index
    %swap3A_30 = arith.constant 0 : index
    %swap3A_31 = vector.load %arg5[%swap3A, %swap3A_30] : memref<8x64xf32, #tpu.memory_space<vmem>>, vector<1x64xf32>
    tpu.vector_store %arg5[%swap3A, %swap3A_30], %add3A_29 {strides = array<i32>} : memref<8x64xf32, #tpu.memory_space<vmem>>, vector<1x64xf32>,
    %get3A_32 = arith.constant 1 : index
    %get3A_33 = arith.constant 0 : index
    %get3A_34 = vector.load %arg5[%get3A_32, %get3A_33] : memref<8x64xf32, #tpu.memory_space<vmem>>, vector<1x64xf32>
    %add3A_35 = arith.addf %get3A_34, %broadcast_in_dim3A_23 : vector<1x64xf32>
    %swap3A_36 = arith.constant 1 : index
    %swap3A_37 = arith.constant 0 : index
    %swap3A_38 = vector.load %arg5[%swap3A_36, %swap3A_37] : memref<8x64xf32, #tpu.memory_space<vmem>>, vector<1x64xf32>
    tpu.vector_store %arg5[%swap3A_36, %swap3A_37], %add3A_35 {strides = array<i32>} : memref<8x64xf32, #tpu.memory_space<vmem>>, vector<1x64xf32>,
    return
  }
  func.func @transform_0(%arg0: i32) -> (i32, i32) {
    %c0_i32 = arith.constant 0 : i32
    %c0_i32_0 = arith.constant 0 : i32
    return %arg0, %c0_i32 : i32, i32
  }
  func.func @transform_1(%arg0: i32) -> (i32, i32) {
    %c0_i32 = arith.constant 0 : i32
    %c0_i32_0 = arith.constant 0 : i32
    return %arg0, %c0_i32 : i32, i32
  }
  func.func @transform_2(%arg0: i32) -> (i32, i32) {
    %c0_i32 = arith.constant 0 : i32
    %c0_i32_0 = arith.constant 0 : i32
    %c0_i32_1 = arith.constant 0 : i32
    return %c0_i32, %c0_i32_0 : i32, i32
  }
  func.func @transform_3(%arg0: i32) -> (i32, i32) {
    %c0_i32 = arith.constant 0 : i32
    %c0_i32_0 = arith.constant 0 : i32
    %c0_i32_1 = arith.constant 0 : i32
    return %c0_i32, %c0_i32_0 : i32, i32
  }
  func.func @transform_4(%arg0: i32) -> (i32, i32) {
    %c0_i32 = arith.constant 0 : i32
    %c0_i32_0 = arith.constant 0 : i32
    %c0_i32_1 = arith.constant 0 : i32
    return %c0_i32, %c0_i32_0 : i32, i32
  }
}

module attributes {stable_mosaic.version = 14 : i64} {
  func.func @_mlp_body(%arg0: i32, %arg1: memref<2048x128xf32, #tpu.memory_space<vmem>>, %arg2: memref<16x3xf32, #tpu.memory_space<vmem>>, %arg3: memref<128x64xf32, #tpu.memory_space<vmem>>, %arg4: memref<64x96xf32, #tpu.memory_space<vmem>>, %arg5: memref<8x64xf32, #tpu.memory_space<vmem>>, %arg6: memref<8x96xf32, #tpu.memory_space<vmem>>, %arg7: memref<8x64xf32, #tpu.memory_space<vmem>>, %arg8: memref<8x96xf32, #tpu.memory_space<vmem>>) attributes {dimension_semantics = [#tpu.dimension_semantics<arbitrary>], iteration_bounds = array<i64: 128>, scalar_prefetch = 0 : i64, scratch_operands = 0 : i64, tpu.core_type = #tpu.core_type<tc>, window_params = [{transform_indices = @transform_0, window_bounds = array<i64: 2048, 128>}, {transform_indices = @transform_1, window_bounds = array<i64: 16, 3>}, {pipeline_mode = #tpu.pipeline_mode<synchronous>, transform_indices = @transform_2, window_bounds = array<i64: 128, 64>}, {pipeline_mode = #tpu.pipeline_mode<synchronous>, transform_indices = @transform_3, window_bounds = array<i64: 64, 96>}, {pipeline_mode = #tpu.pipeline_mode<synchronous>, transform_indices = @transform_4, window_bounds = array<i64: 8, 64>}, {pipeline_mode = #tpu.pipeline_mode<synchronous>, transform_indices = @transform_5, window_bounds = array<i64: 8, 96>}, {pipeline_mode = #tpu.pipeline_mode<synchronous>, transform_indices = @transform_6, window_bounds = array<i64: 8, 64>}, {pipeline_mode = #tpu.pipeline_mode<synchronous>, transform_indices = @transform_7, window_bounds = array<i64: 8, 96>}]} {
    %get3A = arith.constant 0 : index
    %get3A_0 = arith.constant 0 : index
    %get3A_1 = vector.load %arg1[%get3A, %get3A_0] : memref<2048x128xf32, #tpu.memory_space<vmem>>, vector<2048x128xf32>
    %get3A_2 = arith.constant 0 : index
    %get3A_3 = arith.constant 0 : index
    %get3A_4 = vector.load %arg2[%get3A_2, %get3A_3] : memref<16x3xf32, #tpu.memory_space<vmem>>, vector<16x3xf32>
    %broadcast_in_dim3A = arith.constant 0.000000e+00 : f32
    %broadcast_in_dim3A_5 = vector.broadcast %broadcast_in_dim3A : f32 to vector<16x32xf32>
    %broadcast_in_dim3A_6 = arith.constant 0.000000e+00 : f32
    %broadcast_in_dim3A_7 = vector.broadcast %broadcast_in_dim3A_6 : f32 to vector<16x93xf32>
    %concatenate3A = tpu.concatenate %broadcast_in_dim3A_5, %get3A_4, %broadcast_in_dim3A_7 in 1 : vector<16x32xf32>, vector<16x3xf32>, vector<16x93xf32> -> vector<16x128xf32>
    %reshape3A = vector.shape_cast %get3A_1 : vector<2048x128xf32> to vector<16x128x128xf32>
    %broadcast_in_dim3A_8 = vector.shape_cast %concatenate3A : vector<16x128xf32> to vector<16x1x128xf32>
    %sub3A = vector.broadcast %broadcast_in_dim3A_8 : vector<16x1x128xf32> to vector<16x128x128xf32>
    %sub3A_9 = arith.subf %reshape3A, %sub3A : vector<16x128x128xf32>
    %reshape3A_10 = vector.shape_cast %sub3A_9 : vector<16x128x128xf32> to vector<2048x128xf32>
    %get3A_11 = arith.constant 0 : index
    %get3A_12 = arith.constant 0 : index
    %get3A_13 = vector.load %arg3[%get3A_11, %get3A_12] : memref<128x64xf32, #tpu.memory_space<vmem>>, vector<128x64xf32>
    %dot_general3A = arith.constant dense<0.000000e+00> : vector<2048x64xf32>
    %dot_general3A_14 = tpu.matmul %reshape3A_10, %get3A_13, %dot_general3A {dimension_numbers = #tpu.dot_dimension_numbers<[1], [0], [0], [1], [0, 0, 1, 1], [], []>, transpose_lhs_hint = false} : vector<2048x128xf32>, vector<128x64xf32>, vector<2048x64xf32> -> vector<2048x64xf32>
    %get3A_15 = arith.constant 0 : index
    %get3A_16 = arith.constant 0 : index
    %get3A_17 = vector.load %arg5[%get3A_15, %get3A_16] : memref<8x64xf32, #tpu.memory_space<vmem>>, vector<1x64xf32>
    %add3A = vector.broadcast %get3A_17 : vector<1x64xf32> to vector<2048x64xf32>
    %add3A_18 = arith.addf %dot_general3A_14, %add3A : vector<2048x64xf32>
    %get3A_19 = arith.constant 0 : index
    %get3A_20 = arith.constant 0 : index
    %get3A_21 = vector.load %arg7[%get3A_19, %get3A_20] : memref<8x64xf32, #tpu.memory_space<vmem>>, vector<8x64xf32>
    %slice3A = vector.extract_strided_slice %get3A_21 {offsets = [0, 0], sizes = [1, 64], strides = [1, 1]} : vector<8x64xf32> to vector<1x64xf32>
    %div3A = arith.constant 2.621440e+05 : f32
    %div3A_22 = vector.broadcast %div3A : f32 to vector<1x64xf32>
    %div3A_23 = arith.divf %slice3A, %div3A_22 : vector<1x64xf32>
    %slice3A_24 = vector.extract_strided_slice %get3A_21 {offsets = [1, 0], sizes = [1, 64], strides = [1, 1]} : vector<8x64xf32> to vector<1x64xf32>
    %div3A_25 = arith.constant 2.621440e+05 : f32
    %div3A_26 = vector.broadcast %div3A_25 : f32 to vector<1x64xf32>
    %div3A_27 = arith.divf %slice3A_24, %div3A_26 : vector<1x64xf32>
    %mul3A = arith.mulf %div3A_23, %div3A_23 : vector<1x64xf32>
    %sub3A_28 = arith.subf %div3A_27, %mul3A : vector<1x64xf32>
    %get3A_29 = arith.constant 1 : index
    %get3A_30 = arith.constant 0 : index
    %get3A_31 = vector.load %arg5[%get3A_29, %get3A_30] : memref<8x64xf32, #tpu.memory_space<vmem>>, vector<1x64xf32>
    %get3A_32 = arith.constant 2 : index
    %get3A_33 = arith.constant 0 : index
    %get3A_34 = vector.load %arg5[%get3A_32, %get3A_33] : memref<8x64xf32, #tpu.memory_space<vmem>>, vector<1x64xf32>
    %add3A_35 = arith.constant 9.99999974E-6 : f32
    %add3A_36 = vector.broadcast %add3A_35 : f32 to vector<1x64xf32>
    %add3A_37 = arith.addf %sub3A_28, %add3A_36 : vector<1x64xf32>
    %sqrt3A = math.sqrt %add3A_37 : vector<1x64xf32>
    %div3A_38 = arith.divf %get3A_31, %sqrt3A : vector<1x64xf32>
    %mul3A_39 = arith.mulf %div3A_23, %div3A_38 : vector<1x64xf32>
    %sub3A_40 = arith.subf %get3A_34, %mul3A_39 : vector<1x64xf32>
    %mul3A_41 = vector.broadcast %div3A_38 : vector<1x64xf32> to vector<2048x64xf32>
    %mul3A_42 = arith.mulf %add3A_18, %mul3A_41 : vector<2048x64xf32>
    %add3A_43 = vector.broadcast %sub3A_40 : vector<1x64xf32> to vector<2048x64xf32>
    %add3A_44 = arith.addf %mul3A_42, %add3A_43 : vector<2048x64xf32>
    %max3A = arith.constant 0.000000e+00 : f32
    %max3A_45 = vector.broadcast %max3A : f32 to vector<2048x64xf32>
    %max3A_46 = arith.maximumf %add3A_44, %max3A_45 : vector<2048x64xf32>
    %get3A_47 = arith.constant 0 : index
    %get3A_48 = arith.constant 0 : index
    %get3A_49 = vector.load %arg4[%get3A_47, %get3A_48] : memref<64x96xf32, #tpu.memory_space<vmem>>, vector<64x96xf32>
    %dot_general3A_50 = arith.constant dense<0.000000e+00> : vector<2048x96xf32>
    %dot_general3A_51 = tpu.matmul %max3A_46, %get3A_49, %dot_general3A_50 {dimension_numbers = #tpu.dot_dimension_numbers<[1], [0], [0], [1], [0, 0, 1, 1], [], []>, transpose_lhs_hint = false} : vector<2048x64xf32>, vector<64x96xf32>, vector<2048x96xf32> -> vector<2048x96xf32>
    %get3A_52 = arith.constant 0 : index
    %get3A_53 = arith.constant 0 : index
    %get3A_54 = vector.load %arg6[%get3A_52, %get3A_53] : memref<8x96xf32, #tpu.memory_space<vmem>>, vector<1x96xf32>
    %add3A_55 = vector.broadcast %get3A_54 : vector<1x96xf32> to vector<2048x96xf32>
    %add3A_56 = arith.addf %dot_general3A_51, %add3A_55 : vector<2048x96xf32>
    %reduce_sum3A = arith.constant dense<0.000000e+00> : vector<96xf32>
    %reduce_sum3A_57 = vector.multi_reduction <add>, %add3A_56, %reduce_sum3A [0] : vector<2048x96xf32> to vector<96xf32>
    %broadcast_in_dim3A_58 = vector.shape_cast %reduce_sum3A_57 : vector<96xf32> to vector<1x96xf32>
    %mul3A_59 = arith.mulf %add3A_56, %add3A_56 : vector<2048x96xf32>
    %reduce_sum3A_60 = arith.constant dense<0.000000e+00> : vector<96xf32>
    %reduce_sum3A_61 = vector.multi_reduction <add>, %mul3A_59, %reduce_sum3A_60 [0] : vector<2048x96xf32> to vector<96xf32>
    %broadcast_in_dim3A_62 = vector.shape_cast %reduce_sum3A_61 : vector<96xf32> to vector<1x96xf32>
    %eq3A = arith.constant 0 : i32
    %eq3A_63 = arith.cmpi eq, %arg0, %eq3A : i32
    %convert_element_type3A = arith.extui %eq3A_63 : i1 to i32
    %cond3A = arith.constant 0 : i32
    %cond3A_64 = arith.cmpi ne, %convert_element_type3A, %cond3A : i32
    scf.if %cond3A_64 {
      %broadcast_in_dim3A_78 = arith.constant 0.000000e+00 : f32
      %broadcast_in_dim3A_79 = vector.broadcast %broadcast_in_dim3A_78 : f32 to vector<8x96xf32>
      %swap3A_80 = arith.constant 0 : index
      %swap3A_81 = arith.constant 0 : index
      %swap3A_82 = vector.load %arg8[%swap3A_80, %swap3A_81] : memref<8x96xf32, #tpu.memory_space<vmem>>, vector<8x96xf32>
      tpu.vector_store %arg8[%swap3A_80, %swap3A_81], %broadcast_in_dim3A_79 {strides = array<i32>} : memref<8x96xf32, #tpu.memory_space<vmem>>, vector<8x96xf32>,
    } else {
    }
    %get3A_65 = arith.constant 0 : index
    %get3A_66 = arith.constant 0 : index
    %get3A_67 = vector.load %arg8[%get3A_65, %get3A_66] : memref<8x96xf32, #tpu.memory_space<vmem>>, vector<1x96xf32>
    %add3A_68 = arith.addf %get3A_67, %broadcast_in_dim3A_58 : vector<1x96xf32>
    %swap3A = arith.constant 0 : index
    %swap3A_69 = arith.constant 0 : index
    %swap3A_70 = vector.load %arg8[%swap3A, %swap3A_69] : memref<8x96xf32, #tpu.memory_space<vmem>>, vector<1x96xf32>
    tpu.vector_store %arg8[%swap3A, %swap3A_69], %add3A_68 {strides = array<i32>} : memref<8x96xf32, #tpu.memory_space<vmem>>, vector<1x96xf32>,
    %get3A_71 = arith.constant 1 : index
    %get3A_72 = arith.constant 0 : index
    %get3A_73 = vector.load %arg8[%get3A_71, %get3A_72] : memref<8x96xf32, #tpu.memory_space<vmem>>, vector<1x96xf32>
    %add3A_74 = arith.addf %get3A_73, %broadcast_in_dim3A_62 : vector<1x96xf32>
    %swap3A_75 = arith.constant 1 : index
    %swap3A_76 = arith.constant 0 : index
    %swap3A_77 = vector.load %arg8[%swap3A_75, %swap3A_76] : memref<8x96xf32, #tpu.memory_space<vmem>>, vector<1x96xf32>
    tpu.vector_store %arg8[%swap3A_75, %swap3A_76], %add3A_74 {strides = array<i32>} : memref<8x96xf32, #tpu.memory_space<vmem>>, vector<1x96xf32>,
    return
  }
  func.func @transform_0(%arg0: i32) -> (i32, i32) {
    %c0_i32 = arith.constant 0 : i32
    %c0_i32_0 = arith.constant 0 : i32
    return %arg0, %c0_i32 : i32, i32
  }
  func.func @transform_1(%arg0: i32) -> (i32, i32) {
    %c0_i32 = arith.constant 0 : i32
    %c0_i32_0 = arith.constant 0 : i32
    return %arg0, %c0_i32 : i32, i32
  }
  func.func @transform_2(%arg0: i32) -> (i32, i32) {
    %c0_i32 = arith.constant 0 : i32
    %c0_i32_0 = arith.constant 0 : i32
    %c0_i32_1 = arith.constant 0 : i32
    return %c0_i32, %c0_i32_0 : i32, i32
  }
  func.func @transform_3(%arg0: i32) -> (i32, i32) {
    %c0_i32 = arith.constant 0 : i32
    %c0_i32_0 = arith.constant 0 : i32
    %c0_i32_1 = arith.constant 0 : i32
    return %c0_i32, %c0_i32_0 : i32, i32
  }
  func.func @transform_4(%arg0: i32) -> (i32, i32) {
    %c0_i32 = arith.constant 0 : i32
    %c0_i32_0 = arith.constant 0 : i32
    %c0_i32_1 = arith.constant 0 : i32
    return %c0_i32, %c0_i32_0 : i32, i32
  }
  func.func @transform_5(%arg0: i32) -> (i32, i32) {
    %c0_i32 = arith.constant 0 : i32
    %c0_i32_0 = arith.constant 0 : i32
    %c0_i32_1 = arith.constant 0 : i32
    return %c0_i32, %c0_i32_0 : i32, i32
  }
  func.func @transform_6(%arg0: i32) -> (i32, i32) {
    %c0_i32 = arith.constant 0 : i32
    %c0_i32_0 = arith.constant 0 : i32
    %c0_i32_1 = arith.constant 0 : i32
    return %c0_i32, %c0_i32_0 : i32, i32
  }
  func.func @transform_7(%arg0: i32) -> (i32, i32) {
    %c0_i32 = arith.constant 0 : i32
    %c0_i32_0 = arith.constant 0 : i32
    %c0_i32_1 = arith.constant 0 : i32
    return %c0_i32, %c0_i32_0 : i32, i32
  }
}

module attributes {stable_mosaic.version = 14 : i64} {
  func.func @_mlp_body(%arg0: i32, %arg1: memref<2048x128xf32, #tpu.memory_space<vmem>>, %arg2: memref<16x3xf32, #tpu.memory_space<vmem>>, %arg3: memref<128x64xf32, #tpu.memory_space<vmem>>, %arg4: memref<64x96xf32, #tpu.memory_space<vmem>>, %arg5: memref<96x128xf32, #tpu.memory_space<vmem>>, %arg6: memref<8x64xf32, #tpu.memory_space<vmem>>, %arg7: memref<8x96xf32, #tpu.memory_space<vmem>>, %arg8: memref<8x128xf32, #tpu.memory_space<vmem>>, %arg9: memref<8x64xf32, #tpu.memory_space<vmem>>, %arg10: memref<8x96xf32, #tpu.memory_space<vmem>>, %arg11: memref<8x128xf32, #tpu.memory_space<vmem>>) attributes {dimension_semantics = [#tpu.dimension_semantics<arbitrary>], iteration_bounds = array<i64: 128>, scalar_prefetch = 0 : i64, scratch_operands = 0 : i64, tpu.core_type = #tpu.core_type<tc>, window_params = [{transform_indices = @transform_0, window_bounds = array<i64: 2048, 128>}, {transform_indices = @transform_1, window_bounds = array<i64: 16, 3>}, {pipeline_mode = #tpu.pipeline_mode<synchronous>, transform_indices = @transform_2, window_bounds = array<i64: 128, 64>}, {pipeline_mode = #tpu.pipeline_mode<synchronous>, transform_indices = @transform_3, window_bounds = array<i64: 64, 96>}, {pipeline_mode = #tpu.pipeline_mode<synchronous>, transform_indices = @transform_4, window_bounds = array<i64: 96, 128>}, {pipeline_mode = #tpu.pipeline_mode<synchronous>, transform_indices = @transform_5, window_bounds = array<i64: 8, 64>}, {pipeline_mode = #tpu.pipeline_mode<synchronous>, transform_indices = @transform_6, window_bounds = array<i64: 8, 96>}, {pipeline_mode = #tpu.pipeline_mode<synchronous>, transform_indices = @transform_7, window_bounds = array<i64: 8, 128>}, {pipeline_mode = #tpu.pipeline_mode<synchronous>, transform_indices = @transform_8, window_bounds = array<i64: 8, 64>}, {pipeline_mode = #tpu.pipeline_mode<synchronous>, transform_indices = @transform_9, window_bounds = array<i64: 8, 96>}, {pipeline_mode = #tpu.pipeline_mode<synchronous>, transform_indices = @transform_10, window_bounds = array<i64: 8, 128>}]} {
    %get3A = arith.constant 0 : index
    %get3A_0 = arith.constant 0 : index
    %get3A_1 = vector.load %arg1[%get3A, %get3A_0] : memref<2048x128xf32, #tpu.memory_space<vmem>>, vector<2048x128xf32>
    %get3A_2 = arith.constant 0 : index
    %get3A_3 = arith.constant 0 : index
    %get3A_4 = vector.load %arg2[%get3A_2, %get3A_3] : memref<16x3xf32, #tpu.memory_space<vmem>>, vector<16x3xf32>
    %broadcast_in_dim3A = arith.constant 0.000000e+00 : f32
    %broadcast_in_dim3A_5 = vector.broadcast %broadcast_in_dim3A : f32 to vector<16x32xf32>
    %broadcast_in_dim3A_6 = arith.constant 0.000000e+00 : f32
    %broadcast_in_dim3A_7 = vector.broadcast %broadcast_in_dim3A_6 : f32 to vector<16x93xf32>
    %concatenate3A = tpu.concatenate %broadcast_in_dim3A_5, %get3A_4, %broadcast_in_dim3A_7 in 1 : vector<16x32xf32>, vector<16x3xf32>, vector<16x93xf32> -> vector<16x128xf32>
    %reshape3A = vector.shape_cast %get3A_1 : vector<2048x128xf32> to vector<16x128x128xf32>
    %broadcast_in_dim3A_8 = vector.shape_cast %concatenate3A : vector<16x128xf32> to vector<16x1x128xf32>
    %sub3A = vector.broadcast %broadcast_in_dim3A_8 : vector<16x1x128xf32> to vector<16x128x128xf32>
    %sub3A_9 = arith.subf %reshape3A, %sub3A : vector<16x128x128xf32>
    %reshape3A_10 = vector.shape_cast %sub3A_9 : vector<16x128x128xf32> to vector<2048x128xf32>
    %get3A_11 = arith.constant 0 : index
    %get3A_12 = arith.constant 0 : index
    %get3A_13 = vector.load %arg3[%get3A_11, %get3A_12] : memref<128x64xf32, #tpu.memory_space<vmem>>, vector<128x64xf32>
    %dot_general3A = arith.constant dense<0.000000e+00> : vector<2048x64xf32>
    %dot_general3A_14 = tpu.matmul %reshape3A_10, %get3A_13, %dot_general3A {dimension_numbers = #tpu.dot_dimension_numbers<[1], [0], [0], [1], [0, 0, 1, 1], [], []>, transpose_lhs_hint = false} : vector<2048x128xf32>, vector<128x64xf32>, vector<2048x64xf32> -> vector<2048x64xf32>
    %get3A_15 = arith.constant 0 : index
    %get3A_16 = arith.constant 0 : index
    %get3A_17 = vector.load %arg6[%get3A_15, %get3A_16] : memref<8x64xf32, #tpu.memory_space<vmem>>, vector<1x64xf32>
    %add3A = vector.broadcast %get3A_17 : vector<1x64xf32> to vector<2048x64xf32>
    %add3A_18 = arith.addf %dot_general3A_14, %add3A : vector<2048x64xf32>
    %get3A_19 = arith.constant 0 : index
    %get3A_20 = arith.constant 0 : index
    %get3A_21 = vector.load %arg9[%get3A_19, %get3A_20] : memref<8x64xf32, #tpu.memory_space<vmem>>, vector<8x64xf32>
    %slice3A = vector.extract_strided_slice %get3A_21 {offsets = [0, 0], sizes = [1, 64], strides = [1, 1]} : vector<8x64xf32> to vector<1x64xf32>
    %div3A = arith.constant 2.621440e+05 : f32
    %div3A_22 = vector.broadcast %div3A : f32 to vector<1x64xf32>
    %div3A_23 = arith.divf %slice3A, %div3A_22 : vector<1x64xf32>
    %slice3A_24 = vector.extract_strided_slice %get3A_21 {offsets = [1, 0], sizes = [1, 64], strides = [1, 1]} : vector<8x64xf32> to vector<1x64xf32>
    %div3A_25 = arith.constant 2.621440e+05 : f32
    %div3A_26 = vector.broadcast %div3A_25 : f32 to vector<1x64xf32>
    %div3A_27 = arith.divf %slice3A_24, %div3A_26 : vector<1x64xf32>
    %mul3A = arith.mulf %div3A_23, %div3A_23 : vector<1x64xf32>
    %sub3A_28 = arith.subf %div3A_27, %mul3A : vector<1x64xf32>
    %get3A_29 = arith.constant 1 : index
    %get3A_30 = arith.constant 0 : index
    %get3A_31 = vector.load %arg6[%get3A_29, %get3A_30] : memref<8x64xf32, #tpu.memory_space<vmem>>, vector<1x64xf32>
    %get3A_32 = arith.constant 2 : index
    %get3A_33 = arith.constant 0 : index
    %get3A_34 = vector.load %arg6[%get3A_32, %get3A_33] : memref<8x64xf32, #tpu.memory_space<vmem>>, vector<1x64xf32>
    %add3A_35 = arith.constant 9.99999974E-6 : f32
    %add3A_36 = vector.broadcast %add3A_35 : f32 to vector<1x64xf32>
    %add3A_37 = arith.addf %sub3A_28, %add3A_36 : vector<1x64xf32>
    %sqrt3A = math.sqrt %add3A_37 : vector<1x64xf32>
    %div3A_38 = arith.divf %get3A_31, %sqrt3A : vector<1x64xf32>
    %mul3A_39 = arith.mulf %div3A_23, %div3A_38 : vector<1x64xf32>
    %sub3A_40 = arith.subf %get3A_34, %mul3A_39 : vector<1x64xf32>
    %mul3A_41 = vector.broadcast %div3A_38 : vector<1x64xf32> to vector<2048x64xf32>
    %mul3A_42 = arith.mulf %add3A_18, %mul3A_41 : vector<2048x64xf32>
    %add3A_43 = vector.broadcast %sub3A_40 : vector<1x64xf32> to vector<2048x64xf32>
    %add3A_44 = arith.addf %mul3A_42, %add3A_43 : vector<2048x64xf32>
    %max3A = arith.constant 0.000000e+00 : f32
    %max3A_45 = vector.broadcast %max3A : f32 to vector<2048x64xf32>
    %max3A_46 = arith.maximumf %add3A_44, %max3A_45 : vector<2048x64xf32>
    %get3A_47 = arith.constant 0 : index
    %get3A_48 = arith.constant 0 : index
    %get3A_49 = vector.load %arg4[%get3A_47, %get3A_48] : memref<64x96xf32, #tpu.memory_space<vmem>>, vector<64x96xf32>
    %dot_general3A_50 = arith.constant dense<0.000000e+00> : vector<2048x96xf32>
    %dot_general3A_51 = tpu.matmul %max3A_46, %get3A_49, %dot_general3A_50 {dimension_numbers = #tpu.dot_dimension_numbers<[1], [0], [0], [1], [0, 0, 1, 1], [], []>, transpose_lhs_hint = false} : vector<2048x64xf32>, vector<64x96xf32>, vector<2048x96xf32> -> vector<2048x96xf32>
    %get3A_52 = arith.constant 0 : index
    %get3A_53 = arith.constant 0 : index
    %get3A_54 = vector.load %arg7[%get3A_52, %get3A_53] : memref<8x96xf32, #tpu.memory_space<vmem>>, vector<1x96xf32>
    %add3A_55 = vector.broadcast %get3A_54 : vector<1x96xf32> to vector<2048x96xf32>
    %add3A_56 = arith.addf %dot_general3A_51, %add3A_55 : vector<2048x96xf32>
    %get3A_57 = arith.constant 0 : index
    %get3A_58 = arith.constant 0 : index
    %get3A_59 = vector.load %arg10[%get3A_57, %get3A_58] : memref<8x96xf32, #tpu.memory_space<vmem>>, vector<8x96xf32>
    %slice3A_60 = vector.extract_strided_slice %get3A_59 {offsets = [0, 0], sizes = [1, 96], strides = [1, 1]} : vector<8x96xf32> to vector<1x96xf32>
    %div3A_61 = arith.constant 2.621440e+05 : f32
    %div3A_62 = vector.broadcast %div3A_61 : f32 to vector<1x96xf32>
    %div3A_63 = arith.divf %slice3A_60, %div3A_62 : vector<1x96xf32>
    %slice3A_64 = vector.extract_strided_slice %get3A_59 {offsets = [1, 0], sizes = [1, 96], strides = [1, 1]} : vector<8x96xf32> to vector<1x96xf32>
    %div3A_65 = arith.constant 2.621440e+05 : f32
    %div3A_66 = vector.broadcast %div3A_65 : f32 to vector<1x96xf32>
    %div3A_67 = arith.divf %slice3A_64, %div3A_66 : vector<1x96xf32>
    %mul3A_68 = arith.mulf %div3A_63, %div3A_63 : vector<1x96xf32>
    %sub3A_69 = arith.subf %div3A_67, %mul3A_68 : vector<1x96xf32>
    %get3A_70 = arith.constant 1 : index
    %get3A_71 = arith.constant 0 : index
    %get3A_72 = vector.load %arg7[%get3A_70, %get3A_71] : memref<8x96xf32, #tpu.memory_space<vmem>>, vector<1x96xf32>
    %get3A_73 = arith.constant 2 : index
    %get3A_74 = arith.constant 0 : index
    %get3A_75 = vector.load %arg7[%get3A_73, %get3A_74] : memref<8x96xf32, #tpu.memory_space<vmem>>, vector<1x96xf32>
    %add3A_76 = arith.constant 9.99999974E-6 : f32
    %add3A_77 = vector.broadcast %add3A_76 : f32 to vector<1x96xf32>
    %add3A_78 = arith.addf %sub3A_69, %add3A_77 : vector<1x96xf32>
    %sqrt3A_79 = math.sqrt %add3A_78 : vector<1x96xf32>
    %div3A_80 = arith.divf %get3A_72, %sqrt3A_79 : vector<1x96xf32>
    %mul3A_81 = arith.mulf %div3A_63, %div3A_80 : vector<1x96xf32>
    %sub3A_82 = arith.subf %get3A_75, %mul3A_81 : vector<1x96xf32>
    %mul3A_83 = vector.broadcast %div3A_80 : vector<1x96xf32> to vector<2048x96xf32>
    %mul3A_84 = arith.mulf %add3A_56, %mul3A_83 : vector<2048x96xf32>
    %add3A_85 = vector.broadcast %sub3A_82 : vector<1x96xf32> to vector<2048x96xf32>
    %add3A_86 = arith.addf %mul3A_84, %add3A_85 : vector<2048x96xf32>
    %max3A_87 = arith.constant 0.000000e+00 : f32
    %max3A_88 = vector.broadcast %max3A_87 : f32 to vector<2048x96xf32>
    %max3A_89 = arith.maximumf %add3A_86, %max3A_88 : vector<2048x96xf32>
    %get3A_90 = arith.constant 0 : index
    %get3A_91 = arith.constant 0 : index
    %get3A_92 = vector.load %arg5[%get3A_90, %get3A_91] : memref<96x128xf32, #tpu.memory_space<vmem>>, vector<96x128xf32>
    %dot_general3A_93 = arith.constant dense<0.000000e+00> : vector<2048x128xf32>
    %dot_general3A_94 = tpu.matmul %max3A_89, %get3A_92, %dot_general3A_93 {dimension_numbers = #tpu.dot_dimension_numbers<[1], [0], [0], [1], [0, 0, 1, 1], [], []>, transpose_lhs_hint = false} : vector<2048x96xf32>, vector<96x128xf32>, vector<2048x128xf32> -> vector<2048x128xf32>
    %get3A_95 = arith.constant 0 : index
    %get3A_96 = arith.constant 0 : index
    %get3A_97 = vector.load %arg8[%get3A_95, %get3A_96] : memref<8x128xf32, #tpu.memory_space<vmem>>, vector<1x128xf32>
    %add3A_98 = vector.broadcast %get3A_97 : vector<1x128xf32> to vector<2048x128xf32>
    %add3A_99 = arith.addf %dot_general3A_94, %add3A_98 : vector<2048x128xf32>
    %reduce_sum3A = arith.constant dense<0.000000e+00> : vector<128xf32>
    %reduce_sum3A_100 = vector.multi_reduction <add>, %add3A_99, %reduce_sum3A [0] : vector<2048x128xf32> to vector<128xf32>
    %broadcast_in_dim3A_101 = vector.shape_cast %reduce_sum3A_100 : vector<128xf32> to vector<1x128xf32>
    %mul3A_102 = arith.mulf %add3A_99, %add3A_99 : vector<2048x128xf32>
    %reduce_sum3A_103 = arith.constant dense<0.000000e+00> : vector<128xf32>
    %reduce_sum3A_104 = vector.multi_reduction <add>, %mul3A_102, %reduce_sum3A_103 [0] : vector<2048x128xf32> to vector<128xf32>
    %broadcast_in_dim3A_105 = vector.shape_cast %reduce_sum3A_104 : vector<128xf32> to vector<1x128xf32>
    %eq3A = arith.constant 0 : i32
    %eq3A_106 = arith.cmpi eq, %arg0, %eq3A : i32
    %convert_element_type3A = arith.extui %eq3A_106 : i1 to i32
    %cond3A = arith.constant 0 : i32
    %cond3A_107 = arith.cmpi ne, %convert_element_type3A, %cond3A : i32
    scf.if %cond3A_107 {
      %broadcast_in_dim3A_121 = arith.constant 0.000000e+00 : f32
      %broadcast_in_dim3A_122 = vector.broadcast %broadcast_in_dim3A_121 : f32 to vector<8x128xf32>
      %swap3A_123 = arith.constant 0 : index
      %swap3A_124 = arith.constant 0 : index
      %swap3A_125 = vector.load %arg11[%swap3A_123, %swap3A_124] : memref<8x128xf32, #tpu.memory_space<vmem>>, vector<8x128xf32>
      tpu.vector_store %arg11[%swap3A_123, %swap3A_124], %broadcast_in_dim3A_122 {strides = array<i32>} : memref<8x128xf32, #tpu.memory_space<vmem>>, vector<8x128xf32>,
    } else {
    }
    %get3A_108 = arith.constant 0 : index
    %get3A_109 = arith.constant 0 : index
    %get3A_110 = vector.load %arg11[%get3A_108, %get3A_109] : memref<8x128xf32, #tpu.memory_space<vmem>>, vector<1x128xf32>
    %add3A_111 = arith.addf %get3A_110, %broadcast_in_dim3A_101 : vector<1x128xf32>
    %swap3A = arith.constant 0 : index
    %swap3A_112 = arith.constant 0 : index
    %swap3A_113 = vector.load %arg11[%swap3A, %swap3A_112] : memref<8x128xf32, #tpu.memory_space<vmem>>, vector<1x128xf32>
    tpu.vector_store %arg11[%swap3A, %swap3A_112], %add3A_111 {strides = array<i32>} : memref<8x128xf32, #tpu.memory_space<vmem>>, vector<1x128xf32>,
    %get3A_114 = arith.constant 1 : index
    %get3A_115 = arith.constant 0 : index
    %get3A_116 = vector.load %arg11[%get3A_114, %get3A_115] : memref<8x128xf32, #tpu.memory_space<vmem>>, vector<1x128xf32>
    %add3A_117 = arith.addf %get3A_116, %broadcast_in_dim3A_105 : vector<1x128xf32>
    %swap3A_118 = arith.constant 1 : index
    %swap3A_119 = arith.constant 0 : index
    %swap3A_120 = vector.load %arg11[%swap3A_118, %swap3A_119] : memref<8x128xf32, #tpu.memory_space<vmem>>, vector<1x128xf32>
    tpu.vector_store %arg11[%swap3A_118, %swap3A_119], %add3A_117 {strides = array<i32>} : memref<8x128xf32, #tpu.memory_space<vmem>>, vector<1x128xf32>,
    return
  }
  func.func @transform_0(%arg0: i32) -> (i32, i32) {
    %c0_i32 = arith.constant 0 : i32
    %c0_i32_0 = arith.constant 0 : i32
    return %arg0, %c0_i32 : i32, i32
  }
  func.func @transform_1(%arg0: i32) -> (i32, i32) {
    %c0_i32 = arith.constant 0 : i32
    %c0_i32_0 = arith.constant 0 : i32
    return %arg0, %c0_i32 : i32, i32
  }
  func.func @transform_2(%arg0: i32) -> (i32, i32) {
    %c0_i32 = arith.constant 0 : i32
    %c0_i32_0 = arith.constant 0 : i32
    %c0_i32_1 = arith.constant 0 : i32
    return %c0_i32, %c0_i32_0 : i32, i32
  }
  func.func @transform_3(%arg0: i32) -> (i32, i32) {
    %c0_i32 = arith.constant 0 : i32
    %c0_i32_0 = arith.constant 0 : i32
    %c0_i32_1 = arith.constant 0 : i32
    return %c0_i32, %c0_i32_0 : i32, i32
  }
  func.func @transform_4(%arg0: i32) -> (i32, i32) {
    %c0_i32 = arith.constant 0 : i32
    %c0_i32_0 = arith.constant 0 : i32
    %c0_i32_1 = arith.constant 0 : i32
    return %c0_i32, %c0_i32_0 : i32, i32
  }
  func.func @transform_5(%arg0: i32) -> (i32, i32) {
    %c0_i32 = arith.constant 0 : i32
    %c0_i32_0 = arith.constant 0 : i32
    %c0_i32_1 = arith.constant 0 : i32
    return %c0_i32, %c0_i32_0 : i32, i32
  }
  func.func @transform_6(%arg0: i32) -> (i32, i32) {
    %c0_i32 = arith.constant 0 : i32
    %c0_i32_0 = arith.constant 0 : i32
    %c0_i32_1 = arith.constant 0 : i32
    return %c0_i32, %c0_i32_0 : i32, i32
  }
  func.func @transform_7(%arg0: i32) -> (i32, i32) {
    %c0_i32 = arith.constant 0 : i32
    %c0_i32_0 = arith.constant 0 : i32
    %c0_i32_1 = arith.constant 0 : i32
    return %c0_i32, %c0_i32_0 : i32, i32
  }
  func.func @transform_8(%arg0: i32) -> (i32, i32) {
    %c0_i32 = arith.constant 0 : i32
    %c0_i32_0 = arith.constant 0 : i32
    %c0_i32_1 = arith.constant 0 : i32
    return %c0_i32, %c0_i32_0 : i32, i32
  }
  func.func @transform_9(%arg0: i32) -> (i32, i32) {
    %c0_i32 = arith.constant 0 : i32
    %c0_i32_0 = arith.constant 0 : i32
    %c0_i32_1 = arith.constant 0 : i32
    return %c0_i32, %c0_i32_0 : i32, i32
  }
  func.func @transform_10(%arg0: i32) -> (i32, i32) {
    %c0_i32 = arith.constant 0 : i32
    %c0_i32_0 = arith.constant 0 : i32
    %c0_i32_1 = arith.constant 0 : i32
    return %c0_i32, %c0_i32_0 : i32, i32
  }
}

module attributes {stable_mosaic.version = 14 : i64} {
  func.func @_mlp_final_body(%arg0: i32, %arg1: memref<2048x128xf32, #tpu.memory_space<vmem>>, %arg2: memref<16x3xf32, #tpu.memory_space<vmem>>, %arg3: memref<128x64xf32, #tpu.memory_space<vmem>>, %arg4: memref<64x96xf32, #tpu.memory_space<vmem>>, %arg5: memref<96x128xf32, #tpu.memory_space<vmem>>, %arg6: memref<8x64xf32, #tpu.memory_space<vmem>>, %arg7: memref<8x96xf32, #tpu.memory_space<vmem>>, %arg8: memref<8x128xf32, #tpu.memory_space<vmem>>, %arg9: memref<8x64xf32, #tpu.memory_space<vmem>>, %arg10: memref<8x96xf32, #tpu.memory_space<vmem>>, %arg11: memref<8x128xf32, #tpu.memory_space<vmem>>, %arg12: memref<16x128xf32, #tpu.memory_space<vmem>>) attributes {dimension_semantics = [#tpu.dimension_semantics<arbitrary>], iteration_bounds = array<i64: 128>, scalar_prefetch = 0 : i64, scratch_operands = 0 : i64, tpu.core_type = #tpu.core_type<tc>, window_params = [{transform_indices = @transform_0, window_bounds = array<i64: 2048, 128>}, {transform_indices = @transform_1, window_bounds = array<i64: 16, 3>}, {pipeline_mode = #tpu.pipeline_mode<synchronous>, transform_indices = @transform_2, window_bounds = array<i64: 128, 64>}, {pipeline_mode = #tpu.pipeline_mode<synchronous>, transform_indices = @transform_3, window_bounds = array<i64: 64, 96>}, {pipeline_mode = #tpu.pipeline_mode<synchronous>, transform_indices = @transform_4, window_bounds = array<i64: 96, 128>}, {pipeline_mode = #tpu.pipeline_mode<synchronous>, transform_indices = @transform_5, window_bounds = array<i64: 8, 64>}, {pipeline_mode = #tpu.pipeline_mode<synchronous>, transform_indices = @transform_6, window_bounds = array<i64: 8, 96>}, {pipeline_mode = #tpu.pipeline_mode<synchronous>, transform_indices = @transform_7, window_bounds = array<i64: 8, 128>}, {pipeline_mode = #tpu.pipeline_mode<synchronous>, transform_indices = @transform_8, window_bounds = array<i64: 8, 64>}, {pipeline_mode = #tpu.pipeline_mode<synchronous>, transform_indices = @transform_9, window_bounds = array<i64: 8, 96>}, {pipeline_mode = #tpu.pipeline_mode<synchronous>, transform_indices = @transform_10, window_bounds = array<i64: 8, 128>}, {transform_indices = @transform_11, window_bounds = array<i64: 16, 128>}]} {
    %get3A = arith.constant 0 : index
    %get3A_0 = arith.constant 0 : index
    %get3A_1 = vector.load %arg1[%get3A, %get3A_0] : memref<2048x128xf32, #tpu.memory_space<vmem>>, vector<2048x128xf32>
    %get3A_2 = arith.constant 0 : index
    %get3A_3 = arith.constant 0 : index
    %get3A_4 = vector.load %arg2[%get3A_2, %get3A_3] : memref<16x3xf32, #tpu.memory_space<vmem>>, vector<16x3xf32>
    %broadcast_in_dim3A = arith.constant 0.000000e+00 : f32
    %broadcast_in_dim3A_5 = vector.broadcast %broadcast_in_dim3A : f32 to vector<16x32xf32>
    %broadcast_in_dim3A_6 = arith.constant 0.000000e+00 : f32
    %broadcast_in_dim3A_7 = vector.broadcast %broadcast_in_dim3A_6 : f32 to vector<16x93xf32>
    %concatenate3A = tpu.concatenate %broadcast_in_dim3A_5, %get3A_4, %broadcast_in_dim3A_7 in 1 : vector<16x32xf32>, vector<16x3xf32>, vector<16x93xf32> -> vector<16x128xf32>
    %reshape3A = vector.shape_cast %get3A_1 : vector<2048x128xf32> to vector<16x128x128xf32>
    %broadcast_in_dim3A_8 = vector.shape_cast %concatenate3A : vector<16x128xf32> to vector<16x1x128xf32>
    %sub3A = vector.broadcast %broadcast_in_dim3A_8 : vector<16x1x128xf32> to vector<16x128x128xf32>
    %sub3A_9 = arith.subf %reshape3A, %sub3A : vector<16x128x128xf32>
    %reshape3A_10 = vector.shape_cast %sub3A_9 : vector<16x128x128xf32> to vector<2048x128xf32>
    %get3A_11 = arith.constant 0 : index
    %get3A_12 = arith.constant 0 : index
    %get3A_13 = vector.load %arg3[%get3A_11, %get3A_12] : memref<128x64xf32, #tpu.memory_space<vmem>>, vector<128x64xf32>
    %dot_general3A = arith.constant dense<0.000000e+00> : vector<2048x64xf32>
    %dot_general3A_14 = tpu.matmul %reshape3A_10, %get3A_13, %dot_general3A {dimension_numbers = #tpu.dot_dimension_numbers<[1], [0], [0], [1], [0, 0, 1, 1], [], []>, transpose_lhs_hint = false} : vector<2048x128xf32>, vector<128x64xf32>, vector<2048x64xf32> -> vector<2048x64xf32>
    %get3A_15 = arith.constant 0 : index
    %get3A_16 = arith.constant 0 : index
    %get3A_17 = vector.load %arg6[%get3A_15, %get3A_16] : memref<8x64xf32, #tpu.memory_space<vmem>>, vector<1x64xf32>
    %add3A = vector.broadcast %get3A_17 : vector<1x64xf32> to vector<2048x64xf32>
    %add3A_18 = arith.addf %dot_general3A_14, %add3A : vector<2048x64xf32>
    %get3A_19 = arith.constant 0 : index
    %get3A_20 = arith.constant 0 : index
    %get3A_21 = vector.load %arg9[%get3A_19, %get3A_20] : memref<8x64xf32, #tpu.memory_space<vmem>>, vector<8x64xf32>
    %slice3A = vector.extract_strided_slice %get3A_21 {offsets = [0, 0], sizes = [1, 64], strides = [1, 1]} : vector<8x64xf32> to vector<1x64xf32>
    %div3A = arith.constant 2.621440e+05 : f32
    %div3A_22 = vector.broadcast %div3A : f32 to vector<1x64xf32>
    %div3A_23 = arith.divf %slice3A, %div3A_22 : vector<1x64xf32>
    %slice3A_24 = vector.extract_strided_slice %get3A_21 {offsets = [1, 0], sizes = [1, 64], strides = [1, 1]} : vector<8x64xf32> to vector<1x64xf32>
    %div3A_25 = arith.constant 2.621440e+05 : f32
    %div3A_26 = vector.broadcast %div3A_25 : f32 to vector<1x64xf32>
    %div3A_27 = arith.divf %slice3A_24, %div3A_26 : vector<1x64xf32>
    %mul3A = arith.mulf %div3A_23, %div3A_23 : vector<1x64xf32>
    %sub3A_28 = arith.subf %div3A_27, %mul3A : vector<1x64xf32>
    %get3A_29 = arith.constant 1 : index
    %get3A_30 = arith.constant 0 : index
    %get3A_31 = vector.load %arg6[%get3A_29, %get3A_30] : memref<8x64xf32, #tpu.memory_space<vmem>>, vector<1x64xf32>
    %add3A_32 = arith.constant 9.99999974E-6 : f32
    %add3A_33 = vector.broadcast %add3A_32 : f32 to vector<1x64xf32>
    %add3A_34 = arith.addf %sub3A_28, %add3A_33 : vector<1x64xf32>
    %sqrt3A = math.sqrt %add3A_34 : vector<1x64xf32>
    %div3A_35 = arith.divf %get3A_31, %sqrt3A : vector<1x64xf32>
    %get3A_36 = arith.constant 2 : index
    %get3A_37 = arith.constant 0 : index
    %get3A_38 = vector.load %arg6[%get3A_36, %get3A_37] : memref<8x64xf32, #tpu.memory_space<vmem>>, vector<1x64xf32>
    %mul3A_39 = arith.mulf %div3A_23, %div3A_35 : vector<1x64xf32>
    %sub3A_40 = arith.subf %get3A_38, %mul3A_39 : vector<1x64xf32>
    %mul3A_41 = vector.broadcast %div3A_35 : vector<1x64xf32> to vector<2048x64xf32>
    %mul3A_42 = arith.mulf %add3A_18, %mul3A_41 : vector<2048x64xf32>
    %add3A_43 = vector.broadcast %sub3A_40 : vector<1x64xf32> to vector<2048x64xf32>
    %add3A_44 = arith.addf %mul3A_42, %add3A_43 : vector<2048x64xf32>
    %max3A = arith.constant 0.000000e+00 : f32
    %max3A_45 = vector.broadcast %max3A : f32 to vector<2048x64xf32>
    %max3A_46 = arith.maximumf %add3A_44, %max3A_45 : vector<2048x64xf32>
    %get3A_47 = arith.constant 0 : index
    %get3A_48 = arith.constant 0 : index
    %get3A_49 = vector.load %arg4[%get3A_47, %get3A_48] : memref<64x96xf32, #tpu.memory_space<vmem>>, vector<64x96xf32>
    %dot_general3A_50 = arith.constant dense<0.000000e+00> : vector<2048x96xf32>
    %dot_general3A_51 = tpu.matmul %max3A_46, %get3A_49, %dot_general3A_50 {dimension_numbers = #tpu.dot_dimension_numbers<[1], [0], [0], [1], [0, 0, 1, 1], [], []>, transpose_lhs_hint = false} : vector<2048x64xf32>, vector<64x96xf32>, vector<2048x96xf32> -> vector<2048x96xf32>
    %get3A_52 = arith.constant 0 : index
    %get3A_53 = arith.constant 0 : index
    %get3A_54 = vector.load %arg7[%get3A_52, %get3A_53] : memref<8x96xf32, #tpu.memory_space<vmem>>, vector<1x96xf32>
    %add3A_55 = vector.broadcast %get3A_54 : vector<1x96xf32> to vector<2048x96xf32>
    %add3A_56 = arith.addf %dot_general3A_51, %add3A_55 : vector<2048x96xf32>
    %get3A_57 = arith.constant 0 : index
    %get3A_58 = arith.constant 0 : index
    %get3A_59 = vector.load %arg10[%get3A_57, %get3A_58] : memref<8x96xf32, #tpu.memory_space<vmem>>, vector<8x96xf32>
    %slice3A_60 = vector.extract_strided_slice %get3A_59 {offsets = [0, 0], sizes = [1, 96], strides = [1, 1]} : vector<8x96xf32> to vector<1x96xf32>
    %div3A_61 = arith.constant 2.621440e+05 : f32
    %div3A_62 = vector.broadcast %div3A_61 : f32 to vector<1x96xf32>
    %div3A_63 = arith.divf %slice3A_60, %div3A_62 : vector<1x96xf32>
    %slice3A_64 = vector.extract_strided_slice %get3A_59 {offsets = [1, 0], sizes = [1, 96], strides = [1, 1]} : vector<8x96xf32> to vector<1x96xf32>
    %div3A_65 = arith.constant 2.621440e+05 : f32
    %div3A_66 = vector.broadcast %div3A_65 : f32 to vector<1x96xf32>
    %div3A_67 = arith.divf %slice3A_64, %div3A_66 : vector<1x96xf32>
    %mul3A_68 = arith.mulf %div3A_63, %div3A_63 : vector<1x96xf32>
    %sub3A_69 = arith.subf %div3A_67, %mul3A_68 : vector<1x96xf32>
    %get3A_70 = arith.constant 1 : index
    %get3A_71 = arith.constant 0 : index
    %get3A_72 = vector.load %arg7[%get3A_70, %get3A_71] : memref<8x96xf32, #tpu.memory_space<vmem>>, vector<1x96xf32>
    %add3A_73 = arith.constant 9.99999974E-6 : f32
    %add3A_74 = vector.broadcast %add3A_73 : f32 to vector<1x96xf32>
    %add3A_75 = arith.addf %sub3A_69, %add3A_74 : vector<1x96xf32>
    %sqrt3A_76 = math.sqrt %add3A_75 : vector<1x96xf32>
    %div3A_77 = arith.divf %get3A_72, %sqrt3A_76 : vector<1x96xf32>
    %get3A_78 = arith.constant 2 : index
    %get3A_79 = arith.constant 0 : index
    %get3A_80 = vector.load %arg7[%get3A_78, %get3A_79] : memref<8x96xf32, #tpu.memory_space<vmem>>, vector<1x96xf32>
    %mul3A_81 = arith.mulf %div3A_63, %div3A_77 : vector<1x96xf32>
    %sub3A_82 = arith.subf %get3A_80, %mul3A_81 : vector<1x96xf32>
    %mul3A_83 = vector.broadcast %div3A_77 : vector<1x96xf32> to vector<2048x96xf32>
    %mul3A_84 = arith.mulf %add3A_56, %mul3A_83 : vector<2048x96xf32>
    %add3A_85 = vector.broadcast %sub3A_82 : vector<1x96xf32> to vector<2048x96xf32>
    %add3A_86 = arith.addf %mul3A_84, %add3A_85 : vector<2048x96xf32>
    %max3A_87 = arith.constant 0.000000e+00 : f32
    %max3A_88 = vector.broadcast %max3A_87 : f32 to vector<2048x96xf32>
    %max3A_89 = arith.maximumf %add3A_86, %max3A_88 : vector<2048x96xf32>
    %get3A_90 = arith.constant 0 : index
    %get3A_91 = arith.constant 0 : index
    %get3A_92 = vector.load %arg5[%get3A_90, %get3A_91] : memref<96x128xf32, #tpu.memory_space<vmem>>, vector<96x128xf32>
    %dot_general3A_93 = arith.constant dense<0.000000e+00> : vector<2048x128xf32>
    %dot_general3A_94 = tpu.matmul %max3A_89, %get3A_92, %dot_general3A_93 {dimension_numbers = #tpu.dot_dimension_numbers<[1], [0], [0], [1], [0, 0, 1, 1], [], []>, transpose_lhs_hint = false} : vector<2048x96xf32>, vector<96x128xf32>, vector<2048x128xf32> -> vector<2048x128xf32>
    %get3A_95 = arith.constant 0 : index
    %get3A_96 = arith.constant 0 : index
    %get3A_97 = vector.load %arg8[%get3A_95, %get3A_96] : memref<8x128xf32, #tpu.memory_space<vmem>>, vector<1x128xf32>
    %add3A_98 = vector.broadcast %get3A_97 : vector<1x128xf32> to vector<2048x128xf32>
    %add3A_99 = arith.addf %dot_general3A_94, %add3A_98 : vector<2048x128xf32>
    %get3A_100 = arith.constant 0 : index
    %get3A_101 = arith.constant 0 : index
    %get3A_102 = vector.load %arg11[%get3A_100, %get3A_101] : memref<8x128xf32, #tpu.memory_space<vmem>>, vector<8x128xf32>
    %slice3A_103 = vector.extract_strided_slice %get3A_102 {offsets = [0, 0], sizes = [1, 128], strides = [1, 1]} : vector<8x128xf32> to vector<1x128xf32>
    %div3A_104 = arith.constant 2.621440e+05 : f32
    %div3A_105 = vector.broadcast %div3A_104 : f32 to vector<1x128xf32>
    %div3A_106 = arith.divf %slice3A_103, %div3A_105 : vector<1x128xf32>
    %slice3A_107 = vector.extract_strided_slice %get3A_102 {offsets = [1, 0], sizes = [1, 128], strides = [1, 1]} : vector<8x128xf32> to vector<1x128xf32>
    %div3A_108 = arith.constant 2.621440e+05 : f32
    %div3A_109 = vector.broadcast %div3A_108 : f32 to vector<1x128xf32>
    %div3A_110 = arith.divf %slice3A_107, %div3A_109 : vector<1x128xf32>
    %mul3A_111 = arith.mulf %div3A_106, %div3A_106 : vector<1x128xf32>
    %sub3A_112 = arith.subf %div3A_110, %mul3A_111 : vector<1x128xf32>
    %get3A_113 = arith.constant 1 : index
    %get3A_114 = arith.constant 0 : index
    %get3A_115 = vector.load %arg8[%get3A_113, %get3A_114] : memref<8x128xf32, #tpu.memory_space<vmem>>, vector<1x128xf32>
    %add3A_116 = arith.constant 9.99999974E-6 : f32
    %add3A_117 = vector.broadcast %add3A_116 : f32 to vector<1x128xf32>
    %add3A_118 = arith.addf %sub3A_112, %add3A_117 : vector<1x128xf32>
    %sqrt3A_119 = math.sqrt %add3A_118 : vector<1x128xf32>
    %div3A_120 = arith.divf %get3A_115, %sqrt3A_119 : vector<1x128xf32>
    %get3A_121 = arith.constant 2 : index
    %get3A_122 = arith.constant 0 : index
    %get3A_123 = vector.load %arg8[%get3A_121, %get3A_122] : memref<8x128xf32, #tpu.memory_space<vmem>>, vector<1x128xf32>
    %mul3A_124 = arith.mulf %div3A_106, %div3A_120 : vector<1x128xf32>
    %sub3A_125 = arith.subf %get3A_123, %mul3A_124 : vector<1x128xf32>
    %mul3A_126 = vector.broadcast %div3A_120 : vector<1x128xf32> to vector<2048x128xf32>
    %mul3A_127 = arith.mulf %add3A_99, %mul3A_126 : vector<2048x128xf32>
    %add3A_128 = vector.broadcast %sub3A_125 : vector<1x128xf32> to vector<2048x128xf32>
    %add3A_129 = arith.addf %mul3A_127, %add3A_128 : vector<2048x128xf32>
    %max3A_130 = arith.constant 0.000000e+00 : f32
    %max3A_131 = vector.broadcast %max3A_130 : f32 to vector<2048x128xf32>
    %max3A_132 = arith.maximumf %add3A_129, %max3A_131 : vector<2048x128xf32>
    %reshape3A_133 = vector.shape_cast %max3A_132 : vector<2048x128xf32> to vector<16x128x128xf32>
    %reduce_max3A = arith.constant dense<0xFF800000> : vector<16x128xf32>
    %reduce_max3A_134 = vector.multi_reduction <maximumf>, %reshape3A_133, %reduce_max3A [1] : vector<16x128x128xf32> to vector<16x128xf32>
    %swap3A = arith.constant 0 : index
    %swap3A_135 = arith.constant 0 : index
    %swap3A_136 = vector.load %arg12[%swap3A, %swap3A_135] : memref<16x128xf32, #tpu.memory_space<vmem>>, vector<16x128xf32>
    tpu.vector_store %arg12[%swap3A, %swap3A_135], %reduce_max3A_134 {strides = array<i32>} : memref<16x128xf32, #tpu.memory_space<vmem>>, vector<16x128xf32>,
    return
  }
  func.func @transform_0(%arg0: i32) -> (i32, i32) {
    %c0_i32 = arith.constant 0 : i32
    %c0_i32_0 = arith.constant 0 : i32
    return %arg0, %c0_i32 : i32, i32
  }
  func.func @transform_1(%arg0: i32) -> (i32, i32) {
    %c0_i32 = arith.constant 0 : i32
    %c0_i32_0 = arith.constant 0 : i32
    return %arg0, %c0_i32 : i32, i32
  }
  func.func @transform_2(%arg0: i32) -> (i32, i32) {
    %c0_i32 = arith.constant 0 : i32
    %c0_i32_0 = arith.constant 0 : i32
    %c0_i32_1 = arith.constant 0 : i32
    return %c0_i32, %c0_i32_0 : i32, i32
  }
  func.func @transform_3(%arg0: i32) -> (i32, i32) {
    %c0_i32 = arith.constant 0 : i32
    %c0_i32_0 = arith.constant 0 : i32
    %c0_i32_1 = arith.constant 0 : i32
    return %c0_i32, %c0_i32_0 : i32, i32
  }
  func.func @transform_4(%arg0: i32) -> (i32, i32) {
    %c0_i32 = arith.constant 0 : i32
    %c0_i32_0 = arith.constant 0 : i32
    %c0_i32_1 = arith.constant 0 : i32
    return %c0_i32, %c0_i32_0 : i32, i32
  }
  func.func @transform_5(%arg0: i32) -> (i32, i32) {
    %c0_i32 = arith.constant 0 : i32
    %c0_i32_0 = arith.constant 0 : i32
    %c0_i32_1 = arith.constant 0 : i32
    return %c0_i32, %c0_i32_0 : i32, i32
  }
  func.func @transform_6(%arg0: i32) -> (i32, i32) {
    %c0_i32 = arith.constant 0 : i32
    %c0_i32_0 = arith.constant 0 : i32
    %c0_i32_1 = arith.constant 0 : i32
    return %c0_i32, %c0_i32_0 : i32, i32
  }
  func.func @transform_7(%arg0: i32) -> (i32, i32) {
    %c0_i32 = arith.constant 0 : i32
    %c0_i32_0 = arith.constant 0 : i32
    %c0_i32_1 = arith.constant 0 : i32
    return %c0_i32, %c0_i32_0 : i32, i32
  }
  func.func @transform_8(%arg0: i32) -> (i32, i32) {
    %c0_i32 = arith.constant 0 : i32
    %c0_i32_0 = arith.constant 0 : i32
    %c0_i32_1 = arith.constant 0 : i32
    return %c0_i32, %c0_i32_0 : i32, i32
  }
  func.func @transform_9(%arg0: i32) -> (i32, i32) {
    %c0_i32 = arith.constant 0 : i32
    %c0_i32_0 = arith.constant 0 : i32
    %c0_i32_1 = arith.constant 0 : i32
    return %c0_i32, %c0_i32_0 : i32, i32
  }
  func.func @transform_10(%arg0: i32) -> (i32, i32) {
    %c0_i32 = arith.constant 0 : i32
    %c0_i32_0 = arith.constant 0 : i32
    %c0_i32_1 = arith.constant 0 : i32
    return %c0_i32, %c0_i32_0 : i32, i32
  }
  func.func @transform_11(%arg0: i32) -> (i32, i32) {
    %c0_i32 = arith.constant 0 : i32
    %c0_i32_0 = arith.constant 0 : i32
    return %arg0, %c0_i32 : i32, i32
  }
}

</mosaic_0001>

<sc_bundles>
// kernel: kernel.16.cloned.1.call-start
scs
__scs_entry_jumppad:
0x0: {  	(pc) =	sbr.rel $0x88, $3  }
0x1: {  	(tag) =	ssettag $0x0;
	lr =	simm.s32 $0x1  }
0x2: {  	[smem:$0x3F7B] =	sst lr;
	_ =	strace $0xD0000000  }
0x3: {  	_ = 	snop  }
0x4: {  	_ = 	snop  }
0x5: {  	_ = 	snop  }
0x6: {  	_ = 	snop  }
0x7: {  	_ = 	snop  }
__scs_overlays_trampoline_lowered:
0x8: {  	[smem:$0x3F8A] =	sst s0  }
0x9: {  	[smem:$0x3F8B] =	sst s1  }
0xa: {  	[smem:$0x3F8C] =	sst s2  }
0xb: {  	[smem:$0x3F8D] =	sst s3  }
0xc: {  	[smem:$0x3F8E] =	sst s4  }
0xd: {  	[smem:$0x3F8F] =	sst s5  }
0xe: {  	[smem:$0x3F90] =	sst s6  }
0xf: {  	[smem:$0x3F91] =	sst s7  }
0x10: {  	[smem:$0x3F92] =	sst s8  }
0x11: {  	[smem:$0x3F93] =	sst s9;
	s0 =	simm.s32 @!p0 $0x0  }
0x12: {  	s1 =	sld [smem:$0x3F79];
	s0 =	simm.s32 @p0 $0x1  }
0x13: {  	[smem:$0x3F94] =	sst s0;
	s0 =	simm.s32 @!p1 $0x0  }
0x14: {  	s2 =	sld [smem:$0x3F78];
	s0 =	simm.s32 @p1 $0x1  }
0x15: {  	[smem:$0x3F95] =	sst s0;
	s0 =	simm.s32 @!p2 $0x0  }
0x16: {  	s3 =	sld [smem:$0x3FDB];
	s0 =	simm.s32 @p2 $0x1  }
0x17: {  	s4 =	simm.s32 $0x1BF5;
	[smem:$0x3F97] =	sst s0  }
0x18: {  	s0 =	sld [smem:$0x3F7A];
	_ =	swait.ge [sflag:s4], $0x0  }
0x19: {  	s7 =	sld [smem:$0x3F7B]  }
0x1a: {  	s8 =	sadd.s32 $0xFFFFE003, lr  }
0x1b: {  	s9 =	sadd.s32 $0xFFFFFEF7, lr;
	s5 =	simm.s32 $0xFFFFFFFF;
	p2 =	slt.u32 s8, $0xFFFFF086  }
0x1c: {  	p1 =	slt.u32 s9, $0xF7A;
	s5 =	simm.s32 @!p2 $0x0  }
0x1d: {  	s5 =	simm.s32 @p1 $0x1;
	p0 =	seq.s32 s7, s2  }
0x1e: {  	s7 =	smul.u32 @!p0 $0xF7A, s2;
	p2 =	seq.s32 @!p0 s5, $0x0  }
0x1f: {  	s9 =	smul.u32 $0xF7A, s1;
	s8 =	simm.s32 @!p0 $0x1BF5;
	p2 =	por !p2, p0  }
0x20: {  	[sflag:s8] =	ssyncset.s32 @!p0 $0xFFFFF086;
	s6 =	sadd.s32 @!p0 s3, s7;
	s7 =	simm.s32 @!p0 $0x108  }
0x21: {  	s3 =	sadd.s32 s3, s9;
	s6 =	sadd.s32 @!p0 $0x88, s6;
	s7 =	simm.s32 @p2 $0x1082  }
0x22: {  	[simem:s7], [sflag:s8] =	dma.local @!p0 [hbm:s6], $0xF7A  }
0x23: {  	s9 =	sor.u32 $0xD0000000, s2;
	s6 =	simm.s32 $0x108;
	_ =	swait.ge @!p0 [sflag:s8], $0x0  }
0x24: {  	s3 =	sadd.s32 $0x88, s3;
	s6 =	simm.s32 @!p1 $0x1082;
	[sflag:s4] =	ssyncset.s32 $0xFFFFF086  }
0x25: {  	[simem:s6], [sflag:s4] =	dma.local [hbm:s3], $0xF7A  }
0x26: {  	[smem:$0x3F7B] =	sst s1;
	(tag) =	ssettag s2;
	_ =	strace s9  }
0x27: {  	s1 =	sld [smem:$0x3F8B]  }
0x28: {  	s2 =	sld [smem:$0x3F8C]  }
0x29: {  	s4 =	sld [smem:$0x3F8E]  }
0x2a: {  	p0 =	seq.s32 s5, $0x0;
	s5 =	sld [smem:$0x3F8F]  }
0x2b: {  	s6 =	sld [smem:$0x3F90]  }
0x2c: {  	s7 =	sld [smem:$0x3F91]  }
0x2d: {  	s3 =	simm.s32 $0x108;
	s8 =	sld [smem:$0x3F92]  }
0x2e: {  	s3 =	simm.s32 @!p0 $0x1082;
	s9 =	sld [smem:$0x3F93]  }
0x2f: {  	lr =	sadd.s32 s0, s3;
	s0 =	sld [smem:$0x3F8A]  }
0x30: {  	s3 =	sld [smem:$0x3F8D]  }
0x31: {  	[smem:$0x3F96] =	sst s10  }
0x32: {  	s10 =	sld [smem:$0x3F94];
	_ =	sdelay $0x3  }
0x33: {  	p0 =	seq.s32 s10, $0x1;
	s10 =	sld [smem:$0x3F96];
	_ =	sdelay $0x3  }
0x34: {  	[smem:$0x3F96] =	sst s10  }
0x35: {  	s10 =	sld [smem:$0x3F95];
	_ =	sdelay $0x3  }
0x36: {  	p1 =	seq.s32 s10, $0x1;
	s10 =	sld [smem:$0x3F96];
	_ =	sdelay $0x3  }
0x37: {  	[smem:$0x3F96] =	sst s10  }
0x38: {  	s10 =	sld [smem:$0x3F97]  }
0x39: {  	_ = 	snop;
	(pc) =	sbr.ind lr, $3  }
0x3a: {  	_ = 	snop  }
0x3b: {  	_ = 	snop  }
0x3c: {  	p2 =	seq.s32 s10, $0x1;
	s10 =	sld [smem:$0x3F96]  }
0x3d: {  	_ =	shalt  }
0x3e: {  	_ =	shalt  }
0x3f: {  	_ =	shalt  }
0x40: {  	_ =	shalt  }
0x41: {  	_ =	shalt  }
0x42: {  	_ =	shalt  }
0x43: {  	_ =	shalt  }
0x44: {  	_ =	shalt  }
0x45: {  	_ =	shalt  }
0x46: {  	_ =	shalt  }
0x47: {  	_ =	shalt  }
0x48: {  	_ =	shalt  }
0x49: {  	_ =	shalt  }
0x4a: {  	_ =	shalt  }
0x4b: {  	_ =	shalt  }
0x4c: {  	_ =	shalt  }
0x4d: {  	_ =	shalt  }
0x4e: {  	_ =	shalt  }
0x4f: {  	_ =	shalt  }
0x50: {  	_ =	shalt  }
0x51: {  	_ =	shalt  }
0x52: {  	_ =	shalt  }
0x53: {  	_ =	shalt  }
0x54: {  	_ =	shalt  }
0x55: {  	_ =	shalt  }
0x56: {  	_ =	shalt  }
0x57: {  	_ =	shalt  }
0x58: {  	_ =	shalt  }
0x59: {  	_ =	shalt  }
0x5a: {  	_ =	shalt  }
0x5b: {  	_ =	shalt  }
0x5c: {  	_ =	shalt  }
0x5d: {  	_ =	shalt  }
0x5e: {  	_ =	shalt  }
0x5f: {  	_ =	shalt  }
0x60: {  	_ =	shalt  }
0x61: {  	_ =	shalt  }
0x62: {  	_ =	shalt  }
0x63: {  	_ =	shalt  }
0x64: {  	_ =	shalt  }
0x65: {  	_ =	shalt  }
0x66: {  	_ =	shalt  }
0x67: {  	_ =	shalt  }
0x68: {  	_ =	shalt  }
0x69: {  	_ =	shalt  }
0x6a: {  	_ =	shalt  }
0x6b: {  	_ =	shalt  }
0x6c: {  	_ =	shalt  }
0x6d: {  	_ =	shalt  }
0x6e: {  	_ =	shalt  }
0x6f: {  	_ =	shalt  }
0x70: {  	_ =	shalt  }
0x71: {  	_ =	shalt  }
0x72: {  	_ =	shalt  }
0x73: {  	_ =	shalt  }
0x74: {  	_ =	shalt  }
0x75: {  	_ =	shalt  }
0x76: {  	_ =	shalt  }
0x77: {  	_ =	shalt  }
0x78: {  	_ =	shalt  }
0x79: {  	_ =	shalt  }
0x7a: {  	_ =	shalt  }
0x7b: {  	_ =	shalt  }
0x7c: {  	_ =	shalt  }
0x7d: {  	_ =	shalt  }
0x7e: {  	_ =	shalt  }
0x7f: {  	_ =	shalt  }
0x80: {  	_ =	shalt  }
0x81: {  	_ =	shalt  }
0x82: {  	_ =	shalt  }
0x83: {  	_ =	shalt  }
0x84: {  	_ =	shalt  }
0x85: {  	_ =	shalt  }
0x86: {  	_ =	shalt  }
0x87: {  	_ =	shalt  }
.Lfunc_end0:
.L_simem_size_0:
called_computation.1_lowered:
.L_overlay_start_0:
0x88: {  	s2 =	sld [smem:$0x3FD9]  }
0x89: {  	s3 =	sld [smem:$0x3FFE];
	_ =	sdelay $0x1  }
0x8a: {  	s1 =	srdreg.scid  }
0x8b: {  	s0 =	sand.u32 $0x1, s1  }
0x8c: {  	s16 =	sshll.u32 s0, $0xA;
	s2 =	sadd.s32 s3, s2  }
0x8d: {  	s2 =	sadd.s32 s2, s16  }
0x8e: {  	[smem:$0x3FA2] =	sst s2  }
0x8f: {  	_ = 	snop  }
0x90: {  	(tm) =	ssettm $0x1  }
0x91: {  	s17 =	sld [smem:$0x3FFB];
	_ =	sdelay $0x3  }
0x92: {  	_ =	strace s17  }
0x93: {  	s2 =	sld [smem:$0x3FFC];
	_ =	sdelay $0x3  }
0x94: {  	_ =	strace s2  }
0x95: {  	s2 =	sld [smem:$0x3FFD];
	_ =	sdelay $0x3  }
0x96: {  	_ =	strace s2  }
0x97: {  	_ =	strace $0x8FFFFFFF  }
0x98: {  	s18 =	sld [smem:$0x3FDB];
	_ =	sdelay $0x1  }
0x99: {  	s19 =	simm.s32 $_scs_section_size  }
0x9a: {  	s4 =	simm.s32 $_size__tile_overlayer_lowered;
	s5 =	simm.s32 $_tile_overlayer_lowered  }
0x9b: {  	s22 =	simm.s32 $0x1BFF;
	s21 =	sshll.u32 s5, $0x1;
	s2 =	sadd.s32 s19, s18  }
0x9c: {  	s6 =	simm.s32 $0x0;
	s20 =	sshll.u32 s4, $0x1;
	s4 =	sadd.s32 s21, s2  }
0x9d: {  	[timem:s6], [sflag:s22] =	dma.local [hbm:s4], s20  }
0x9e: {  	_ =	swait.ge [sflag:s22], s20  }
0x9f: {  	s3 =	ssub.s32 $0x0, s20;
	[sflag:s22] =	ssyncset.done $0x0  }
0xa0: {  	[sflag:s22] =	ssyncadd.s32 s3;
	_ =	sdelay $0x1  }
0xa1: {  	s23 =	simm.s32 $0x1B8B  }
0xa2: {  	_ =	swait.ge [sflag:s23], $0x1  }
0xa3: {  	[sflag:s23] =	ssyncset.done $0x0  }
0xa4: {  	s25 =	simm.s32 $0x1B8E;
	s24 =	sld [smem:$0x3FFE];
	[sflag:s23] =	ssyncadd.s32 $0xFFFFFFFF  }
0xa5: {  	s26 =	simm.s32 $execute0_lowered;
	[smem:$0x3FD2] =	sst s25  }
0xa6: {  	s4 =	sshll.u32 s26, $0x1;
	_ =	strace $0x80000049;
	[dreg:$0x1] =	wrdreg $0xFFFFFFFF  }
0xa7: {  	s28 =	simm.s32 $_size_execute0_lowered;
	s2 =	sadd.s32 s2, s4;
	[dreg:$0x0] =	wrdreg $0x0  }
0xa8: {  	s4 =	sshll.u32 s28, $0x1;
	[dreg:$0x2] =	wrdreg s2  }
0xa9: {  	[dreg:$0x3] =	wrdreg s4  }
0xaa: {  	[dreg:$0x4] =	wrdreg $0xC0  }
0xab: {  	_ =	task [dreg:s6], $0x5FFFF  }
0xac: {  	[dreg:$0x1] =	wrdreg $0xFFFFFFFF  }
0xad: {  	[dreg:$0x0] =	wrdreg $0x60  }
0xae: {  	[dreg:$0x2] =	wrdreg s24  }
0xaf: {  	[dreg:$0x3] =	wrdreg $0x9  }
0xb0: {  	_ =	task.clear_ibuf [dreg:s6], $0x4FFFF;
	_ =	strace $0x90000049  }
0xb1: {  	s29 =	simm.s32 $0x9;
	_ =	strace $0x8000004B  }
0xb2: {  	_ =	swait.ge [sflag:s29], $0x1  }
0xb3: {  	[sflag:s29] =	ssyncadd.s32 $0xFFFFFFFF  }
0xb4: {  	_ =	strace $0x9000004B  }
0xb5: {  	_ =	sfence  }
0xb6: {  	s30 =	sld [smem:$0x0];
	_ =	sdelay $0x2  }
0xb7: {  	s31 =	sshll.u32 s1, $0xD;
	s1 =	sshrl.u32 s1, $0x2  }
0xb8: {  	s3 =	sand.u32 $0x4000, s31;
	s1 =	sadd.s32 s1, s30  }
0xb9: {  	s0 =	sor.u32 s3, s0;
	s1 =	sshll.u32 s1, $0x11  }
0xba: {  	s0 =	sor.u32 s1, s0  }
0xbb: {  	s0 =	sadd.s32 $0x8F2B, s0  }
0xbc: {  	[sflag:s0] =	ssyncadd.remote.s32 $0x1  }
0xbd: {  	_ =	sfence.sel $0xFFFF  }
0xbe: {  	[dreg:$0x0] =	wrdreg $0xFFFFFFFF;
	(pc) =	sbr.abs _section_cstart, $3  }
0xbf: {  	[dreg:$0x1] =	wrdreg $0xFFFFFFFF  }
0xc0: {  	_ =	task.clear_ibuf [dreg:s6], $0x2FFFF;
	_ =	strace $0x9FFFFFFF  }
0xc1: {  	(tm) =	ssettm $0x7FFFFFFF  }
tec
execute0_lowered:
.L_overlay_start_1:
0x0: {  	(tag) =	ssettag $0x1  }
0x1: {  	s8 =	rddreg [dreg:$0x0]  }
0x2: {  	s0 =	rddreg [dreg:$0x1];
	s1 =	simm.s32 $0x0;
	s2 =	srdreg.scid  }
0x3: {  	s13 =	simm.s32 $0x2020;
	s14 =	simm.s32 $0x2050;
	s15 =	simm.s32 $0x10  }
0x4: {  	s16 =	simm.s32 $0x20E0;
	s17 =	simm.s32 $0x1;
	s18 =	simm.s32 $0x20  }
0x5: {  	s19 =	simm.s32 $0x28E0;
	s7 =	sand.u32 $0x1, s2;
	s2 =	stileid.u32  }
0x6: {  	s20 =	simm.s32 $0x80;
	s21 =	simm.s32 $0x38E0;
	s31 =	sshll.u32 s2, $0xB  }
0x7: {  	s9 =	ssub.s32 $0x2, s7;
	s12 =	sshll.u32 s7, $0x6;
	s7 =	sand.u32 $0x6000, s31  }
0x8: {  	s22 =	simm.s32 $0x0;
	[smem:$0x7FF] =	sst s1;
	s4 =	sadd.s32 $0x286400, s8;
	v0 =	vmov s7  }
0x9: {  	s3 =	sadd.s32 $0x6400, s8;
	s5 =	sadd.s32 $0x206400, s8;
	s6 =	sadd.s32 $0x306400, s8;
	v1 =	vor.u32 $0x1FFF, v0;
	v0 =	vlaneseq.u32  }
0xa: {  	v2 =	vimm.s32 $0xF;
	s8 =	sadd.s32 $0x406400, s8;
	s11 =	sshll.u32 s2, $0x7;
	s10 =	sshrl.u32 s9, $0x1;
	v1 =	vbroadcast v1, $0x0;
	v3 =	vor.u32 $0x10, v0  }
0xb: {  	_ =	strace $0x8000004A;
	s10 =	ssub.s32 s9, s10;
	s9 =	sor.u32 s12, s11;
	v4 =	vor.u32 $0x20, v0;
	v5 =	vor.u32 $0x30, v0;
	v6 =	vor.u32 $0x40, v0  }
0xc: {  	s11 =	simm.s32 $0x2;
	s12 =	simm.s32 $0x2000;
	s10 =	smax.u32 s10, $0x1;
	v7 =	vor.u32 $0x50, v0;
	v8 =	vor.u32 $0x60, v0;
	v9 =	vor.u32 $0x70, v0  }
.LBB2_1:
0xd: {  	s23 =	simm.s32 $0x0  }
.LBB2_2:
0xe: {  	s24 =	sadd.s32 s9, s23  }
0xf: {  	s25 =	sshll.u32 s24, $0xA  }
0x10: {  	s26 =	sadd.s32 s3, s25;
	s25 =	simm.s32 $0x0  }
0x11: {  	[tilespmem:s25], [sflag:$0x2] =	stream.linear.gather [hbm4b:s26+s25], $0x2000, $0x38;
	[tilespmem:$0x78E0] =	vst v63  }
0x12: {  	_ =	swait.ge [sflag:s11], $0x2000  }
0x13: {  	[sflag:s11] =	ssyncset.done $0x0  }
0x14: {  	[sflag:s11] =	ssyncadd.s32 $0xFFFFE000  }
0x15: {  	[tilespmem:$0x2000] =	vst v1  }
0x16: {  	[tilespmem:$0x2020] =	vst v1  }
0x17: {  	s31 =	sand.u32 $0x1FF0, s25;
	[tilespmem:$0x2050] =	vst v1  }
0x18: {  	v12 =	vimm.s32 $0x0;
	v10 =	vimm.s32 $0x0;
	v11 =	vimm.s32 $0x0;
	s26 =	simm.s32 $0x10;
	v13 =	vld [tilespmem:s31+$0x0]  }
.LBB2_3:
0x19: {  	p0 =	sne.s32 s26, $0x1FF0;
	_ =	sdelay $0x3  }
0x1a: {  	v14 =	vand.u32 $0x1, v13;
	v15 =	vand.u32 $0x2, v13  }
0x1b: {  	v13 =	vand.u32 $0x4, v13;
	v16 =	vshrl.u32 v15, $0x1;
	(xrf0) =	vadd.scan.msk.s32 $0xffff, v14  }
0x1c: {  	v17 =	vshrl.u32 v13, $0x2;
	(xrf0) =	vadd.scan.msk.s32 $0xffff, v16  }
0x1d: {  	(xrf0) =	vadd.scan.msk.s32 $0xffff, v17;
	_ =	sdelay $0x2  }
0x1e: {  	vm0 =	vlt.s32 v12, $0x10;
	vm1 =	vlt.s32 v10, $0x80  }
0x1f: {  	vm4 =	vlt.s32 v11, $0x20;
	vm2 =	veq.s32 v14, $0x1;
	vm3 =	vne.s32 v15, $0x0;
	v14, _, _ =	vpop (xrf0)  }
0x20: {  	vm0 =	vmand vm0, vm2;
	vm2 =	vne.s32 v13, $0x0;
	v15 =	vadd.s32 v14, v12;
	v13, _, _ =	vpop (xrf0)  }
0x21: {  	vm3 =	vmand vm4, vm3;
	v15 =	vadd.s32 $0xFFFFFFFF, v15;
	v16 =	vadd.s32 v13, v11;
	v17, _, _ =	vpop (xrf0)  }
0x22: {  	vm4 =	vlt.s32 v15, $0x1F;
	v16 =	vadd.s32 $0xFFFFFFFF, v16;
	v18 =	vadd.s32 v17, v10  }
0x23: {  	v15 =	vnsel vm4, $0x1F, v15;
	vm4 =	vlt.s32 v16, $0x2F;
	v18 =	vadd.s32 $0xFFFFFFFF, v18  }
0x24: {  	vm1 =	vmand vm1, vm2;
	v16 =	vnsel vm4, $0x2F, v16;
	vm2 =	vlt.s32 v18, $0x8F  }
0x25: {  	v13 =	vperm.xlane v13, v2;
	v17 =	vperm.xlane v17, v2;
	v18 =	vnsel vm2, $0x8F, v18  }
0x26: {  	s28 =	sadd.s32 s25, s7;
	s25 =	smov.u32 s26;
	v14 =	vperm.xlane v14, v2  }
.Ltmp0:
0x27: {  	v19 =	vor.u32 s28, v0;
	v11 =	vadd.s32 v11, v13;
	v10 =	vadd.s32 v10, v17;
	(pc) =	sbr.rel @p0 .LBB2_3-.Ltmp0, $4  }
0x28: {  	v12 =	vadd.s32 v12, v14;
	[tilespmem:v15+s12+$0x0] =	vst.idx.msk vm0, v19  }
0x29: {  	[tilespmem:v16+s13+$0x0] =	vst.idx.msk vm3, v19  }
0x2a: {  	s28 =	sand.u32 $0x1FF0, s26;
	[tilespmem:v18+s14+$0x0] =	vst.idx.msk vm1, v19  }
0x2b: {  	s26 =	sadd.s32 $0x10, s26;
	v13 =	vld [tilespmem:s28+$0x0]  }
0x2c: {  	_ =	sdelay $0x3  }
0x2d: {  	v14 =	vand.u32 $0x1, v13;
	v15 =	vand.u32 $0x2, v13  }
0x2e: {  	v39 =	vand.u32 $0x4, v13;
	v16 =	vshrl.u32 v15, $0x1;
	(xrf0) =	vadd.scan.msk.s32 $0xffff, v14  }
0x2f: {  	v17 =	vshrl.u32 v39, $0x2;
	(xrf0) =	vadd.scan.msk.s32 $0xffff, v16  }
0x30: {  	(xrf0) =	vadd.scan.msk.s32 $0xffff, v17;
	_ =	sdelay $0x2  }
0x31: {  	vm0 =	vlt.s32 v12, $0x10;
	vm1 =	vlt.s32 v10, $0x80  }
0x32: {  	vm4 =	vlt.s32 v11, $0x20;
	vm2 =	veq.s32 v14, $0x1;
	vm3 =	vne.s32 v15, $0x0;
	v40, _, _ =	vpop (xrf0)  }
0x33: {  	vm13 =	vne.s32 v39, $0x0;
	vm0 =	vmand vm0, vm2;
	v41 =	vadd.s32 v40, v12;
	v42, _, _ =	vpop (xrf0)  }
0x34: {  	vm3 =	vmand vm4, vm3;
	v15 =	vadd.s32 $0xFFFFFFFF, v41;
	v43 =	vadd.s32 v42, v11;
	v17, _, _ =	vpop (xrf0)  }
0x35: {  	vm14 =	vlt.s32 v15, $0x1F;
	v16 =	vadd.s32 $0xFFFFFFFF, v43;
	v18 =	vadd.s32 v17, v10  }
0x36: {  	v15 =	vnsel vm14, $0x1F, v15;
	vm15 =	vlt.s32 v16, $0x2F;
	v18 =	vadd.s32 $0xFFFFFFFF, v18  }
0x37: {  	vm1 =	vmand vm1, vm13;
	v16 =	vnsel vm15, $0x2F, v16;
	vm4 =	vlt.s32 v18, $0x8F  }
0x38: {  	v18 =	vnsel vm4, $0x8F, v18  }
0x39: {  	s25 =	sadd.s32 s25, s7  }
0x3a: {  	v19 =	vor.u32 s25, v0  }
0x3b: {  	[tilespmem:v15+s12+$0x0] =	vst.idx.msk vm0, v19  }
0x3c: {  	[tilespmem:v16+s13+$0x0] =	vst.idx.msk vm3, v19  }
0x3d: {  	[tilespmem:v18+s14+$0x0] =	vst.idx.msk vm1, v19  }
0x3e: {  	v15 =	vld.msk [tilespmem:s12+$0x0], $0xffff  }
0x3f: {  	v16 =	vld [tilespmem:$0x2000]  }
0x40: {  	v14 =	vperm.xlane v40, v2;
	_ =	sdelay $0x1  }
0x41: {  	v44 =	vadd.s32 v12, v14  }
0x42: {  	vm5 =	vgt.s32 v44, v0  }
0x43: {  	v12 =	vsel vm5, v16, v15  }
0x44: {  	[tilespmem:$0x2000] =	vst v12  }
0x45: {  	[tilespmem:s16], [sflag:$0x1] =	stream.indirect.gather [hbm4b:s4+s15], $0x80, s12, s15, $0xb8;
	[tilespmem:$0x78E0] =	vst v63  }
0x46: {  	_ =	swait.ge [sflag:s17], $0x800  }
0x47: {  	s29 =	sshll.u32 s24, $0x8;
	[sflag:s17] =	ssyncset.done $0x0  }
0x48: {  	s25 =	sadd.s32 s5, s29;
	[sflag:s17] =	ssyncadd.s32 $0xFFFFF800  }
0x49: {  	[hbm4b:s25+s1] =	stream.linear.scatter [tilespmem:s16], [sflag:$0x2], $0x800, $0x38;
	[tilespmem:$0x78E0] =	vst v63  }
0x4a: {  	_ =	swait.ge [sflag:s11], $0x800  }
0x4b: {  	[sflag:s11] =	ssyncset.done $0x0  }
0x4c: {  	[sflag:s11] =	ssyncadd.s32 $0xFFFFF800  }
0x4d: {  	v45 =	vld.msk [tilespmem:s13+$0x0], $0xffff  }
0x4e: {  	v46 =	vld [tilespmem:$0x2020]  }
0x4f: {  	v13 =	vperm.xlane v42, v2;
	v47 =	vld [tilespmem:$0x2030];
	_ =	sdelay $0x1  }
0x50: {  	v11 =	vadd.s32 v11, v13  }
0x51: {  	vm6 =	vgt.s32 v11, v0  }
0x52: {  	vm7 =	vgt.s32 v11, v3;
	v48 =	vsel vm6, v46, v45  }
0x53: {  	v11 =	vsel vm7, v47, v45;
	[tilespmem:$0x2020] =	vst v48  }
0x54: {  	[tilespmem:$0x2030] =	vst v11  }
0x55: {  	[tilespmem:s19], [sflag:$0x1] =	stream.indirect.gather [hbm4b:s4+s18], $0x80, s13, s18, $0xb8;
	[tilespmem:$0x78E0] =	vst v63  }
0x56: {  	_ =	swait.ge [sflag:s17], $0x1000  }
0x57: {  	s30 =	sshll.u32 s24, $0x9;
	[sflag:s17] =	ssyncset.done $0x0  }
0x58: {  	s25 =	sadd.s32 s6, s30;
	[sflag:s17] =	ssyncadd.s32 $0xFFFFF000  }
0x59: {  	[hbm4b:s25+s1] =	stream.linear.scatter [tilespmem:s19], [sflag:$0x2], $0x1000, $0x38;
	[tilespmem:$0x78E0] =	vst v63  }
0x5a: {  	_ =	swait.ge [sflag:s11], $0x1000  }
0x5b: {  	[sflag:s11] =	ssyncset.done $0x0  }
0x5c: {  	[sflag:s11] =	ssyncadd.s32 $0xFFFFF000  }
0x5d: {  	v11 =	vld.msk [tilespmem:s14+$0x0], $0xffff  }
0x5e: {  	v49 =	vld [tilespmem:$0x2050]  }
0x5f: {  	v50 =	vperm.xlane v17, v2;
	v51 =	vld [tilespmem:$0x2060]  }
0x60: {  	v52 =	vld [tilespmem:$0x2070]  }
0x61: {  	v10 =	vadd.s32 v10, v50;
	v53 =	vld [tilespmem:$0x2080]  }
0x62: {  	vm8 =	vgt.s32 v10, v0;
	v54 =	vld [tilespmem:$0x2090]  }
0x63: {  	vm9 =	vgt.s32 v10, v3;
	v55 =	vld [tilespmem:$0x20A0];
	v12 =	vsel vm8, v49, v11  }
0x64: {  	vm10 =	vgt.s32 v10, v4;
	v57 =	vld [tilespmem:$0x20B0];
	v56 =	vsel vm9, v51, v11;
	[tilespmem:$0x2050] =	vst v12  }
0x65: {  	vm11 =	vgt.s32 v10, v5;
	v59 =	vld [tilespmem:$0x20C0];
	v58 =	vsel vm10, v52, v11;
	[tilespmem:$0x2060] =	vst v56  }
0x66: {  	vm12 =	vgt.s32 v10, v6;
	v60 =	vsel vm11, v53, v11;
	[tilespmem:$0x2070] =	vst v58  }
0x67: {  	vm13 =	vgt.s32 v10, v7;
	v61 =	vsel vm12, v54, v11;
	[tilespmem:$0x2080] =	vst v60  }
0x68: {  	vm14 =	vgt.s32 v10, v8;
	v62 =	vsel vm13, v55, v11;
	[tilespmem:$0x2090] =	vst v61  }
0x69: {  	vm15 =	vgt.s32 v10, v9;
	v63 =	vsel vm14, v57, v11;
	[tilespmem:$0x20A0] =	vst v62  }
0x6a: {  	v10 =	vsel vm15, v59, v11;
	[tilespmem:$0x20B0] =	vst v63  }
0x6b: {  	[tilespmem:$0x20C0] =	vst v10  }
0x6c: {  	[tilespmem:s21], [sflag:$0x1] =	stream.indirect.gather [hbm4b:s4+s20], $0x80, s14, s20, $0xb8;
	[tilespmem:$0x78E0] =	vst v63  }
0x6d: {  	s23 =	sadd.s32 $0x1, s23;
	_ =	swait.ge [sflag:s17], $0x4000  }
0x6e: {  	s31 =	sshll.u32 s24, $0xB;
	p0 =	sne.s32 s23, $0x40;
	[sflag:s17] =	ssyncset.done $0x0  }
.Ltmp1:
0x6f: {  	s24 =	sadd.s32 s8, s31;
	[sflag:s17] =	ssyncadd.s32 $0xFFFFC000;
	(pc) =	sbr.rel @p0 .LBB2_2-.Ltmp1, $4  }
0x70: {  	[hbm4b:s24+s1] =	stream.linear.scatter [tilespmem:s21], [sflag:$0x2], $0x4000, $0x38;
	[tilespmem:$0x78E0] =	vst v63  }
0x71: {  	_ =	swait.ge [sflag:s11], $0x4000  }
0x72: {  	[sflag:s11] =	ssyncset.done $0x0  }
0x73: {  	[sflag:s11] =	ssyncadd.s32 $0xFFFFC000  }
0x74: {  	s22 =	sadd.s32 $0x1, s22  }
0x75: {  	p0 =	sne.s32 s22, s10  }
.Ltmp2:
0x76: {  	_ = 	snop;
	(pc) =	sbr.rel @p0 .LBB2_1-.Ltmp2, $1  }
0x77: {  	_ =	sdelay $0x3  }
0x78: {  	_ =	sfence.sel $0x180000  }
0x79: {  	[bflag:$0x0] =	sbarrier.arrive $0xFFFF  }
0x7a: {  	p0 =	sne.s32 s2, $0x0;
	_ =	strace $0x9000004A  }
0x7b: {  	s0 =	sadd.s32 @!p0 $0x100000, s0;
	[bflag:$0x2] =	sbarrier.arrive $0xFFFF  }
0x7c: {  	[sflag:s0] =	ssyncadd.tile.s32 @!p0 $0x1;
	_ =	shalt  }
.Lfunc_end2:
_tile_overlayer_lowered:
.L_overlay_start_2:
0x7d: {  	(tag) =	ssettag $0x2  }
0x7e: {  	s0 =	rddreg [dreg:$0x0];
	s2 =	stileid.u32  }
0x7f: {  	s1 =	rddreg [dreg:$0x1];
	p0 =	sne.s32 s2, $0x0  }
0x80: {  	s3 =	rddreg [dreg:$0x2];
	[bflag:$0x3] =	sbarrier.arrive $0xFFFF;
	s2 =	simm.s32 @!p0 $0x1C02  }
0x81: {  	[timem:s3], [sflag:s2] =	dma.local @!p0 [hbm:s0], s1  }
0x82: {  	s0 =	simm.s32 @!p0 $0x2  }
0x83: {  	_ =	swait.ge @!p0 [sflag:s0], s1  }
0x84: {  	s1 =	ssub.s32 @!p0 $0x0, s1;
	[sflag:s0] =	ssyncset.done @!p0 $0x0  }
0x85: {  	[sflag:s0] =	ssyncadd.s32 @!p0 s1  }
0x86: {  	[bflag:$0x3] =	sbarrier.arrive $0xFFFF  }
0x87: {  	_ =	shalt  }

// kernel: sparse-core-data-format-call.cloned.1.call-start
scs
called_computation_lowered:
.L_overlay_start_0:
0x0: {  	s1 =	sld [smem:$0x3FD9]  }
0x1: {  	s2 =	sld [smem:$0x3FFE];
	_ =	sdelay $0x1  }
0x2: {  	s3 =	srdreg.scid  }
0x3: {  	s0 =	sand.u32 $0x1, s3  }
0x4: {  	s17 =	sshll.u32 s0, $0xA;
	s1 =	sadd.s32 s2, s1  }
0x5: {  	s1 =	sadd.s32 s1, s17  }
0x6: {  	[smem:$0x3FA2] =	sst s1  }
0x7: {  	_ = 	snop  }
0x8: {  	(tm) =	ssettm $0x1  }
0x9: {  	s18 =	sld [smem:$0x3FFB];
	_ =	sdelay $0x3  }
0xa: {  	_ =	strace s18  }
0xb: {  	s1 =	sld [smem:$0x3FFC];
	_ =	sdelay $0x3  }
0xc: {  	_ =	strace s1  }
0xd: {  	s1 =	sld [smem:$0x3FFD];
	_ =	sdelay $0x3  }
0xe: {  	_ =	strace s1  }
0xf: {  	_ =	strace $0x8FFFFFFF  }
0x10: {  	s19 =	sld [smem:$0x3FDB];
	_ =	sdelay $0x1  }
0x11: {  	s20 =	simm.s32 $_scs_section_size  }
0x12: {  	s4 =	simm.s32 $_size__tile_overlayer_lowered;
	s5 =	simm.s32 $_tile_overlayer_lowered  }
0x13: {  	s23 =	simm.s32 $0x1BFF;
	s22 =	sshll.u32 s5, $0x1;
	s1 =	sadd.s32 s20, s19  }
0x14: {  	s6 =	simm.s32 $0x0;
	s21 =	sshll.u32 s4, $0x1;
	s4 =	sadd.s32 s22, s1  }
0x15: {  	[timem:s6], [sflag:s23] =	dma.local [hbm:s4], s21  }
0x16: {  	_ =	swait.ge [sflag:s23], s21  }
0x17: {  	s2 =	ssub.s32 $0x0, s21;
	[sflag:s23] =	ssyncset.done $0x0  }
0x18: {  	[sflag:s23] =	ssyncadd.s32 s2;
	_ =	sdelay $0x1  }
0x19: {  	s24 =	simm.s32 $0x1B8B  }
0x1a: {  	_ =	swait.ge [sflag:s24], $0x1  }
0x1b: {  	[sflag:s24] =	ssyncset.done $0x0  }
0x1c: {  	s26 =	simm.s32 $0x1B8E;
	s25 =	sld [smem:$0x3FFE];
	[sflag:s24] =	ssyncadd.s32 $0xFFFFFFFF  }
0x1d: {  	s27 =	simm.s32 $execute0_lowered;
	[smem:$0x3FD2] =	sst s26  }
0x1e: {  	s4 =	sshll.u32 s27, $0x1;
	_ =	strace $0x80000046;
	[dreg:$0x1] =	wrdreg $0xFFFFFFFF  }
0x1f: {  	s28 =	simm.s32 $_size_execute0_lowered;
	s1 =	sadd.s32 s1, s4;
	[dreg:$0x0] =	wrdreg $0x0  }
0x20: {  	s4 =	sshll.u32 s28, $0x1;
	[dreg:$0x2] =	wrdreg s1  }
0x21: {  	[dreg:$0x3] =	wrdreg s4  }
0x22: {  	[dreg:$0x4] =	wrdreg $0xC0  }
0x23: {  	_ =	task [dreg:s6], $0x5FFFF  }
0x24: {  	[dreg:$0x1] =	wrdreg $0xFFFFFFFF  }
0x25: {  	[dreg:$0x0] =	wrdreg $0x60  }
0x26: {  	[dreg:$0x2] =	wrdreg s25  }
0x27: {  	[dreg:$0x3] =	wrdreg $0x9  }
0x28: {  	_ =	task.clear_ibuf [dreg:s6], $0x4FFFF;
	_ =	strace $0x90000046  }
0x29: {  	s29 =	simm.s32 $0x9;
	_ =	strace $0x80000048  }
0x2a: {  	_ =	swait.ge [sflag:s29], $0x1  }
0x2b: {  	[sflag:s29] =	ssyncadd.s32 $0xFFFFFFFF  }
0x2c: {  	_ =	strace $0x90000048  }
0x2d: {  	_ =	sfence  }
0x2e: {  	s30 =	sld [smem:$0x0];
	_ =	sdelay $0x2  }
0x2f: {  	s31 =	sshll.u32 s3, $0xD;
	s3 =	sshrl.u32 s3, $0x2  }
0x30: {  	s2 =	sand.u32 $0x4000, s31;
	s1 =	sadd.s32 s3, s30  }
0x31: {  	s0 =	sor.u32 s2, s0;
	s1 =	sshll.u32 s1, $0x11  }
0x32: {  	s0 =	sor.u32 s1, s0  }
0x33: {  	s0 =	sadd.s32 $0x8F2B, s0  }
0x34: {  	[sflag:s0] =	ssyncadd.remote.s32 $0x1  }
0x35: {  	_ =	sfence.sel $0xFFFF  }
0x36: {  	[dreg:$0x0] =	wrdreg $0xFFFFFFFF;
	(pc) =	sbr.abs _section_cstart, $3  }
0x37: {  	[dreg:$0x1] =	wrdreg $0xFFFFFFFF  }
0x38: {  	_ =	task.clear_ibuf [dreg:s6], $0x2FFFF;
	_ =	strace $0x9FFFFFFF  }
0x39: {  	(tm) =	ssettm $0x7FFFFFFF  }
tec
execute0_lowered:
.L_overlay_start_1:
0x0: {  	(tag) =	ssettag $0x1  }
0x1: {  	s1 =	rddreg [dreg:$0x0]  }
0x2: {  	s0 =	rddreg [dreg:$0x1]  }
0x3: {  	_ =	strace $0x80000047;
	s4 =	srdreg.scid;
	s6 =	simm.s32 $0x2  }
0x4: {  	s11 =	simm.s32 $0x0;
	p0 =	por $0x0, $0x0;
	s7 =	simm.s32 $0x2000  }
.Ltmp0:
0x5: {  	s12 =	simm.s32 $0x0;
	s9 =	simm.s32 $0x0;
	(pc) =	sbr.rel .LBB1_1-.Ltmp0, $4  }
0x6: {  	s2 =	sadd.s32 $0x606400, s1;
	s3 =	sadd.s32 $0x6400, s1;
	s5 =	sshll.u32 s4, $0x4  }
0x7: {  	s1 =	stileid.u32;
	s4 =	simm.s32 $0x1;
	s5 =	sand.u32 $0x10, s5  }
0x8: {  	s8 =	simm.s32 $0x0;
	[sflag:s4] =	ssyncpa.u1 $0x0;
	s5 =	sor.u32 s1, s5  }
0x9: {  	[sflag:s6] =	ssyncpa.u1 $0x0;
	s6 =	simm.s32 $0x800;
	s10 =	smov.u32 s5  }
.LBB1_7:
0xa: {  	s13 =	sadd.s32 $0x10, s9  }
0xb: {  	s11 =	sadd.s32 $0x20, s10;
	s15 =	smov.u32 s10;
	p2 =	sgt.s32 s13, $0x3F  }
0xc: {  	p1 =	slt.u32 s8, $0x2;
	s15 =	smov.u32 @p2 s11  }
0xd: {  	s8 =	sadd.s32 $0x1, s8;
	s13 =	simm.s32 @p2 $0x0;
	p2 =	sgt.s32 s15, $0xFF  }
0xe: {  	s15 =	smov.u32 @p2 s5;
	p2 =	sne.s32 s8, $0x22  }
.Ltmp1:
0xf: {  	_ = 	snop;
	(pc) =	sbr.rel @!p2 .LBB1_8-.Ltmp1, $4  }
0x10: {  	s14 =	simm.s32 @!p1 $0x2  }
0x11: {  	s12 =	smov.u32 s10;
	_ =	swait.ge @!p1 [sflag:s14], $0x4000  }
0x12: {  	p0 =	por !p0, !p0;
	s11 =	smov.u32 s9;
	[sflag:s14] =	ssyncset.done @!p1 $0x0  }
0x13: {  	s9 =	smov.u32 s13;
	[sflag:s14] =	ssyncadd.s32 @!p1 $0xFFFFC000;
	s10 =	smov.u32 s15  }
.LBB1_1:
0x14: {  	p1 =	sgt.u32 s8, $0x1F  }
0x15: {  	s13 =	sxor.u32 @!p1 $0xFFFFFFFF, s8;
	s14 =	sshll.u32 @!p1 s10, $0xD  }
0x16: {  	s15 =	sshll.u32 @!p1 s9, $0x7;
	s13 =	sshll.u32 @!p1 s13, $0xE;
	s14 =	sadd.s32 @!p1 s2, s14  }
0x17: {  	s13 =	sand.u32 @!p1 $0x4000, s13;
	s14 =	sadd.s32 @!p1 s15, s14;
	s15 =	simm.s32 @!p1 $0x0  }
0x18: {  	[tilespmem:s13], [sflag:$0x1] =	stream.linear.gather @!p1 [hbm4b:s14+s15], $0x4000, $0x38;
	[tilespmem:$0x10000] =	vst v63  }
0x19: {  	p1 =	seq.s32 s8, $0x0  }
0x1a: {  	p2 =	seq.s32 @!p1 s8, $0x21  }
0x1b: {  	p1 =	por p1, p2  }
.Ltmp2:
0x1c: {  	_ = 	snop;
	(pc) =	sbr.rel @p1 .LBB1_7-.Ltmp2, $1  }
0x1d: {  	_ =	sdelay $0x3  }
0x1e: {  	s13 =	simm.s32 $0x1;
	_ =	swait.ge [sflag:s4], $0x4000;
	s16 =	sshll.u32 s8, $0xE  }
0x1f: {  	s13 =	simm.s32 @!p0 $0x0;
	[sflag:s4] =	ssyncset.done $0x0;
	s31 =	sand.u32 $0x4000, s16  }
0x20: {  	s16 =	simm.s32 $0x0;
	s14 =	sshll.u32 s13, $0xE;
	[sflag:s4] =	ssyncadd.s32 $0xFFFFC000  }
0x21: {  	s13 =	sor.u32 $0x8040, s14;
	s15 =	sor.u32 $0x40, s14;
	s14 =	sor.u32 $0x8000, s31  }
.LBB1_3:
0x22: {  	v0 =	vmov s15;
	_ =	sdelay $0x3  }
0x23: {  	s18 =	simm.s32 $0x0  }
0x24: {  	v6 =	vld.idx.msk [tilespmem:v0+s18+$0x30 ss:$0x1], $0xffff  }
0x25: {  	v7 =	vld.idx.msk [tilespmem:v0+s18+$0xFFFFFFC0 ss:$0x1], $0xffff  }
0x26: {  	v5 =	vld.idx.msk [tilespmem:v0+s18+$0xFFFFFFD0 ss:$0x1], $0xffff  }
0x27: {  	v4 =	vld.idx.msk [tilespmem:v0+s18+$0xFFFFFFE0 ss:$0x1], $0xffff  }
0x28: {  	v3 =	vld.idx.msk [tilespmem:v0+s18+$0xFFFFFFF0 ss:$0x1], $0xffff  }
0x29: {  	v1 =	vld.idx.msk [tilespmem:v0+s18+$0x0 ss:$0x1], $0xffff  }
0x2a: {  	v2 =	vld.idx.msk [tilespmem:v0+s18+$0x10 ss:$0x1], $0xffff;
	[tilespmem:s13+$0x30] =	vst v6  }
0x2b: {  	s17 =	simm.s32 $0x80;
	s19 =	simm.s32 $0x400;
	[tilespmem:s13+$0xFFFFFFC0] =	vst v7;
	v6 =	vld.idx.msk [tilespmem:v0+s18+$0x20 ss:$0x1], $0xffff;
	s18 =	smov.u32 s13  }
.LBB1_4:
0x2c: {  	p1 =	sne.s32 s19, $0xE00;
	v7 =	vld.idx.msk [tilespmem:v0+s17+$0x30 ss:$0x1], $0xffff;
	[tilespmem:s18+$0xFFFFFFD0] =	vst v5  }
0x2d: {  	v8 =	vld.idx.msk [tilespmem:v0+s17+$0xFFFFFFC0 ss:$0x1], $0xffff;
	[tilespmem:s18+$0xFFFFFFE0] =	vst v4  }
0x2e: {  	v5 =	vld.idx.msk [tilespmem:v0+s17+$0xFFFFFFD0 ss:$0x1], $0xffff;
	[tilespmem:s18+$0xFFFFFFF0] =	vst v3  }
.Ltmp3:
0x2f: {  	v4 =	vld.idx.msk [tilespmem:v0+s17+$0xFFFFFFE0 ss:$0x1], $0xffff;
	[tilespmem:s18+$0x0] =	vst v1;
	(pc) =	sbr.rel @p1 .LBB1_4-.Ltmp3, $4  }
0x30: {  	v3 =	vld.idx.msk [tilespmem:v0+s17+$0xFFFFFFF0 ss:$0x1], $0xffff;
	[tilespmem:s18+$0x10] =	vst v2  }
0x31: {  	v1 =	vld.idx.msk [tilespmem:v0+s17+$0x0 ss:$0x1], $0xffff;
	[tilespmem:s18+$0x20] =	vst v6;
	s18 =	sadd.s32 $0x800, s18  }
0x32: {  	v2 =	vld.idx.msk [tilespmem:v0+s17+$0x10 ss:$0x1], $0xffff;
	[tilespmem:s18+$0x30] =	vst v7  }
0x33: {  	[tilespmem:s18+$0xFFFFFFC0] =	vst v8;
	v6 =	vld.idx.msk [tilespmem:v0+s17+$0x20 ss:$0x1], $0xffff;
	s17 =	sshra.s32 s19, $0x2;
	s19 =	sadd.s32 $0x200, s19  }
0x34: {  	_ =	sdelay $0x2  }
0x35: {  	[tilespmem:s18+$0xFFFFFFD0] =	vst v5  }
0x36: {  	v56 =	vld.idx.msk [tilespmem:v0+s17+$0x30 ss:$0x1], $0xffff;
	[tilespmem:s18+$0xFFFFFFE0] =	vst v4  }
0x37: {  	v57 =	vld.idx.msk [tilespmem:v0+s17+$0xFFFFFFC0 ss:$0x1], $0xffff;
	[tilespmem:s18+$0xFFFFFFF0] =	vst v3  }
0x38: {  	v58 =	vld.idx.msk [tilespmem:v0+s17+$0xFFFFFFD0 ss:$0x1], $0xffff;
	[tilespmem:s18+$0x0] =	vst v1  }
0x39: {  	v59 =	vld.idx.msk [tilespmem:v0+s17+$0xFFFFFFE0 ss:$0x1], $0xffff;
	[tilespmem:s18+$0x10] =	vst v2  }
0x3a: {  	v60 =	vld.idx.msk [tilespmem:v0+s17+$0xFFFFFFF0 ss:$0x1], $0xffff;
	s31 =	sadd.s32 $0x800, s18;
	[tilespmem:s18+$0x20] =	vst v6  }
0x3b: {  	v61 =	vld.idx.msk [tilespmem:v0+s17+$0x0 ss:$0x1], $0xffff;
	[tilespmem:s31+$0x30] =	vst v56  }
0x3c: {  	v62 =	vld.idx.msk [tilespmem:v0+s17+$0x10 ss:$0x1], $0xffff;
	s16 =	sadd.s32 $0x1, s16;
	[tilespmem:s31+$0xFFFFFFC0] =	vst v57  }
0x3d: {  	v63 =	vld.idx.msk [tilespmem:v0+s17+$0x20 ss:$0x1], $0xffff;
	p1 =	sne.s32 s16, $0x10;
	[tilespmem:s31+$0xFFFFFFD0] =	vst v58  }
.Ltmp4:
0x3e: {  	[tilespmem:s31+$0xFFFFFFE0] =	vst v59;
	(pc) =	sbr.rel @p1 .LBB1_3-.Ltmp4, $4  }
0x3f: {  	[tilespmem:s31+$0xFFFFFFF0] =	vst v60  }
0x40: {  	[tilespmem:s31+$0x0] =	vst v61  }
0x41: {  	[tilespmem:s31+$0x10] =	vst v62  }
0x42: {  	s13 =	sadd.s32 $0x80, s13;
	s15 =	sadd.s32 $0x400, s15;
	[tilespmem:s31+$0x20] =	vst v63  }
.Ltmp5:
0x43: {  	(pc) =	sbr.rel .LBB1_7-.Ltmp5, $4  }
0x44: {  	s12 =	sshll.u32 s12, $0xD;
	s11 =	sshll.u32 s11, $0x4  }
0x45: {  	s11 =	sand.u32 $0x3F0, s11;
	s12 =	sadd.s32 s3, s12  }
0x46: {  	s11 =	sadd.s32 s11, s12  }
0x47: {  	[hbm4b:s11+s6] =	stream.strided.scatter [tilespmem:s14], [sflag:$0x2], $0x4000, s7, s6, $0x38;
	[tilespmem:$0x10000] =	vst v63  }
.LBB1_8:
0x48: {  	_ =	sfence.sel $0x180000  }
0x49: {  	s2 =	simm.s32 $0x1;
	[bflag:$0x0] =	sbarrier.arrive $0xFFFF  }
0x4a: {  	s31 =	simm.s32 $0x2;
	[sflag:s2] =	ssyncpa.u1 $0x1  }
0x4b: {  	[sflag:s31] =	ssyncpa.u1 $0x1  }
0x4c: {  	p0 =	sne.s32 s1, $0x0;
	_ =	strace $0x90000047  }
0x4d: {  	s0 =	sadd.s32 @!p0 $0x100000, s0;
	[bflag:$0x2] =	sbarrier.arrive $0xFFFF  }
0x4e: {  	[sflag:s0] =	ssyncadd.tile.s32 @!p0 $0x1;
	_ =	shalt  }
.Lfunc_end1:
_tile_overlayer_lowered:
.L_overlay_start_2:
0x4f: {  	(tag) =	ssettag $0x2  }
0x50: {  	s0 =	rddreg [dreg:$0x0];
	s2 =	stileid.u32  }
0x51: {  	s1 =	rddreg [dreg:$0x1];
	p0 =	sne.s32 s2, $0x0  }
0x52: {  	s3 =	rddreg [dreg:$0x2];
	[bflag:$0x3] =	sbarrier.arrive $0xFFFF;
	s2 =	simm.s32 @!p0 $0x1C01  }
0x53: {  	[timem:s3], [sflag:s2] =	dma.local @!p0 [hbm:s0], s1  }
0x54: {  	s0 =	simm.s32 @!p0 $0x1  }
0x55: {  	_ =	swait.ge @!p0 [sflag:s0], s1  }
0x56: {  	s1 =	ssub.s32 @!p0 $0x0, s1;
	[sflag:s0] =	ssyncset.done @!p0 $0x0  }
0x57: {  	[sflag:s0] =	ssyncadd.s32 @!p0 s1  }
0x58: {  	[bflag:$0x3] =	sbarrier.arrive $0xFFFF  }
0x59: {  	_ =	shalt  }

</sc_bundles>
